<compile_context>
chip_gen: v7x
topology: tpu7x:2x2x1
jax: 0.10.2.dev20260603
libtpu: 0.0.44.dev20260713+nightly
codegen_flags: <defaults>
</compile_context>

<pallas_src>
import functools

import jax
import jax.numpy as jnp
from jax import lax
from jax.experimental import pallas as pl
from jax.experimental.pallas import tpu as pltpu
from jax.experimental.pallas import tpu_sc as plsc

N_NODES = 10000
N_PAD = 10240
N_EDGES = 320000
LANES = 16
N_WORKERS = 32
EDGE_CHUNK = 6400
PACK_SHIFT = 14


def _pack_pairs(acc):
    half = acc.shape[0] // 2
    lo = lax.bitcast_convert_type(acc[:half].astype(jnp.bfloat16),
                                  jnp.uint16).astype(jnp.uint32)
    hi = lax.bitcast_convert_type(acc[half:].astype(jnp.bfloat16),
                                  jnp.uint16).astype(jnp.uint32)
    return lax.bitcast_convert_type((hi << 16) | lo, jnp.float32)


def _linear_t(in_t, W, b2d, relu_in, pair=False):
    d_in, n_p = in_t.shape
    d_out = W.shape[1]
    d_rows = d_out // 2 if pair else d_out
    n_b = 2560

    def body(in_ref, w_ref, b_ref, out_ref):
        xb = in_ref[...]
        if relu_in:
            xb = jnp.maximum(xb, 0.0)
        acc = lax.dot_general(w_ref[...], xb, (((0,), (0,)), ((), ())),
                              preferred_element_type=jnp.float32)
        acc = acc + b_ref[...]
        out_ref[...] = _pack_pairs(acc) if pair else acc

    return pl.pallas_call(
        body,
        grid=(n_p // n_b,),
        in_specs=[
            pl.BlockSpec((d_in, n_b), lambda i: (0, i)),
            pl.BlockSpec((d_in, d_out), lambda i: (0, 0)),
            pl.BlockSpec((d_out, 1), lambda i: (0, 0)),
        ],
        out_specs=pl.BlockSpec((d_rows, n_b), lambda i: (0, i)),
        out_shape=jax.ShapeDtypeStruct((d_rows, n_p), jnp.float32),
    )(in_t, W, b2d)


def _tail(a3_t, W4, b4, W5, b5, W6, b6):
    n_p = a3_t.shape[1]
    n_b = 2560

    def body(a_ref, w4_ref, b4_ref, w5_ref, b5_ref, w6_ref, b6_ref, out_ref):
        h = jnp.maximum(a_ref[...], 0.0)
        h = lax.dot_general(w4_ref[...], h, (((0,), (0,)), ((), ())),
                            preferred_element_type=jnp.float32) + b4_ref[...]
        h = jnp.maximum(h, 0.0)
        h = lax.dot_general(w5_ref[...], h, (((0,), (0,)), ((), ())),
                            preferred_element_type=jnp.float32) + b5_ref[...]
        h = jnp.maximum(h, 0.0)
        h = lax.dot_general(w6_ref[...], h, (((0,), (0,)), ((), ())),
                            preferred_element_type=jnp.float32) + b6_ref[...]
        out_ref[...] = h

    full = lambda i: (0, 0)
    return pl.pallas_call(
        body,
        grid=(n_p // n_b,),
        in_specs=[
            pl.BlockSpec((32, n_b), lambda i: (0, i)),
            pl.BlockSpec((32, 32), full), pl.BlockSpec((32, 1), full),
            pl.BlockSpec((32, 16), full), pl.BlockSpec((16, 1), full),
            pl.BlockSpec((16, 8), full), pl.BlockSpec((8, 1), full),
        ],
        out_specs=pl.BlockSpec((8, n_b), lambda i: (0, i)),
        out_shape=jax.ShapeDtypeStruct((8, n_p), jnp.float32),
    )(a3_t, W4, b4, W5, b5, W6, b6)


@functools.lru_cache(maxsize=None)
def _make_agg(d_feat, pair=False):
    n_rows = d_feat // 2 if pair else d_feat
    f_per_w = n_rows // N_WORKERS
    a_per_w = f_per_w * (2 if pair else 1)
    n_chunks = N_EDGES // EDGE_CHUNK
    mesh = plsc.VectorSubcoreMesh(core_axis_name="c", subcore_axis_name="s")

    @functools.partial(
        pl.kernel,
        out_type=jax.ShapeDtypeStruct((d_feat, N_PAD), jnp.float32),
        mesh=mesh,
        compiler_params=pltpu.CompilerParams(needs_layout_passes=False),
        scratch_types=[
            pltpu.VMEM((f_per_w * N_PAD,), jnp.float32),
            pltpu.VMEM((a_per_w * N_PAD,), jnp.float32),
            pltpu.VMEM((EDGE_CHUNK,), jnp.int32),
            pltpu.VMEM((EDGE_CHUNK,), jnp.float32),
            pltpu.VMEM((EDGE_CHUNK,), jnp.int32),
            pltpu.VMEM((EDGE_CHUNK,), jnp.float32),
            pltpu.SemaphoreType.DMA,
            pltpu.SemaphoreType.DMA,
        ],
    )
    def agg(h_hbm, eidx_hbm, w_hbm, out_hbm,
            tab_v, acc_v, e0_v, w0_v, e1_v, w1_v, sem0, sem1):
        cid = lax.axis_index("c")
        sid = lax.axis_index("s")
        wid = sid * 2 + cid
        base_f = wid * f_per_w

        bufs = ((e0_v, w0_v, sem0), (e1_v, w1_v, sem1))

        def issue(chunk, b):
            ev, wv, sem = bufs[b]
            off = chunk * EDGE_CHUNK
            pltpu.async_copy(eidx_hbm.at[pl.ds(off, EDGE_CHUNK)], ev, sem)
            pltpu.async_copy(w_hbm.at[pl.ds(off, EDGE_CHUNK)], wv, sem)

        def drain(b):
            ev, wv, sem = bufs[b]
            z = pl.ds(0, EDGE_CHUNK)
            pltpu.make_async_copy(eidx_hbm.at[z], ev, sem).wait()
            pltpu.make_async_copy(w_hbm.at[z], wv, sem).wait()

        issue(0, 0)
        issue(1, 1)

        for f in range(f_per_w):
            pltpu.sync_copy(h_hbm.at[base_f + f],
                            tab_v.at[pl.ds(f * N_PAD, N_PAD)])

        zeros = jnp.zeros((LANES,), jnp.float32)

        @pl.loop(0, a_per_w * N_PAD // LANES, unroll=8)
        def zero_body(j):
            acc_v[pl.ds(j * LANES, LANES)] = zeros

        lo_mask = jnp.full((LANES,), (1 << PACK_SHIFT) - 1, jnp.int32)
        hi_mask = jnp.full((LANES,), 0xFFFF0000, jnp.uint32)

        @pl.loop(0, n_chunks, step=2)
        def chunk_body(ci):
            for b in range(2):
                ev, wv, _ = bufs[b]
                chunk = ci + b
                drain(b)

                @plsc.parallel_loop(0, EDGE_CHUNK // LANES, unroll=4)
                def vec_body(i):
                    sl = pl.ds(i * LANES, LANES)
                    ei = ev[sl]
                    we = wv[sl]
                    si = lax.shift_right_logical(ei, PACK_SHIFT)
                    di = ei & lo_mask
                    for f in range(f_per_w):
                        g = plsc.load_gather(
                            tab_v.at[pl.ds(f * N_PAD, N_PAD)], [si])
                        if pair:
                            u = plsc.bitcast(g, jnp.uint32)
                            glo = plsc.bitcast(u << 16, jnp.float32)
                            ghi = plsc.bitcast(u & hi_mask, jnp.float32)
                            plsc.addupdate_scatter(
                                acc_v.at[pl.ds(f * N_PAD, N_PAD)],
                                [di], glo * we)
                            plsc.addupdate_scatter(
                                acc_v.at[pl.ds((f_per_w + f) * N_PAD, N_PAD)],
                                [di], ghi * we)
                        else:
                            plsc.addupdate_scatter(
                                acc_v.at[pl.ds(f * N_PAD, N_PAD)],
                                [di], g * we)

                @pl.when(chunk + 2 < n_chunks)
                def _():
                    issue(chunk + 2, b)

        for f in range(f_per_w):
            pltpu.sync_copy(acc_v.at[pl.ds(f * N_PAD, N_PAD)],
                            out_hbm.at[base_f + f])
        if pair:
            for f in range(f_per_w):
                pltpu.sync_copy(
                    acc_v.at[pl.ds((f_per_w + f) * N_PAD, N_PAD)],
                    out_hbm.at[n_rows + base_f + f])

    return agg


def kernel(x, edge_index, edge_weight, W1, b1, W2, b2, W3, b3,
           W4, b4, W5, b5, W6, b6):
    src = edge_index[1].astype(jnp.int32)
    dst = edge_index[0].astype(jnp.int32)
    eidx = (src << PACK_SHIFT) | dst
    w = edge_weight.astype(jnp.float32)

    x_t = jnp.pad(x, ((0, N_PAD - N_NODES), (0, 0))).T
    col = lambda b: b.reshape(-1, 1)

    h1 = _linear_t(x_t, W1, col(b1), relu_in=False, pair=True)
    a1 = _make_agg(128, pair=True)(h1, eidx, w)
    h2 = _linear_t(a1, W2, col(b2), relu_in=True, pair=True)
    a2 = _make_agg(64, pair=True)(h2, eidx, w)
    h3 = _linear_t(a2, W3, col(b3), relu_in=True)
    a3 = _make_agg(32)(h3, eidx, w)
    out_t = _tail(a3, W4, col(b4), W5, col(b5), W6, col(b6))
    return out_t[:, :N_NODES].T

# --- scband reference (transcript-rebuilt; emitter-appended) ---
"""Pipeline reference for scband-bayesian-gcn-37520834297969 (READ-ONLY COPY).

The authoritative reference and input builder live on the scoring server;
editing this copy changes nothing except your own understanding.
"""

import jax, jax.numpy as jnp
import numpy as np

N = 10000
E = 320000


def setup_inputs(seed: int = 0) -> dict:
    key = jax.random.key(seed)
    ks = jax.random.split(key, 16)
    x = jax.random.normal(ks[0], (N, 128), dtype=jnp.float32)
    edge_index = jax.random.randint(ks[1], (2, E), 0, N, dtype=jnp.int64)
    edge_weight = jax.random.uniform(ks[2], (E,), dtype=jnp.float32)
    # Bayesian linear layers: use fixed (mean) weights for a deterministic reference
    def lin(k, fin, fout):
        kw, kb = jax.random.split(k)
        W = jax.random.normal(kw, (fin, fout), dtype=jnp.float32) * (1.0 / np.sqrt(fin))
        b = jax.random.normal(kb, (fout,), dtype=jnp.float32) * 0.01
        return W, b
    W1, b1 = lin(ks[3], 128, 128)
    W2, b2 = lin(ks[4], 128, 64)
    W3, b3 = lin(ks[5], 64, 32)
    W4, b4 = lin(ks[6], 32, 32)
    W5, b5 = lin(ks[7], 32, 16)
    W6, b6 = lin(ks[8], 16, 8)
    return {"x": x, "edge_index": edge_index, "edge_weight": edge_weight,
            "W1": W1, "b1": b1, "W2": W2, "b2": b2, "W3": W3, "b3": b3,
            "W4": W4, "b4": b4, "W5": W5, "b5": b5, "W6": W6, "b6": b6}


def _gcn_layer(x, W, b, src, dst, w):
    h = x @ W + b                      # Linear
    msg = jnp.take(h, src, axis=0) * w[:, None]   # gather rows per edge
    return jax.ops.segment_sum(msg, dst, num_segments=N)  # sparse.mm(adj, h)


def reference(x, edge_index, edge_weight, W1, b1, W2, b2, W3, b3, W4, b4, W5, b5, W6, b6):
    src = edge_index[1]
    dst = edge_index[0]
    # eval mode: dropout is identity
    h = jax.nn.relu(_gcn_layer(x, W1, b1, src, dst, edge_weight))
    h = jax.nn.relu(_gcn_layer(h, W2, b2, src, dst, edge_weight))
    h = jax.nn.relu(_gcn_layer(h, W3, b3, src, dst, edge_weight))
    h = jax.nn.relu(h @ W4 + b4)
    h = jax.nn.relu(h @ W5 + b5)
    return h @ W6 + b6

if __name__ == "__main__":
    import jax
    _d = setup_inputs()
    print(jax.jit(kernel)(*tuple(_d.values())))

</pallas_src>

<mosaic_0001>
#map = affine_map<(d0, d1) -> (0, 0)>
#map1 = affine_map<(d0, d1) -> (0)>
module attributes {stable_mosaic.version = 14 : i64} {
  func.func @agg(%arg0: i32, %arg1: i32, %arg2: memref<64x10240xf32, #tpu.memory_space<hbm>>, %arg3: memref<320000xi32, #tpu.memory_space<hbm>>, %arg4: memref<320000xf32, #tpu.memory_space<hbm>>, %arg5: memref<128x10240xf32, #tpu.memory_space<hbm>>, %arg6: memref<20480xf32, #tpu.memory_space<vmem>>, %arg7: memref<40960xf32, #tpu.memory_space<vmem>>, %arg8: memref<6400xi32, #tpu.memory_space<vmem>>, %arg9: memref<6400xf32, #tpu.memory_space<vmem>>, %arg10: memref<6400xi32, #tpu.memory_space<vmem>>, %arg11: memref<6400xf32, #tpu.memory_space<vmem>>, %arg12: memref<!tpu.dma_semaphore, #tpu.memory_space<semaphore_mem>>, %arg13: memref<!tpu.dma_semaphore, #tpu.memory_space<semaphore_mem>>) attributes {dimension_semantics = [#tpu.dimension_semantics<core_parallel>, #tpu.dimension_semantics<subcore_parallel>], iteration_bounds = array<i64: 2, 16>, scalar_prefetch = 0 : i64, scratch_operands = 8 : i64, tpu.core_type = #tpu.core_type<sc_vector_subcore>, window_params = [{transform_indices = #map}, {transform_indices = #map1}, {transform_indices = #map1}, {transform_indices = #map}]} {
    %mul3A = arith.constant 2 : i32
    %mul3A_0 = arith.muli %arg1, %mul3A : i32
    %add3A = arith.addi %mul3A_0, %arg0 : i32
    %mul3A_1 = arith.constant 2 : i32
    %mul3A_2 = arith.muli %add3A, %mul3A_1 : i32
    %dma_start3A = arith.constant 0 : i32
    %dma_start3A_3 = tpu.memref_slice %arg3[%dma_start3A] : memref<320000xi32, #tpu.memory_space<hbm>> -> memref<6400xi32, #tpu.memory_space<hbm>>
    %dma_start3A_4 = arith.constant 0 : i32
    %dma_start3A_5 = tpu.memref_slice %arg3[%dma_start3A_4] : memref<320000xi32, #tpu.memory_space<hbm>> -> memref<6400xi32, #tpu.memory_space<hbm>>
    tpu.enqueue_dma source(%dma_start3A_5 : memref<6400xi32, #tpu.memory_space<hbm>>) target(%arg8 : memref<6400xi32, #tpu.memory_space<vmem>>) target_semaphore(%arg12 : memref<!tpu.dma_semaphore, #tpu.memory_space<semaphore_mem>>)
    %dma_start3A_6 = arith.constant 0 : i32
    %dma_start3A_7 = tpu.memref_slice %arg4[%dma_start3A_6] : memref<320000xf32, #tpu.memory_space<hbm>> -> memref<6400xf32, #tpu.memory_space<hbm>>
    %dma_start3A_8 = arith.constant 0 : i32
    %dma_start3A_9 = tpu.memref_slice %arg4[%dma_start3A_8] : memref<320000xf32, #tpu.memory_space<hbm>> -> memref<6400xf32, #tpu.memory_space<hbm>>
    tpu.enqueue_dma source(%dma_start3A_9 : memref<6400xf32, #tpu.memory_space<hbm>>) target(%arg9 : memref<6400xf32, #tpu.memory_space<vmem>>) target_semaphore(%arg12 : memref<!tpu.dma_semaphore, #tpu.memory_space<semaphore_mem>>)
    %dma_start3A_10 = arith.constant 6400 : i32
    %dma_start3A_11 = tpu.memref_slice %arg3[%dma_start3A_10] : memref<320000xi32, #tpu.memory_space<hbm>> -> memref<6400xi32, #tpu.memory_space<hbm>>
    %dma_start3A_12 = arith.constant 6400 : i32
    %dma_start3A_13 = tpu.memref_slice %arg3[%dma_start3A_12] : memref<320000xi32, #tpu.memory_space<hbm>> -> memref<6400xi32, #tpu.memory_space<hbm>>
    tpu.enqueue_dma source(%dma_start3A_13 : memref<6400xi32, #tpu.memory_space<hbm>>) target(%arg10 : memref<6400xi32, #tpu.memory_space<vmem>>) target_semaphore(%arg13 : memref<!tpu.dma_semaphore, #tpu.memory_space<semaphore_mem>>)
    %dma_start3A_14 = arith.constant 6400 : i32
    %dma_start3A_15 = tpu.memref_slice %arg4[%dma_start3A_14] : memref<320000xf32, #tpu.memory_space<hbm>> -> memref<6400xf32, #tpu.memory_space<hbm>>
    %dma_start3A_16 = arith.constant 6400 : i32
    %dma_start3A_17 = tpu.memref_slice %arg4[%dma_start3A_16] : memref<320000xf32, #tpu.memory_space<hbm>> -> memref<6400xf32, #tpu.memory_space<hbm>>
    tpu.enqueue_dma source(%dma_start3A_17 : memref<6400xf32, #tpu.memory_space<hbm>>) target(%arg11 : memref<6400xf32, #tpu.memory_space<vmem>>) target_semaphore(%arg13 : memref<!tpu.dma_semaphore, #tpu.memory_space<semaphore_mem>>)
    %add3A_18 = arith.constant 0 : i32
    %add3A_19 = arith.addi %mul3A_2, %add3A_18 : i32
    "tpu.region"() ({
      %run_scoped3A = tpu.sem_alloc : memref<!tpu.dma_semaphore, #tpu.memory_space<semaphore_mem>>
      %dma_start3A_48 = arith.constant 0 : i32
      %dma_start3A_49 = tpu.memref_slice %arg6[%dma_start3A_48] : memref<20480xf32, #tpu.memory_space<vmem>> -> memref<10240xf32, #tpu.memory_space<vmem>>
      %dma_start3A_50 = arith.constant 0 : i32
      %dma_start3A_51 = tpu.memref_slice %arg2[%add3A_19, %dma_start3A_50] : memref<64x10240xf32, #tpu.memory_space<hbm>> -> memref<1x10240xf32, #tpu.memory_space<hbm>>
      %dma_start3A_52 = tpu.memref_squeeze %dma_start3A_51 : memref<1x10240xf32, #tpu.memory_space<hbm>> -> memref<10240xf32, #tpu.memory_space<hbm>>
      %dma_start3A_53 = arith.constant 0 : i32
      %dma_start3A_54 = tpu.memref_slice %arg6[%dma_start3A_53] : memref<20480xf32, #tpu.memory_space<vmem>> -> memref<10240xf32, #tpu.memory_space<vmem>>
      %dma_start3A_55 = arith.constant 0 : i32
      %dma_start3A_56 = tpu.memref_slice %arg2[%add3A_19, %dma_start3A_55] : memref<64x10240xf32, #tpu.memory_space<hbm>> -> memref<1x10240xf32, #tpu.memory_space<hbm>>
      %dma_start3A_57 = tpu.memref_squeeze %dma_start3A_56 : memref<1x10240xf32, #tpu.memory_space<hbm>> -> memref<10240xf32, #tpu.memory_space<hbm>>
      tpu.enqueue_dma source(%dma_start3A_57 : memref<10240xf32, #tpu.memory_space<hbm>>) target(%dma_start3A_54 : memref<10240xf32, #tpu.memory_space<vmem>>) target_semaphore(%run_scoped3A : memref<!tpu.dma_semaphore, #tpu.memory_space<semaphore_mem>>)
      %dma_wait3A = arith.constant 0 : i32
      %dma_wait3A_58 = tpu.memref_slice %arg6[%dma_wait3A] : memref<20480xf32, #tpu.memory_space<vmem>> -> memref<10240xf32, #tpu.memory_space<vmem>>
      %dma_wait3A_59 = arith.constant 0 : i32
      %dma_wait3A_60 = tpu.memref_slice %arg2[%add3A_19, %dma_wait3A_59] : memref<64x10240xf32, #tpu.memory_space<hbm>> -> memref<1x10240xf32, #tpu.memory_space<hbm>>
      %dma_wait3A_61 = tpu.memref_squeeze %dma_wait3A_60 : memref<1x10240xf32, #tpu.memory_space<hbm>> -> memref<10240xf32, #tpu.memory_space<hbm>>
      %dma_wait3A_62 = arith.constant 0 : i32
      %dma_wait3A_63 = tpu.memref_slice %arg6[%dma_wait3A_62] : memref<20480xf32, #tpu.memory_space<vmem>> -> memref<10240xf32, #tpu.memory_space<vmem>>
      %dma_wait3A_64 = arith.constant 0 : i32
      %dma_wait3A_65 = tpu.memref_slice %arg2[%add3A_19, %dma_wait3A_64] : memref<64x10240xf32, #tpu.memory_space<hbm>> -> memref<1x10240xf32, #tpu.memory_space<hbm>>
      %dma_wait3A_66 = tpu.memref_squeeze %dma_wait3A_65 : memref<1x10240xf32, #tpu.memory_space<hbm>> -> memref<10240xf32, #tpu.memory_space<hbm>>
      tpu.wait_dma2 semaphore(%run_scoped3A : memref<!tpu.dma_semaphore, #tpu.memory_space<semaphore_mem>>) src(%dma_wait3A_66 : memref<10240xf32, #tpu.memory_space<hbm>>) dst(%dma_wait3A_63 : memref<10240xf32, #tpu.memory_space<vmem>>)
      tpu.yield
    }) : () -> ()
    %add3A_20 = arith.constant 1 : i32
    %add3A_21 = arith.addi %mul3A_2, %add3A_20 : i32
    "tpu.region"() ({
      %run_scoped3A = tpu.sem_alloc : memref<!tpu.dma_semaphore, #tpu.memory_space<semaphore_mem>>
      %dma_start3A_48 = arith.constant 10240 : i32
      %dma_start3A_49 = tpu.memref_slice %arg6[%dma_start3A_48] : memref<20480xf32, #tpu.memory_space<vmem>> -> memref<10240xf32, #tpu.memory_space<vmem>>
      %dma_start3A_50 = arith.constant 0 : i32
      %dma_start3A_51 = tpu.memref_slice %arg2[%add3A_21, %dma_start3A_50] : memref<64x10240xf32, #tpu.memory_space<hbm>> -> memref<1x10240xf32, #tpu.memory_space<hbm>>
      %dma_start3A_52 = tpu.memref_squeeze %dma_start3A_51 : memref<1x10240xf32, #tpu.memory_space<hbm>> -> memref<10240xf32, #tpu.memory_space<hbm>>
      %dma_start3A_53 = arith.constant 10240 : i32
      %dma_start3A_54 = tpu.memref_slice %arg6[%dma_start3A_53] : memref<20480xf32, #tpu.memory_space<vmem>> -> memref<10240xf32, #tpu.memory_space<vmem>>
      %dma_start3A_55 = arith.constant 0 : i32
      %dma_start3A_56 = tpu.memref_slice %arg2[%add3A_21, %dma_start3A_55] : memref<64x10240xf32, #tpu.memory_space<hbm>> -> memref<1x10240xf32, #tpu.memory_space<hbm>>
      %dma_start3A_57 = tpu.memref_squeeze %dma_start3A_56 : memref<1x10240xf32, #tpu.memory_space<hbm>> -> memref<10240xf32, #tpu.memory_space<hbm>>
      tpu.enqueue_dma source(%dma_start3A_57 : memref<10240xf32, #tpu.memory_space<hbm>>) target(%dma_start3A_54 : memref<10240xf32, #tpu.memory_space<vmem>>) target_semaphore(%run_scoped3A : memref<!tpu.dma_semaphore, #tpu.memory_space<semaphore_mem>>)
      %dma_wait3A = arith.constant 10240 : i32
      %dma_wait3A_58 = tpu.memref_slice %arg6[%dma_wait3A] : memref<20480xf32, #tpu.memory_space<vmem>> -> memref<10240xf32, #tpu.memory_space<vmem>>
      %dma_wait3A_59 = arith.constant 0 : i32
      %dma_wait3A_60 = tpu.memref_slice %arg2[%add3A_21, %dma_wait3A_59] : memref<64x10240xf32, #tpu.memory_space<hbm>> -> memref<1x10240xf32, #tpu.memory_space<hbm>>
      %dma_wait3A_61 = tpu.memref_squeeze %dma_wait3A_60 : memref<1x10240xf32, #tpu.memory_space<hbm>> -> memref<10240xf32, #tpu.memory_space<hbm>>
      %dma_wait3A_62 = arith.constant 10240 : i32
      %dma_wait3A_63 = tpu.memref_slice %arg6[%dma_wait3A_62] : memref<20480xf32, #tpu.memory_space<vmem>> -> memref<10240xf32, #tpu.memory_space<vmem>>
      %dma_wait3A_64 = arith.constant 0 : i32
      %dma_wait3A_65 = tpu.memref_slice %arg2[%add3A_21, %dma_wait3A_64] : memref<64x10240xf32, #tpu.memory_space<hbm>> -> memref<1x10240xf32, #tpu.memory_space<hbm>>
      %dma_wait3A_66 = tpu.memref_squeeze %dma_wait3A_65 : memref<1x10240xf32, #tpu.memory_space<hbm>> -> memref<10240xf32, #tpu.memory_space<hbm>>
      tpu.wait_dma2 semaphore(%run_scoped3A : memref<!tpu.dma_semaphore, #tpu.memory_space<semaphore_mem>>) src(%dma_wait3A_66 : memref<10240xf32, #tpu.memory_space<hbm>>) dst(%dma_wait3A_63 : memref<10240xf32, #tpu.memory_space<vmem>>)
      tpu.yield
    }) : () -> ()
    %broadcast_in_dim3A = arith.constant 0.000000e+00 : f32
    %broadcast_in_dim3A_22 = vector.broadcast %broadcast_in_dim3A : f32 to vector<16xf32>
    %scan3A = arith.constant 0 : i32
    %scan3A_23 = arith.constant 2560 : i32
    %scan3A_24 = arith.addi %scan3A, %scan3A_23 : i32
    %scan3A_25 = arith.constant 8 : i32
    scf.for %scan3A_48 = %scan3A to %scan3A_24 step %scan3A_25  : i32 {
      %mul3A_49 = arith.constant 1 : i32
      %mul3A_50 = arith.muli %scan3A_48, %mul3A_49 : i32
      %add3A_51 = arith.constant 0 : i32
      %add3A_52 = arith.addi %add3A_51, %mul3A_50 : i32
      %mul3A_53 = arith.constant 16 : i32
      %mul3A_54 = arith.muli %add3A_52, %mul3A_53 : i32
      %swap3A = arith.index_cast %mul3A_54 : i32 to index
      %swap3A_55 = tpu.vector_load %arg7[%swap3A] {strides = array<i32>} : memref<40960xf32, #tpu.memory_space<vmem>>, vector<16xf32>,
      tpu.vector_store %arg7[%swap3A], %broadcast_in_dim3A_22 {strides = array<i32>} : memref<40960xf32, #tpu.memory_space<vmem>>, vector<16xf32>,
      %scan3A_56 = arith.constant 1 : i32
      %scan3A_57 = arith.addi %scan3A_48, %scan3A_56 : i32
      %mul3A_58 = arith.constant 1 : i32
      %mul3A_59 = arith.muli %scan3A_57, %mul3A_58 : i32
      %add3A_60 = arith.constant 0 : i32
      %add3A_61 = arith.addi %add3A_60, %mul3A_59 : i32
      %mul3A_62 = arith.constant 16 : i32
      %mul3A_63 = arith.muli %add3A_61, %mul3A_62 : i32
      %swap3A_64 = arith.index_cast %mul3A_63 : i32 to index
      %swap3A_65 = tpu.vector_load %arg7[%swap3A_64] {strides = array<i32>} : memref<40960xf32, #tpu.memory_space<vmem>>, vector<16xf32>,
      tpu.vector_store %arg7[%swap3A_64], %broadcast_in_dim3A_22 {strides = array<i32>} : memref<40960xf32, #tpu.memory_space<vmem>>, vector<16xf32>,
      %scan3A_66 = arith.constant 2 : i32
      %scan3A_67 = arith.addi %scan3A_48, %scan3A_66 : i32
      %mul3A_68 = arith.constant 1 : i32
      %mul3A_69 = arith.muli %scan3A_67, %mul3A_68 : i32
      %add3A_70 = arith.constant 0 : i32
      %add3A_71 = arith.addi %add3A_70, %mul3A_69 : i32
      %mul3A_72 = arith.constant 16 : i32
      %mul3A_73 = arith.muli %add3A_71, %mul3A_72 : i32
      %swap3A_74 = arith.index_cast %mul3A_73 : i32 to index
      %swap3A_75 = tpu.vector_load %arg7[%swap3A_74] {strides = array<i32>} : memref<40960xf32, #tpu.memory_space<vmem>>, vector<16xf32>,
      tpu.vector_store %arg7[%swap3A_74], %broadcast_in_dim3A_22 {strides = array<i32>} : memref<40960xf32, #tpu.memory_space<vmem>>, vector<16xf32>,
      %scan3A_76 = arith.constant 3 : i32
      %scan3A_77 = arith.addi %scan3A_48, %scan3A_76 : i32
      %mul3A_78 = arith.constant 1 : i32
      %mul3A_79 = arith.muli %scan3A_77, %mul3A_78 : i32
      %add3A_80 = arith.constant 0 : i32
      %add3A_81 = arith.addi %add3A_80, %mul3A_79 : i32
      %mul3A_82 = arith.constant 16 : i32
      %mul3A_83 = arith.muli %add3A_81, %mul3A_82 : i32
      %swap3A_84 = arith.index_cast %mul3A_83 : i32 to index
      %swap3A_85 = tpu.vector_load %arg7[%swap3A_84] {strides = array<i32>} : memref<40960xf32, #tpu.memory_space<vmem>>, vector<16xf32>,
      tpu.vector_store %arg7[%swap3A_84], %broadcast_in_dim3A_22 {strides = array<i32>} : memref<40960xf32, #tpu.memory_space<vmem>>, vector<16xf32>,
      %scan3A_86 = arith.constant 4 : i32
      %scan3A_87 = arith.addi %scan3A_48, %scan3A_86 : i32
      %mul3A_88 = arith.constant 1 : i32
      %mul3A_89 = arith.muli %scan3A_87, %mul3A_88 : i32
      %add3A_90 = arith.constant 0 : i32
      %add3A_91 = arith.addi %add3A_90, %mul3A_89 : i32
      %mul3A_92 = arith.constant 16 : i32
      %mul3A_93 = arith.muli %add3A_91, %mul3A_92 : i32
      %swap3A_94 = arith.index_cast %mul3A_93 : i32 to index
      %swap3A_95 = tpu.vector_load %arg7[%swap3A_94] {strides = array<i32>} : memref<40960xf32, #tpu.memory_space<vmem>>, vector<16xf32>,
      tpu.vector_store %arg7[%swap3A_94], %broadcast_in_dim3A_22 {strides = array<i32>} : memref<40960xf32, #tpu.memory_space<vmem>>, vector<16xf32>,
      %scan3A_96 = arith.constant 5 : i32
      %scan3A_97 = arith.addi %scan3A_48, %scan3A_96 : i32
      %mul3A_98 = arith.constant 1 : i32
      %mul3A_99 = arith.muli %scan3A_97, %mul3A_98 : i32
      %add3A_100 = arith.constant 0 : i32
      %add3A_101 = arith.addi %add3A_100, %mul3A_99 : i32
      %mul3A_102 = arith.constant 16 : i32
      %mul3A_103 = arith.muli %add3A_101, %mul3A_102 : i32
      %swap3A_104 = arith.index_cast %mul3A_103 : i32 to index
      %swap3A_105 = tpu.vector_load %arg7[%swap3A_104] {strides = array<i32>} : memref<40960xf32, #tpu.memory_space<vmem>>, vector<16xf32>,
      tpu.vector_store %arg7[%swap3A_104], %broadcast_in_dim3A_22 {strides = array<i32>} : memref<40960xf32, #tpu.memory_space<vmem>>, vector<16xf32>,
      %scan3A_106 = arith.constant 6 : i32
      %scan3A_107 = arith.addi %scan3A_48, %scan3A_106 : i32
      %mul3A_108 = arith.constant 1 : i32
      %mul3A_109 = arith.muli %scan3A_107, %mul3A_108 : i32
      %add3A_110 = arith.constant 0 : i32
      %add3A_111 = arith.addi %add3A_110, %mul3A_109 : i32
      %mul3A_112 = arith.constant 16 : i32
      %mul3A_113 = arith.muli %add3A_111, %mul3A_112 : i32
      %swap3A_114 = arith.index_cast %mul3A_113 : i32 to index
      %swap3A_115 = tpu.vector_load %arg7[%swap3A_114] {strides = array<i32>} : memref<40960xf32, #tpu.memory_space<vmem>>, vector<16xf32>,
      tpu.vector_store %arg7[%swap3A_114], %broadcast_in_dim3A_22 {strides = array<i32>} : memref<40960xf32, #tpu.memory_space<vmem>>, vector<16xf32>,
      %scan3A_116 = arith.constant 7 : i32
      %scan3A_117 = arith.addi %scan3A_48, %scan3A_116 : i32
      %mul3A_118 = arith.constant 1 : i32
      %mul3A_119 = arith.muli %scan3A_117, %mul3A_118 : i32
      %add3A_120 = arith.constant 0 : i32
      %add3A_121 = arith.addi %add3A_120, %mul3A_119 : i32
      %mul3A_122 = arith.constant 16 : i32
      %mul3A_123 = arith.muli %add3A_121, %mul3A_122 : i32
      %swap3A_124 = arith.index_cast %mul3A_123 : i32 to index
      %swap3A_125 = tpu.vector_load %arg7[%swap3A_124] {strides = array<i32>} : memref<40960xf32, #tpu.memory_space<vmem>>, vector<16xf32>,
      tpu.vector_store %arg7[%swap3A_124], %broadcast_in_dim3A_22 {strides = array<i32>} : memref<40960xf32, #tpu.memory_space<vmem>>, vector<16xf32>,
    }
    %scan3A_26 = arith.constant 2560 : i32
    %broadcast_in_dim3A_27 = arith.constant 16383 : i32
    %broadcast_in_dim3A_28 = vector.broadcast %broadcast_in_dim3A_27 : i32 to vector<16xi32>
    %broadcast_in_dim3A_29 = arith.constant -65536 : i32
    %broadcast_in_dim3A_30 = vector.broadcast %broadcast_in_dim3A_29 : i32 to vector<16xi32>
    %scan3A_31 = arith.constant 0 : i32
    %scan3A_32 = arith.constant 25 : i32
    %scan3A_33 = arith.addi %scan3A_31, %scan3A_32 : i32
    %scan3A_34 = arith.constant 1 : i32
    scf.for %scan3A_48 = %scan3A_31 to %scan3A_33 step %scan3A_34  : i32 {
      %mul3A_49 = arith.constant 2 : i32
      %mul3A_50 = arith.muli %scan3A_48, %mul3A_49 : i32
      %add3A_51 = arith.constant 0 : i32
      %add3A_52 = arith.addi %add3A_51, %mul3A_50 : i32
      %add3A_53 = arith.constant 0 : i32
      %add3A_54 = arith.addi %add3A_52, %add3A_53 : i32
      %dma_wait3A = arith.constant 0 : i32
      %dma_wait3A_55 = tpu.memref_slice %arg3[%dma_wait3A] : memref<320000xi32, #tpu.memory_space<hbm>> -> memref<6400xi32, #tpu.memory_space<hbm>>
      %dma_wait3A_56 = arith.constant 0 : i32
      %dma_wait3A_57 = tpu.memref_slice %arg3[%dma_wait3A_56] : memref<320000xi32, #tpu.memory_space<hbm>> -> memref<6400xi32, #tpu.memory_space<hbm>>
      tpu.wait_dma2 semaphore(%arg12 : memref<!tpu.dma_semaphore, #tpu.memory_space<semaphore_mem>>) src(%dma_wait3A_57 : memref<6400xi32, #tpu.memory_space<hbm>>) dst(%arg8 : memref<6400xi32, #tpu.memory_space<vmem>>)
      %dma_wait3A_58 = arith.constant 0 : i32
      %dma_wait3A_59 = tpu.memref_slice %arg4[%dma_wait3A_58] : memref<320000xf32, #tpu.memory_space<hbm>> -> memref<6400xf32, #tpu.memory_space<hbm>>
      %dma_wait3A_60 = arith.constant 0 : i32
      %dma_wait3A_61 = tpu.memref_slice %arg4[%dma_wait3A_60] : memref<320000xf32, #tpu.memory_space<hbm>> -> memref<6400xf32, #tpu.memory_space<hbm>>
      tpu.wait_dma2 semaphore(%arg12 : memref<!tpu.dma_semaphore, #tpu.memory_space<semaphore_mem>>) src(%dma_wait3A_61 : memref<6400xf32, #tpu.memory_space<hbm>>) dst(%arg9 : memref<6400xf32, #tpu.memory_space<vmem>>)
      %parallel_loop3A = arith.constant 0 : i32
      %parallel_loop3A_62 = arith.constant 400 : i32
      %parallel_loop3A_63 = arith.constant 1 : i32
      scf.for %parallel_loop3A_88 = %parallel_loop3A to %parallel_loop3A_62 step %parallel_loop3A_63  : i32 {
        %parallel_loop3A_89 = arith.constant 16 : i32
        %parallel_loop3A_90 = arith.muli %parallel_loop3A_88, %parallel_loop3A_89 : i32
        %parallel_loop3A_91 = arith.index_cast %parallel_loop3A_90 : i32 to index
        %parallel_loop3A_92 = tpu.vector_load %arg8[%parallel_loop3A_91] {strides = array<i32>} : memref<6400xi32, #tpu.memory_space<vmem>>, vector<16xi32>,
        %parallel_loop3A_93 = arith.index_cast %parallel_loop3A_90 : i32 to index
        %parallel_loop3A_94 = tpu.vector_load %arg9[%parallel_loop3A_93] {strides = array<i32>} : memref<6400xf32, #tpu.memory_space<vmem>>, vector<16xf32>,
        %parallel_loop3A_95 = arith.constant 14 : i32
        %parallel_loop3A_96 = vector.broadcast %parallel_loop3A_95 : i32 to vector<16xi32>
        %parallel_loop3A_97 = arith.shrui %parallel_loop3A_92, %parallel_loop3A_96 : vector<16xi32>
        %parallel_loop3A_98 = arith.andi %parallel_loop3A_92, %broadcast_in_dim3A_28 : vector<16xi32>
        %parallel_loop3A_99 = arith.constant 0 : i32
        %parallel_loop3A_100 = tpu.memref_slice %arg6[%parallel_loop3A_99] : memref<20480xf32, #tpu.memory_space<vmem>> -> memref<10240xf32, #tpu.memory_space<vmem>>
        %parallel_loop3A_101 = tpu.vector_load_idx %parallel_loop3A_100[%parallel_loop3A_97] : memref<10240xf32, #tpu.memory_space<vmem>>[vector<16xi32>], vector<16xf32>,
        %parallel_loop3A_102 = vector.bitcast %parallel_loop3A_101 : vector<16xf32> to vector<16xi32>
        %parallel_loop3A_103 = arith.constant 16 : i32
        %parallel_loop3A_104 = vector.broadcast %parallel_loop3A_103 : i32 to vector<16xi32>
        %parallel_loop3A_105 = arith.shli %parallel_loop3A_102, %parallel_loop3A_104 : vector<16xi32>
        %parallel_loop3A_106 = vector.bitcast %parallel_loop3A_105 : vector<16xi32> to vector<16xf32>
        %parallel_loop3A_107 = arith.andi %parallel_loop3A_102, %broadcast_in_dim3A_30 : vector<16xi32>
        %parallel_loop3A_108 = vector.bitcast %parallel_loop3A_107 : vector<16xi32> to vector<16xf32>
        %parallel_loop3A_109 = arith.mulf %parallel_loop3A_106, %parallel_loop3A_94 : vector<16xf32>
        %parallel_loop3A_110 = arith.constant 0 : i32
        %parallel_loop3A_111 = tpu.memref_slice %arg7[%parallel_loop3A_110] : memref<40960xf32, #tpu.memory_space<vmem>> -> memref<10240xf32, #tpu.memory_space<vmem>>
        tpu.vector_store_idx %parallel_loop3A_111[%parallel_loop3A_98], %parallel_loop3A_109 {add = true} : memref<10240xf32, #tpu.memory_space<vmem>>[vector<16xi32>], vector<16xf32>,
        %parallel_loop3A_112 = arith.mulf %parallel_loop3A_108, %parallel_loop3A_94 : vector<16xf32>
        %parallel_loop3A_113 = arith.constant 20480 : i32
        %parallel_loop3A_114 = tpu.memref_slice %arg7[%parallel_loop3A_113] : memref<40960xf32, #tpu.memory_space<vmem>> -> memref<10240xf32, #tpu.memory_space<vmem>>
        tpu.vector_store_idx %parallel_loop3A_114[%parallel_loop3A_98], %parallel_loop3A_112 {add = true} : memref<10240xf32, #tpu.memory_space<vmem>>[vector<16xi32>], vector<16xf32>,
        %parallel_loop3A_115 = arith.constant 10240 : i32
        %parallel_loop3A_116 = tpu.memref_slice %arg6[%parallel_loop3A_115] : memref<20480xf32, #tpu.memory_space<vmem>> -> memref<10240xf32, #tpu.memory_space<vmem>>
        %parallel_loop3A_117 = tpu.vector_load_idx %parallel_loop3A_116[%parallel_loop3A_97] : memref<10240xf32, #tpu.memory_space<vmem>>[vector<16xi32>], vector<16xf32>,
        %parallel_loop3A_118 = vector.bitcast %parallel_loop3A_117 : vector<16xf32> to vector<16xi32>
        %parallel_loop3A_119 = arith.constant 16 : i32
        %parallel_loop3A_120 = vector.broadcast %parallel_loop3A_119 : i32 to vector<16xi32>
        %parallel_loop3A_121 = arith.shli %parallel_loop3A_118, %parallel_loop3A_120 : vector<16xi32>
        %parallel_loop3A_122 = vector.bitcast %parallel_loop3A_121 : vector<16xi32> to vector<16xf32>
        %parallel_loop3A_123 = arith.andi %parallel_loop3A_118, %broadcast_in_dim3A_30 : vector<16xi32>
        %parallel_loop3A_124 = vector.bitcast %parallel_loop3A_123 : vector<16xi32> to vector<16xf32>
        %parallel_loop3A_125 = arith.mulf %parallel_loop3A_122, %parallel_loop3A_94 : vector<16xf32>
        %parallel_loop3A_126 = arith.constant 10240 : i32
        %parallel_loop3A_127 = tpu.memref_slice %arg7[%parallel_loop3A_126] : memref<40960xf32, #tpu.memory_space<vmem>> -> memref<10240xf32, #tpu.memory_space<vmem>>
        tpu.vector_store_idx %parallel_loop3A_127[%parallel_loop3A_98], %parallel_loop3A_125 {add = true} : memref<10240xf32, #tpu.memory_space<vmem>>[vector<16xi32>], vector<16xf32>,
        %parallel_loop3A_128 = arith.mulf %parallel_loop3A_124, %parallel_loop3A_94 : vector<16xf32>
        %parallel_loop3A_129 = arith.constant 30720 : i32
        %parallel_loop3A_130 = tpu.memref_slice %arg7[%parallel_loop3A_129] : memref<40960xf32, #tpu.memory_space<vmem>> -> memref<10240xf32, #tpu.memory_space<vmem>>
        tpu.vector_store_idx %parallel_loop3A_130[%parallel_loop3A_98], %parallel_loop3A_128 {add = true} : memref<10240xf32, #tpu.memory_space<vmem>>[vector<16xi32>], vector<16xf32>,
      } {sc.loop_unroll_factor = 4 : i64, sc.parallel_access}
      %add3A_64 = arith.constant 2 : i32
      %add3A_65 = arith.addi %add3A_54, %add3A_64 : i32
      %lt3A = arith.constant 50 : i32
      %lt3A_66 = arith.cmpi slt, %add3A_65, %lt3A : i32
      %convert_element_type3A = arith.extui %lt3A_66 : i1 to i32
      %cond3A = arith.constant 0 : i32
      %cond3A_67 = arith.cmpi ne, %convert_element_type3A, %cond3A : i32
      scf.if %cond3A_67 {
        %add3A_88 = arith.constant 2 : i32
        %add3A_89 = arith.addi %add3A_54, %add3A_88 : i32
        %mul3A_90 = arith.constant 6400 : i32
        %mul3A_91 = arith.muli %add3A_89, %mul3A_90 : i32
        %dma_start3A_92 = tpu.memref_slice %arg3[%mul3A_91] : memref<320000xi32, #tpu.memory_space<hbm>> -> memref<6400xi32, #tpu.memory_space<hbm>>
        %dma_start3A_93 = tpu.memref_slice %arg3[%mul3A_91] : memref<320000xi32, #tpu.memory_space<hbm>> -> memref<6400xi32, #tpu.memory_space<hbm>>
        tpu.enqueue_dma source(%dma_start3A_93 : memref<6400xi32, #tpu.memory_space<hbm>>) target(%arg8 : memref<6400xi32, #tpu.memory_space<vmem>>) target_semaphore(%arg12 : memref<!tpu.dma_semaphore, #tpu.memory_space<semaphore_mem>>)
        %dma_start3A_94 = tpu.memref_slice %arg4[%mul3A_91] : memref<320000xf32, #tpu.memory_space<hbm>> -> memref<6400xf32, #tpu.memory_space<hbm>>
        %dma_start3A_95 = tpu.memref_slice %arg4[%mul3A_91] : memref<320000xf32, #tpu.memory_space<hbm>> -> memref<6400xf32, #tpu.memory_space<hbm>>
        tpu.enqueue_dma source(%dma_start3A_95 : memref<6400xf32, #tpu.memory_space<hbm>>) target(%arg9 : memref<6400xf32, #tpu.memory_space<vmem>>) target_semaphore(%arg12 : memref<!tpu.dma_semaphore, #tpu.memory_space<semaphore_mem>>)
      } else {
      }
      %add3A_68 = arith.constant 1 : i32
      %add3A_69 = arith.addi %add3A_52, %add3A_68 : i32
      %dma_wait3A_70 = arith.constant 0 : i32
      %dma_wait3A_71 = tpu.memref_slice %arg3[%dma_wait3A_70] : memref<320000xi32, #tpu.memory_space<hbm>> -> memref<6400xi32, #tpu.memory_space<hbm>>
      %dma_wait3A_72 = arith.constant 0 : i32
      %dma_wait3A_73 = tpu.memref_slice %arg3[%dma_wait3A_72] : memref<320000xi32, #tpu.memory_space<hbm>> -> memref<6400xi32, #tpu.memory_space<hbm>>
      tpu.wait_dma2 semaphore(%arg13 : memref<!tpu.dma_semaphore, #tpu.memory_space<semaphore_mem>>) src(%dma_wait3A_73 : memref<6400xi32, #tpu.memory_space<hbm>>) dst(%arg10 : memref<6400xi32, #tpu.memory_space<vmem>>)
      %dma_wait3A_74 = arith.constant 0 : i32
      %dma_wait3A_75 = tpu.memref_slice %arg4[%dma_wait3A_74] : memref<320000xf32, #tpu.memory_space<hbm>> -> memref<6400xf32, #tpu.memory_space<hbm>>
      %dma_wait3A_76 = arith.constant 0 : i32
      %dma_wait3A_77 = tpu.memref_slice %arg4[%dma_wait3A_76] : memref<320000xf32, #tpu.memory_space<hbm>> -> memref<6400xf32, #tpu.memory_space<hbm>>
      tpu.wait_dma2 semaphore(%arg13 : memref<!tpu.dma_semaphore, #tpu.memory_space<semaphore_mem>>) src(%dma_wait3A_77 : memref<6400xf32, #tpu.memory_space<hbm>>) dst(%arg11 : memref<6400xf32, #tpu.memory_space<vmem>>)
      %parallel_loop3A_78 = arith.constant 0 : i32
      %parallel_loop3A_79 = arith.constant 400 : i32
      %parallel_loop3A_80 = arith.constant 1 : i32
      scf.for %parallel_loop3A_88 = %parallel_loop3A_78 to %parallel_loop3A_79 step %parallel_loop3A_80  : i32 {
        %parallel_loop3A_89 = arith.constant 16 : i32
        %parallel_loop3A_90 = arith.muli %parallel_loop3A_88, %parallel_loop3A_89 : i32
        %parallel_loop3A_91 = arith.index_cast %parallel_loop3A_90 : i32 to index
        %parallel_loop3A_92 = tpu.vector_load %arg10[%parallel_loop3A_91] {strides = array<i32>} : memref<6400xi32, #tpu.memory_space<vmem>>, vector<16xi32>,
        %parallel_loop3A_93 = arith.index_cast %parallel_loop3A_90 : i32 to index
        %parallel_loop3A_94 = tpu.vector_load %arg11[%parallel_loop3A_93] {strides = array<i32>} : memref<6400xf32, #tpu.memory_space<vmem>>, vector<16xf32>,
        %parallel_loop3A_95 = arith.constant 14 : i32
        %parallel_loop3A_96 = vector.broadcast %parallel_loop3A_95 : i32 to vector<16xi32>
        %parallel_loop3A_97 = arith.shrui %parallel_loop3A_92, %parallel_loop3A_96 : vector<16xi32>
        %parallel_loop3A_98 = arith.andi %parallel_loop3A_92, %broadcast_in_dim3A_28 : vector<16xi32>
        %parallel_loop3A_99 = arith.constant 0 : i32
        %parallel_loop3A_100 = tpu.memref_slice %arg6[%parallel_loop3A_99] : memref<20480xf32, #tpu.memory_space<vmem>> -> memref<10240xf32, #tpu.memory_space<vmem>>
        %parallel_loop3A_101 = tpu.vector_load_idx %parallel_loop3A_100[%parallel_loop3A_97] : memref<10240xf32, #tpu.memory_space<vmem>>[vector<16xi32>], vector<16xf32>,
        %parallel_loop3A_102 = vector.bitcast %parallel_loop3A_101 : vector<16xf32> to vector<16xi32>
        %parallel_loop3A_103 = arith.constant 16 : i32
        %parallel_loop3A_104 = vector.broadcast %parallel_loop3A_103 : i32 to vector<16xi32>
        %parallel_loop3A_105 = arith.shli %parallel_loop3A_102, %parallel_loop3A_104 : vector<16xi32>
        %parallel_loop3A_106 = vector.bitcast %parallel_loop3A_105 : vector<16xi32> to vector<16xf32>
        %parallel_loop3A_107 = arith.andi %parallel_loop3A_102, %broadcast_in_dim3A_30 : vector<16xi32>
        %parallel_loop3A_108 = vector.bitcast %parallel_loop3A_107 : vector<16xi32> to vector<16xf32>
        %parallel_loop3A_109 = arith.mulf %parallel_loop3A_106, %parallel_loop3A_94 : vector<16xf32>
        %parallel_loop3A_110 = arith.constant 0 : i32
        %parallel_loop3A_111 = tpu.memref_slice %arg7[%parallel_loop3A_110] : memref<40960xf32, #tpu.memory_space<vmem>> -> memref<10240xf32, #tpu.memory_space<vmem>>
        tpu.vector_store_idx %parallel_loop3A_111[%parallel_loop3A_98], %parallel_loop3A_109 {add = true} : memref<10240xf32, #tpu.memory_space<vmem>>[vector<16xi32>], vector<16xf32>,
        %parallel_loop3A_112 = arith.mulf %parallel_loop3A_108, %parallel_loop3A_94 : vector<16xf32>
        %parallel_loop3A_113 = arith.constant 20480 : i32
        %parallel_loop3A_114 = tpu.memref_slice %arg7[%parallel_loop3A_113] : memref<40960xf32, #tpu.memory_space<vmem>> -> memref<10240xf32, #tpu.memory_space<vmem>>
        tpu.vector_store_idx %parallel_loop3A_114[%parallel_loop3A_98], %parallel_loop3A_112 {add = true} : memref<10240xf32, #tpu.memory_space<vmem>>[vector<16xi32>], vector<16xf32>,
        %parallel_loop3A_115 = arith.constant 10240 : i32
        %parallel_loop3A_116 = tpu.memref_slice %arg6[%parallel_loop3A_115] : memref<20480xf32, #tpu.memory_space<vmem>> -> memref<10240xf32, #tpu.memory_space<vmem>>
        %parallel_loop3A_117 = tpu.vector_load_idx %parallel_loop3A_116[%parallel_loop3A_97] : memref<10240xf32, #tpu.memory_space<vmem>>[vector<16xi32>], vector<16xf32>,
        %parallel_loop3A_118 = vector.bitcast %parallel_loop3A_117 : vector<16xf32> to vector<16xi32>
        %parallel_loop3A_119 = arith.constant 16 : i32
        %parallel_loop3A_120 = vector.broadcast %parallel_loop3A_119 : i32 to vector<16xi32>
        %parallel_loop3A_121 = arith.shli %parallel_loop3A_118, %parallel_loop3A_120 : vector<16xi32>
        %parallel_loop3A_122 = vector.bitcast %parallel_loop3A_121 : vector<16xi32> to vector<16xf32>
        %parallel_loop3A_123 = arith.andi %parallel_loop3A_118, %broadcast_in_dim3A_30 : vector<16xi32>
        %parallel_loop3A_124 = vector.bitcast %parallel_loop3A_123 : vector<16xi32> to vector<16xf32>
        %parallel_loop3A_125 = arith.mulf %parallel_loop3A_122, %parallel_loop3A_94 : vector<16xf32>
        %parallel_loop3A_126 = arith.constant 10240 : i32
        %parallel_loop3A_127 = tpu.memref_slice %arg7[%parallel_loop3A_126] : memref<40960xf32, #tpu.memory_space<vmem>> -> memref<10240xf32, #tpu.memory_space<vmem>>
        tpu.vector_store_idx %parallel_loop3A_127[%parallel_loop3A_98], %parallel_loop3A_125 {add = true} : memref<10240xf32, #tpu.memory_space<vmem>>[vector<16xi32>], vector<16xf32>,
        %parallel_loop3A_128 = arith.mulf %parallel_loop3A_124, %parallel_loop3A_94 : vector<16xf32>
        %parallel_loop3A_129 = arith.constant 30720 : i32
        %parallel_loop3A_130 = tpu.memref_slice %arg7[%parallel_loop3A_129] : memref<40960xf32, #tpu.memory_space<vmem>> -> memref<10240xf32, #tpu.memory_space<vmem>>
        tpu.vector_store_idx %parallel_loop3A_130[%parallel_loop3A_98], %parallel_loop3A_128 {add = true} : memref<10240xf32, #tpu.memory_space<vmem>>[vector<16xi32>], vector<16xf32>,
      } {sc.loop_unroll_factor = 4 : i64, sc.parallel_access}
      %add3A_81 = arith.constant 2 : i32
      %add3A_82 = arith.addi %add3A_69, %add3A_81 : i32
      %lt3A_83 = arith.constant 50 : i32
      %lt3A_84 = arith.cmpi slt, %add3A_82, %lt3A_83 : i32
      %convert_element_type3A_85 = arith.extui %lt3A_84 : i1 to i32
      %cond3A_86 = arith.constant 0 : i32
      %cond3A_87 = arith.cmpi ne, %convert_element_type3A_85, %cond3A_86 : i32
      scf.if %cond3A_87 {
        %add3A_88 = arith.constant 2 : i32
        %add3A_89 = arith.addi %add3A_69, %add3A_88 : i32
        %mul3A_90 = arith.constant 6400 : i32
        %mul3A_91 = arith.muli %add3A_89, %mul3A_90 : i32
        %dma_start3A_92 = tpu.memref_slice %arg3[%mul3A_91] : memref<320000xi32, #tpu.memory_space<hbm>> -> memref<6400xi32, #tpu.memory_space<hbm>>
        %dma_start3A_93 = tpu.memref_slice %arg3[%mul3A_91] : memref<320000xi32, #tpu.memory_space<hbm>> -> memref<6400xi32, #tpu.memory_space<hbm>>
        tpu.enqueue_dma source(%dma_start3A_93 : memref<6400xi32, #tpu.memory_space<hbm>>) target(%arg10 : memref<6400xi32, #tpu.memory_space<vmem>>) target_semaphore(%arg13 : memref<!tpu.dma_semaphore, #tpu.memory_space<semaphore_mem>>)
        %dma_start3A_94 = tpu.memref_slice %arg4[%mul3A_91] : memref<320000xf32, #tpu.memory_space<hbm>> -> memref<6400xf32, #tpu.memory_space<hbm>>
        %dma_start3A_95 = tpu.memref_slice %arg4[%mul3A_91] : memref<320000xf32, #tpu.memory_space<hbm>> -> memref<6400xf32, #tpu.memory_space<hbm>>
        tpu.enqueue_dma source(%dma_start3A_95 : memref<6400xf32, #tpu.memory_space<hbm>>) target(%arg11 : memref<6400xf32, #tpu.memory_space<vmem>>) target_semaphore(%arg13 : memref<!tpu.dma_semaphore, #tpu.memory_space<semaphore_mem>>)
      } else {
      }
    }
    %scan3A_35 = arith.constant 25 : i32
    %add3A_36 = arith.constant 0 : i32
    %add3A_37 = arith.addi %mul3A_2, %add3A_36 : i32
    "tpu.region"() ({
      %run_scoped3A = tpu.sem_alloc : memref<!tpu.dma_semaphore, #tpu.memory_space<semaphore_mem>>
      %dma_start3A_48 = arith.constant 0 : i32
      %dma_start3A_49 = tpu.memref_slice %arg7[%dma_start3A_48] : memref<40960xf32, #tpu.memory_space<vmem>> -> memref<10240xf32, #tpu.memory_space<vmem>>
      %dma_start3A_50 = arith.constant 0 : i32
      %dma_start3A_51 = tpu.memref_slice %arg5[%add3A_37, %dma_start3A_50] : memref<128x10240xf32, #tpu.memory_space<hbm>> -> memref<1x10240xf32, #tpu.memory_space<hbm>>
      %dma_start3A_52 = tpu.memref_squeeze %dma_start3A_51 : memref<1x10240xf32, #tpu.memory_space<hbm>> -> memref<10240xf32, #tpu.memory_space<hbm>>
      %dma_start3A_53 = arith.constant 0 : i32
      %dma_start3A_54 = tpu.memref_slice %arg5[%add3A_37, %dma_start3A_53] : memref<128x10240xf32, #tpu.memory_space<hbm>> -> memref<1x10240xf32, #tpu.memory_space<hbm>>
      %dma_start3A_55 = tpu.memref_squeeze %dma_start3A_54 : memref<1x10240xf32, #tpu.memory_space<hbm>> -> memref<10240xf32, #tpu.memory_space<hbm>>
      %dma_start3A_56 = arith.constant 0 : i32
      %dma_start3A_57 = tpu.memref_slice %arg7[%dma_start3A_56] : memref<40960xf32, #tpu.memory_space<vmem>> -> memref<10240xf32, #tpu.memory_space<vmem>>
      tpu.enqueue_dma source(%dma_start3A_57 : memref<10240xf32, #tpu.memory_space<vmem>>) target(%dma_start3A_55 : memref<10240xf32, #tpu.memory_space<hbm>>) target_semaphore(%run_scoped3A : memref<!tpu.dma_semaphore, #tpu.memory_space<semaphore_mem>>)
      %dma_wait3A = arith.constant 0 : i32
      %dma_wait3A_58 = tpu.memref_slice %arg7[%dma_wait3A] : memref<40960xf32, #tpu.memory_space<vmem>> -> memref<10240xf32, #tpu.memory_space<vmem>>
      %dma_wait3A_59 = arith.constant 0 : i32
      %dma_wait3A_60 = tpu.memref_slice %arg5[%add3A_37, %dma_wait3A_59] : memref<128x10240xf32, #tpu.memory_space<hbm>> -> memref<1x10240xf32, #tpu.memory_space<hbm>>
      %dma_wait3A_61 = tpu.memref_squeeze %dma_wait3A_60 : memref<1x10240xf32, #tpu.memory_space<hbm>> -> memref<10240xf32, #tpu.memory_space<hbm>>
      %dma_wait3A_62 = arith.constant 0 : i32
      %dma_wait3A_63 = tpu.memref_slice %arg5[%add3A_37, %dma_wait3A_62] : memref<128x10240xf32, #tpu.memory_space<hbm>> -> memref<1x10240xf32, #tpu.memory_space<hbm>>
      %dma_wait3A_64 = tpu.memref_squeeze %dma_wait3A_63 : memref<1x10240xf32, #tpu.memory_space<hbm>> -> memref<10240xf32, #tpu.memory_space<hbm>>
      %dma_wait3A_65 = arith.constant 0 : i32
      %dma_wait3A_66 = tpu.memref_slice %arg7[%dma_wait3A_65] : memref<40960xf32, #tpu.memory_space<vmem>> -> memref<10240xf32, #tpu.memory_space<vmem>>
      tpu.wait_dma2 semaphore(%run_scoped3A : memref<!tpu.dma_semaphore, #tpu.memory_space<semaphore_mem>>) src(%dma_wait3A_66 : memref<10240xf32, #tpu.memory_space<vmem>>) dst(%dma_wait3A_64 : memref<10240xf32, #tpu.memory_space<hbm>>)
      tpu.yield
    }) : () -> ()
    %add3A_38 = arith.constant 1 : i32
    %add3A_39 = arith.addi %mul3A_2, %add3A_38 : i32
    "tpu.region"() ({
      %run_scoped3A = tpu.sem_alloc : memref<!tpu.dma_semaphore, #tpu.memory_space<semaphore_mem>>
      %dma_start3A_48 = arith.constant 10240 : i32
      %dma_start3A_49 = tpu.memref_slice %arg7[%dma_start3A_48] : memref<40960xf32, #tpu.memory_space<vmem>> -> memref<10240xf32, #tpu.memory_space<vmem>>
      %dma_start3A_50 = arith.constant 0 : i32
      %dma_start3A_51 = tpu.memref_slice %arg5[%add3A_39, %dma_start3A_50] : memref<128x10240xf32, #tpu.memory_space<hbm>> -> memref<1x10240xf32, #tpu.memory_space<hbm>>
      %dma_start3A_52 = tpu.memref_squeeze %dma_start3A_51 : memref<1x10240xf32, #tpu.memory_space<hbm>> -> memref<10240xf32, #tpu.memory_space<hbm>>
      %dma_start3A_53 = arith.constant 0 : i32
      %dma_start3A_54 = tpu.memref_slice %arg5[%add3A_39, %dma_start3A_53] : memref<128x10240xf32, #tpu.memory_space<hbm>> -> memref<1x10240xf32, #tpu.memory_space<hbm>>
      %dma_start3A_55 = tpu.memref_squeeze %dma_start3A_54 : memref<1x10240xf32, #tpu.memory_space<hbm>> -> memref<10240xf32, #tpu.memory_space<hbm>>
      %dma_start3A_56 = arith.constant 10240 : i32
      %dma_start3A_57 = tpu.memref_slice %arg7[%dma_start3A_56] : memref<40960xf32, #tpu.memory_space<vmem>> -> memref<10240xf32, #tpu.memory_space<vmem>>
      tpu.enqueue_dma source(%dma_start3A_57 : memref<10240xf32, #tpu.memory_space<vmem>>) target(%dma_start3A_55 : memref<10240xf32, #tpu.memory_space<hbm>>) target_semaphore(%run_scoped3A : memref<!tpu.dma_semaphore, #tpu.memory_space<semaphore_mem>>)
      %dma_wait3A = arith.constant 10240 : i32
      %dma_wait3A_58 = tpu.memref_slice %arg7[%dma_wait3A] : memref<40960xf32, #tpu.memory_space<vmem>> -> memref<10240xf32, #tpu.memory_space<vmem>>
      %dma_wait3A_59 = arith.constant 0 : i32
      %dma_wait3A_60 = tpu.memref_slice %arg5[%add3A_39, %dma_wait3A_59] : memref<128x10240xf32, #tpu.memory_space<hbm>> -> memref<1x10240xf32, #tpu.memory_space<hbm>>
      %dma_wait3A_61 = tpu.memref_squeeze %dma_wait3A_60 : memref<1x10240xf32, #tpu.memory_space<hbm>> -> memref<10240xf32, #tpu.memory_space<hbm>>
      %dma_wait3A_62 = arith.constant 0 : i32
      %dma_wait3A_63 = tpu.memref_slice %arg5[%add3A_39, %dma_wait3A_62] : memref<128x10240xf32, #tpu.memory_space<hbm>> -> memref<1x10240xf32, #tpu.memory_space<hbm>>
      %dma_wait3A_64 = tpu.memref_squeeze %dma_wait3A_63 : memref<1x10240xf32, #tpu.memory_space<hbm>> -> memref<10240xf32, #tpu.memory_space<hbm>>
      %dma_wait3A_65 = arith.constant 10240 : i32
      %dma_wait3A_66 = tpu.memref_slice %arg7[%dma_wait3A_65] : memref<40960xf32, #tpu.memory_space<vmem>> -> memref<10240xf32, #tpu.memory_space<vmem>>
      tpu.wait_dma2 semaphore(%run_scoped3A : memref<!tpu.dma_semaphore, #tpu.memory_space<semaphore_mem>>) src(%dma_wait3A_66 : memref<10240xf32, #tpu.memory_space<vmem>>) dst(%dma_wait3A_64 : memref<10240xf32, #tpu.memory_space<hbm>>)
      tpu.yield
    }) : () -> ()
    %add3A_40 = arith.constant 64 : i32
    %add3A_41 = arith.addi %add3A_40, %mul3A_2 : i32
    %add3A_42 = arith.constant 0 : i32
    %add3A_43 = arith.addi %add3A_41, %add3A_42 : i32
    "tpu.region"() ({
      %run_scoped3A = tpu.sem_alloc : memref<!tpu.dma_semaphore, #tpu.memory_space<semaphore_mem>>
      %dma_start3A_48 = arith.constant 20480 : i32
      %dma_start3A_49 = tpu.memref_slice %arg7[%dma_start3A_48] : memref<40960xf32, #tpu.memory_space<vmem>> -> memref<10240xf32, #tpu.memory_space<vmem>>
      %dma_start3A_50 = arith.constant 0 : i32
      %dma_start3A_51 = tpu.memref_slice %arg5[%add3A_43, %dma_start3A_50] : memref<128x10240xf32, #tpu.memory_space<hbm>> -> memref<1x10240xf32, #tpu.memory_space<hbm>>
      %dma_start3A_52 = tpu.memref_squeeze %dma_start3A_51 : memref<1x10240xf32, #tpu.memory_space<hbm>> -> memref<10240xf32, #tpu.memory_space<hbm>>
      %dma_start3A_53 = arith.constant 0 : i32
      %dma_start3A_54 = tpu.memref_slice %arg5[%add3A_43, %dma_start3A_53] : memref<128x10240xf32, #tpu.memory_space<hbm>> -> memref<1x10240xf32, #tpu.memory_space<hbm>>
      %dma_start3A_55 = tpu.memref_squeeze %dma_start3A_54 : memref<1x10240xf32, #tpu.memory_space<hbm>> -> memref<10240xf32, #tpu.memory_space<hbm>>
      %dma_start3A_56 = arith.constant 20480 : i32
      %dma_start3A_57 = tpu.memref_slice %arg7[%dma_start3A_56] : memref<40960xf32, #tpu.memory_space<vmem>> -> memref<10240xf32, #tpu.memory_space<vmem>>
      tpu.enqueue_dma source(%dma_start3A_57 : memref<10240xf32, #tpu.memory_space<vmem>>) target(%dma_start3A_55 : memref<10240xf32, #tpu.memory_space<hbm>>) target_semaphore(%run_scoped3A : memref<!tpu.dma_semaphore, #tpu.memory_space<semaphore_mem>>)
      %dma_wait3A = arith.constant 20480 : i32
      %dma_wait3A_58 = tpu.memref_slice %arg7[%dma_wait3A] : memref<40960xf32, #tpu.memory_space<vmem>> -> memref<10240xf32, #tpu.memory_space<vmem>>
      %dma_wait3A_59 = arith.constant 0 : i32
      %dma_wait3A_60 = tpu.memref_slice %arg5[%add3A_43, %dma_wait3A_59] : memref<128x10240xf32, #tpu.memory_space<hbm>> -> memref<1x10240xf32, #tpu.memory_space<hbm>>
      %dma_wait3A_61 = tpu.memref_squeeze %dma_wait3A_60 : memref<1x10240xf32, #tpu.memory_space<hbm>> -> memref<10240xf32, #tpu.memory_space<hbm>>
      %dma_wait3A_62 = arith.constant 0 : i32
      %dma_wait3A_63 = tpu.memref_slice %arg5[%add3A_43, %dma_wait3A_62] : memref<128x10240xf32, #tpu.memory_space<hbm>> -> memref<1x10240xf32, #tpu.memory_space<hbm>>
      %dma_wait3A_64 = tpu.memref_squeeze %dma_wait3A_63 : memref<1x10240xf32, #tpu.memory_space<hbm>> -> memref<10240xf32, #tpu.memory_space<hbm>>
      %dma_wait3A_65 = arith.constant 20480 : i32
      %dma_wait3A_66 = tpu.memref_slice %arg7[%dma_wait3A_65] : memref<40960xf32, #tpu.memory_space<vmem>> -> memref<10240xf32, #tpu.memory_space<vmem>>
      tpu.wait_dma2 semaphore(%run_scoped3A : memref<!tpu.dma_semaphore, #tpu.memory_space<semaphore_mem>>) src(%dma_wait3A_66 : memref<10240xf32, #tpu.memory_space<vmem>>) dst(%dma_wait3A_64 : memref<10240xf32, #tpu.memory_space<hbm>>)
      tpu.yield
    }) : () -> ()
    %add3A_44 = arith.constant 64 : i32
    %add3A_45 = arith.addi %add3A_44, %mul3A_2 : i32
    %add3A_46 = arith.constant 1 : i32
    %add3A_47 = arith.addi %add3A_45, %add3A_46 : i32
    "tpu.region"() ({
      %run_scoped3A = tpu.sem_alloc : memref<!tpu.dma_semaphore, #tpu.memory_space<semaphore_mem>>
      %dma_start3A_48 = arith.constant 30720 : i32
      %dma_start3A_49 = tpu.memref_slice %arg7[%dma_start3A_48] : memref<40960xf32, #tpu.memory_space<vmem>> -> memref<10240xf32, #tpu.memory_space<vmem>>
      %dma_start3A_50 = arith.constant 0 : i32
      %dma_start3A_51 = tpu.memref_slice %arg5[%add3A_47, %dma_start3A_50] : memref<128x10240xf32, #tpu.memory_space<hbm>> -> memref<1x10240xf32, #tpu.memory_space<hbm>>
      %dma_start3A_52 = tpu.memref_squeeze %dma_start3A_51 : memref<1x10240xf32, #tpu.memory_space<hbm>> -> memref<10240xf32, #tpu.memory_space<hbm>>
      %dma_start3A_53 = arith.constant 0 : i32
      %dma_start3A_54 = tpu.memref_slice %arg5[%add3A_47, %dma_start3A_53] : memref<128x10240xf32, #tpu.memory_space<hbm>> -> memref<1x10240xf32, #tpu.memory_space<hbm>>
      %dma_start3A_55 = tpu.memref_squeeze %dma_start3A_54 : memref<1x10240xf32, #tpu.memory_space<hbm>> -> memref<10240xf32, #tpu.memory_space<hbm>>
      %dma_start3A_56 = arith.constant 30720 : i32
      %dma_start3A_57 = tpu.memref_slice %arg7[%dma_start3A_56] : memref<40960xf32, #tpu.memory_space<vmem>> -> memref<10240xf32, #tpu.memory_space<vmem>>
      tpu.enqueue_dma source(%dma_start3A_57 : memref<10240xf32, #tpu.memory_space<vmem>>) target(%dma_start3A_55 : memref<10240xf32, #tpu.memory_space<hbm>>) target_semaphore(%run_scoped3A : memref<!tpu.dma_semaphore, #tpu.memory_space<semaphore_mem>>)
      %dma_wait3A = arith.constant 30720 : i32
      %dma_wait3A_58 = tpu.memref_slice %arg7[%dma_wait3A] : memref<40960xf32, #tpu.memory_space<vmem>> -> memref<10240xf32, #tpu.memory_space<vmem>>
      %dma_wait3A_59 = arith.constant 0 : i32
      %dma_wait3A_60 = tpu.memref_slice %arg5[%add3A_47, %dma_wait3A_59] : memref<128x10240xf32, #tpu.memory_space<hbm>> -> memref<1x10240xf32, #tpu.memory_space<hbm>>
      %dma_wait3A_61 = tpu.memref_squeeze %dma_wait3A_60 : memref<1x10240xf32, #tpu.memory_space<hbm>> -> memref<10240xf32, #tpu.memory_space<hbm>>
      %dma_wait3A_62 = arith.constant 0 : i32
      %dma_wait3A_63 = tpu.memref_slice %arg5[%add3A_47, %dma_wait3A_62] : memref<128x10240xf32, #tpu.memory_space<hbm>> -> memref<1x10240xf32, #tpu.memory_space<hbm>>
      %dma_wait3A_64 = tpu.memref_squeeze %dma_wait3A_63 : memref<1x10240xf32, #tpu.memory_space<hbm>> -> memref<10240xf32, #tpu.memory_space<hbm>>
      %dma_wait3A_65 = arith.constant 30720 : i32
      %dma_wait3A_66 = tpu.memref_slice %arg7[%dma_wait3A_65] : memref<40960xf32, #tpu.memory_space<vmem>> -> memref<10240xf32, #tpu.memory_space<vmem>>
      tpu.wait_dma2 semaphore(%run_scoped3A : memref<!tpu.dma_semaphore, #tpu.memory_space<semaphore_mem>>) src(%dma_wait3A_66 : memref<10240xf32, #tpu.memory_space<vmem>>) dst(%dma_wait3A_64 : memref<10240xf32, #tpu.memory_space<hbm>>)
      tpu.yield
    }) : () -> ()
    return
  }
}

#map = affine_map<(d0, d1) -> (0, 0)>
#map1 = affine_map<(d0, d1) -> (0)>
module attributes {stable_mosaic.version = 14 : i64} {
  func.func @agg(%arg0: i32, %arg1: i32, %arg2: memref<32x10240xf32, #tpu.memory_space<hbm>>, %arg3: memref<320000xi32, #tpu.memory_space<hbm>>, %arg4: memref<320000xf32, #tpu.memory_space<hbm>>, %arg5: memref<32x10240xf32, #tpu.memory_space<hbm>>, %arg6: memref<10240xf32, #tpu.memory_space<vmem>>, %arg7: memref<10240xf32, #tpu.memory_space<vmem>>, %arg8: memref<6400xi32, #tpu.memory_space<vmem>>, %arg9: memref<6400xf32, #tpu.memory_space<vmem>>, %arg10: memref<6400xi32, #tpu.memory_space<vmem>>, %arg11: memref<6400xf32, #tpu.memory_space<vmem>>, %arg12: memref<!tpu.dma_semaphore, #tpu.memory_space<semaphore_mem>>, %arg13: memref<!tpu.dma_semaphore, #tpu.memory_space<semaphore_mem>>) attributes {dimension_semantics = [#tpu.dimension_semantics<core_parallel>, #tpu.dimension_semantics<subcore_parallel>], iteration_bounds = array<i64: 2, 16>, scalar_prefetch = 0 : i64, scratch_operands = 8 : i64, tpu.core_type = #tpu.core_type<sc_vector_subcore>, window_params = [{transform_indices = #map}, {transform_indices = #map1}, {transform_indices = #map1}, {transform_indices = #map}]} {
    %mul3A = arith.constant 2 : i32
    %mul3A_0 = arith.muli %arg1, %mul3A : i32
    %add3A = arith.addi %mul3A_0, %arg0 : i32
    %mul3A_1 = arith.constant 1 : i32
    %mul3A_2 = arith.muli %add3A, %mul3A_1 : i32
    %dma_start3A = arith.constant 0 : i32
    %dma_start3A_3 = tpu.memref_slice %arg3[%dma_start3A] : memref<320000xi32, #tpu.memory_space<hbm>> -> memref<6400xi32, #tpu.memory_space<hbm>>
    %dma_start3A_4 = arith.constant 0 : i32
    %dma_start3A_5 = tpu.memref_slice %arg3[%dma_start3A_4] : memref<320000xi32, #tpu.memory_space<hbm>> -> memref<6400xi32, #tpu.memory_space<hbm>>
    tpu.enqueue_dma source(%dma_start3A_5 : memref<6400xi32, #tpu.memory_space<hbm>>) target(%arg8 : memref<6400xi32, #tpu.memory_space<vmem>>) target_semaphore(%arg12 : memref<!tpu.dma_semaphore, #tpu.memory_space<semaphore_mem>>)
    %dma_start3A_6 = arith.constant 0 : i32
    %dma_start3A_7 = tpu.memref_slice %arg4[%dma_start3A_6] : memref<320000xf32, #tpu.memory_space<hbm>> -> memref<6400xf32, #tpu.memory_space<hbm>>
    %dma_start3A_8 = arith.constant 0 : i32
    %dma_start3A_9 = tpu.memref_slice %arg4[%dma_start3A_8] : memref<320000xf32, #tpu.memory_space<hbm>> -> memref<6400xf32, #tpu.memory_space<hbm>>
    tpu.enqueue_dma source(%dma_start3A_9 : memref<6400xf32, #tpu.memory_space<hbm>>) target(%arg9 : memref<6400xf32, #tpu.memory_space<vmem>>) target_semaphore(%arg12 : memref<!tpu.dma_semaphore, #tpu.memory_space<semaphore_mem>>)
    %dma_start3A_10 = arith.constant 6400 : i32
    %dma_start3A_11 = tpu.memref_slice %arg3[%dma_start3A_10] : memref<320000xi32, #tpu.memory_space<hbm>> -> memref<6400xi32, #tpu.memory_space<hbm>>
    %dma_start3A_12 = arith.constant 6400 : i32
    %dma_start3A_13 = tpu.memref_slice %arg3[%dma_start3A_12] : memref<320000xi32, #tpu.memory_space<hbm>> -> memref<6400xi32, #tpu.memory_space<hbm>>
    tpu.enqueue_dma source(%dma_start3A_13 : memref<6400xi32, #tpu.memory_space<hbm>>) target(%arg10 : memref<6400xi32, #tpu.memory_space<vmem>>) target_semaphore(%arg13 : memref<!tpu.dma_semaphore, #tpu.memory_space<semaphore_mem>>)
    %dma_start3A_14 = arith.constant 6400 : i32
    %dma_start3A_15 = tpu.memref_slice %arg4[%dma_start3A_14] : memref<320000xf32, #tpu.memory_space<hbm>> -> memref<6400xf32, #tpu.memory_space<hbm>>
    %dma_start3A_16 = arith.constant 6400 : i32
    %dma_start3A_17 = tpu.memref_slice %arg4[%dma_start3A_16] : memref<320000xf32, #tpu.memory_space<hbm>> -> memref<6400xf32, #tpu.memory_space<hbm>>
    tpu.enqueue_dma source(%dma_start3A_17 : memref<6400xf32, #tpu.memory_space<hbm>>) target(%arg11 : memref<6400xf32, #tpu.memory_space<vmem>>) target_semaphore(%arg13 : memref<!tpu.dma_semaphore, #tpu.memory_space<semaphore_mem>>)
    %add3A_18 = arith.constant 0 : i32
    %add3A_19 = arith.addi %mul3A_2, %add3A_18 : i32
    "tpu.region"() ({
      %run_scoped3A = tpu.sem_alloc : memref<!tpu.dma_semaphore, #tpu.memory_space<semaphore_mem>>
      %dma_start3A_36 = arith.constant 0 : i32
      %dma_start3A_37 = tpu.memref_slice %arg6[%dma_start3A_36] : memref<10240xf32, #tpu.memory_space<vmem>> -> memref<10240xf32, #tpu.memory_space<vmem>>
      %dma_start3A_38 = arith.constant 0 : i32
      %dma_start3A_39 = tpu.memref_slice %arg2[%add3A_19, %dma_start3A_38] : memref<32x10240xf32, #tpu.memory_space<hbm>> -> memref<1x10240xf32, #tpu.memory_space<hbm>>
      %dma_start3A_40 = tpu.memref_squeeze %dma_start3A_39 : memref<1x10240xf32, #tpu.memory_space<hbm>> -> memref<10240xf32, #tpu.memory_space<hbm>>
      %dma_start3A_41 = arith.constant 0 : i32
      %dma_start3A_42 = tpu.memref_slice %arg6[%dma_start3A_41] : memref<10240xf32, #tpu.memory_space<vmem>> -> memref<10240xf32, #tpu.memory_space<vmem>>
      %dma_start3A_43 = arith.constant 0 : i32
      %dma_start3A_44 = tpu.memref_slice %arg2[%add3A_19, %dma_start3A_43] : memref<32x10240xf32, #tpu.memory_space<hbm>> -> memref<1x10240xf32, #tpu.memory_space<hbm>>
      %dma_start3A_45 = tpu.memref_squeeze %dma_start3A_44 : memref<1x10240xf32, #tpu.memory_space<hbm>> -> memref<10240xf32, #tpu.memory_space<hbm>>
      tpu.enqueue_dma source(%dma_start3A_45 : memref<10240xf32, #tpu.memory_space<hbm>>) target(%dma_start3A_42 : memref<10240xf32, #tpu.memory_space<vmem>>) target_semaphore(%run_scoped3A : memref<!tpu.dma_semaphore, #tpu.memory_space<semaphore_mem>>)
      %dma_wait3A = arith.constant 0 : i32
      %dma_wait3A_46 = tpu.memref_slice %arg6[%dma_wait3A] : memref<10240xf32, #tpu.memory_space<vmem>> -> memref<10240xf32, #tpu.memory_space<vmem>>
      %dma_wait3A_47 = arith.constant 0 : i32
      %dma_wait3A_48 = tpu.memref_slice %arg2[%add3A_19, %dma_wait3A_47] : memref<32x10240xf32, #tpu.memory_space<hbm>> -> memref<1x10240xf32, #tpu.memory_space<hbm>>
      %dma_wait3A_49 = tpu.memref_squeeze %dma_wait3A_48 : memref<1x10240xf32, #tpu.memory_space<hbm>> -> memref<10240xf32, #tpu.memory_space<hbm>>
      %dma_wait3A_50 = arith.constant 0 : i32
      %dma_wait3A_51 = tpu.memref_slice %arg6[%dma_wait3A_50] : memref<10240xf32, #tpu.memory_space<vmem>> -> memref<10240xf32, #tpu.memory_space<vmem>>
      %dma_wait3A_52 = arith.constant 0 : i32
      %dma_wait3A_53 = tpu.memref_slice %arg2[%add3A_19, %dma_wait3A_52] : memref<32x10240xf32, #tpu.memory_space<hbm>> -> memref<1x10240xf32, #tpu.memory_space<hbm>>
      %dma_wait3A_54 = tpu.memref_squeeze %dma_wait3A_53 : memref<1x10240xf32, #tpu.memory_space<hbm>> -> memref<10240xf32, #tpu.memory_space<hbm>>
      tpu.wait_dma2 semaphore(%run_scoped3A : memref<!tpu.dma_semaphore, #tpu.memory_space<semaphore_mem>>) src(%dma_wait3A_54 : memref<10240xf32, #tpu.memory_space<hbm>>) dst(%dma_wait3A_51 : memref<10240xf32, #tpu.memory_space<vmem>>)
      tpu.yield
    }) : () -> ()
    %broadcast_in_dim3A = arith.constant 0.000000e+00 : f32
    %broadcast_in_dim3A_20 = vector.broadcast %broadcast_in_dim3A : f32 to vector<16xf32>
    %scan3A = arith.constant 0 : i32
    %scan3A_21 = arith.constant 640 : i32
    %scan3A_22 = arith.addi %scan3A, %scan3A_21 : i32
    %scan3A_23 = arith.constant 8 : i32
    scf.for %scan3A_36 = %scan3A to %scan3A_22 step %scan3A_23  : i32 {
      %mul3A_37 = arith.constant 1 : i32
      %mul3A_38 = arith.muli %scan3A_36, %mul3A_37 : i32
      %add3A_39 = arith.constant 0 : i32
      %add3A_40 = arith.addi %add3A_39, %mul3A_38 : i32
      %mul3A_41 = arith.constant 16 : i32
      %mul3A_42 = arith.muli %add3A_40, %mul3A_41 : i32
      %swap3A = arith.index_cast %mul3A_42 : i32 to index
      %swap3A_43 = tpu.vector_load %arg7[%swap3A] {strides = array<i32>} : memref<10240xf32, #tpu.memory_space<vmem>>, vector<16xf32>,
      tpu.vector_store %arg7[%swap3A], %broadcast_in_dim3A_20 {strides = array<i32>} : memref<10240xf32, #tpu.memory_space<vmem>>, vector<16xf32>,
      %scan3A_44 = arith.constant 1 : i32
      %scan3A_45 = arith.addi %scan3A_36, %scan3A_44 : i32
      %mul3A_46 = arith.constant 1 : i32
      %mul3A_47 = arith.muli %scan3A_45, %mul3A_46 : i32
      %add3A_48 = arith.constant 0 : i32
      %add3A_49 = arith.addi %add3A_48, %mul3A_47 : i32
      %mul3A_50 = arith.constant 16 : i32
      %mul3A_51 = arith.muli %add3A_49, %mul3A_50 : i32
      %swap3A_52 = arith.index_cast %mul3A_51 : i32 to index
      %swap3A_53 = tpu.vector_load %arg7[%swap3A_52] {strides = array<i32>} : memref<10240xf32, #tpu.memory_space<vmem>>, vector<16xf32>,
      tpu.vector_store %arg7[%swap3A_52], %broadcast_in_dim3A_20 {strides = array<i32>} : memref<10240xf32, #tpu.memory_space<vmem>>, vector<16xf32>,
      %scan3A_54 = arith.constant 2 : i32
      %scan3A_55 = arith.addi %scan3A_36, %scan3A_54 : i32
      %mul3A_56 = arith.constant 1 : i32
      %mul3A_57 = arith.muli %scan3A_55, %mul3A_56 : i32
      %add3A_58 = arith.constant 0 : i32
      %add3A_59 = arith.addi %add3A_58, %mul3A_57 : i32
      %mul3A_60 = arith.constant 16 : i32
      %mul3A_61 = arith.muli %add3A_59, %mul3A_60 : i32
      %swap3A_62 = arith.index_cast %mul3A_61 : i32 to index
      %swap3A_63 = tpu.vector_load %arg7[%swap3A_62] {strides = array<i32>} : memref<10240xf32, #tpu.memory_space<vmem>>, vector<16xf32>,
      tpu.vector_store %arg7[%swap3A_62], %broadcast_in_dim3A_20 {strides = array<i32>} : memref<10240xf32, #tpu.memory_space<vmem>>, vector<16xf32>,
      %scan3A_64 = arith.constant 3 : i32
      %scan3A_65 = arith.addi %scan3A_36, %scan3A_64 : i32
      %mul3A_66 = arith.constant 1 : i32
      %mul3A_67 = arith.muli %scan3A_65, %mul3A_66 : i32
      %add3A_68 = arith.constant 0 : i32
      %add3A_69 = arith.addi %add3A_68, %mul3A_67 : i32
      %mul3A_70 = arith.constant 16 : i32
      %mul3A_71 = arith.muli %add3A_69, %mul3A_70 : i32
      %swap3A_72 = arith.index_cast %mul3A_71 : i32 to index
      %swap3A_73 = tpu.vector_load %arg7[%swap3A_72] {strides = array<i32>} : memref<10240xf32, #tpu.memory_space<vmem>>, vector<16xf32>,
      tpu.vector_store %arg7[%swap3A_72], %broadcast_in_dim3A_20 {strides = array<i32>} : memref<10240xf32, #tpu.memory_space<vmem>>, vector<16xf32>,
      %scan3A_74 = arith.constant 4 : i32
      %scan3A_75 = arith.addi %scan3A_36, %scan3A_74 : i32
      %mul3A_76 = arith.constant 1 : i32
      %mul3A_77 = arith.muli %scan3A_75, %mul3A_76 : i32
      %add3A_78 = arith.constant 0 : i32
      %add3A_79 = arith.addi %add3A_78, %mul3A_77 : i32
      %mul3A_80 = arith.constant 16 : i32
      %mul3A_81 = arith.muli %add3A_79, %mul3A_80 : i32
      %swap3A_82 = arith.index_cast %mul3A_81 : i32 to index
      %swap3A_83 = tpu.vector_load %arg7[%swap3A_82] {strides = array<i32>} : memref<10240xf32, #tpu.memory_space<vmem>>, vector<16xf32>,
      tpu.vector_store %arg7[%swap3A_82], %broadcast_in_dim3A_20 {strides = array<i32>} : memref<10240xf32, #tpu.memory_space<vmem>>, vector<16xf32>,
      %scan3A_84 = arith.constant 5 : i32
      %scan3A_85 = arith.addi %scan3A_36, %scan3A_84 : i32
      %mul3A_86 = arith.constant 1 : i32
      %mul3A_87 = arith.muli %scan3A_85, %mul3A_86 : i32
      %add3A_88 = arith.constant 0 : i32
      %add3A_89 = arith.addi %add3A_88, %mul3A_87 : i32
      %mul3A_90 = arith.constant 16 : i32
      %mul3A_91 = arith.muli %add3A_89, %mul3A_90 : i32
      %swap3A_92 = arith.index_cast %mul3A_91 : i32 to index
      %swap3A_93 = tpu.vector_load %arg7[%swap3A_92] {strides = array<i32>} : memref<10240xf32, #tpu.memory_space<vmem>>, vector<16xf32>,
      tpu.vector_store %arg7[%swap3A_92], %broadcast_in_dim3A_20 {strides = array<i32>} : memref<10240xf32, #tpu.memory_space<vmem>>, vector<16xf32>,
      %scan3A_94 = arith.constant 6 : i32
      %scan3A_95 = arith.addi %scan3A_36, %scan3A_94 : i32
      %mul3A_96 = arith.constant 1 : i32
      %mul3A_97 = arith.muli %scan3A_95, %mul3A_96 : i32
      %add3A_98 = arith.constant 0 : i32
      %add3A_99 = arith.addi %add3A_98, %mul3A_97 : i32
      %mul3A_100 = arith.constant 16 : i32
      %mul3A_101 = arith.muli %add3A_99, %mul3A_100 : i32
      %swap3A_102 = arith.index_cast %mul3A_101 : i32 to index
      %swap3A_103 = tpu.vector_load %arg7[%swap3A_102] {strides = array<i32>} : memref<10240xf32, #tpu.memory_space<vmem>>, vector<16xf32>,
      tpu.vector_store %arg7[%swap3A_102], %broadcast_in_dim3A_20 {strides = array<i32>} : memref<10240xf32, #tpu.memory_space<vmem>>, vector<16xf32>,
      %scan3A_104 = arith.constant 7 : i32
      %scan3A_105 = arith.addi %scan3A_36, %scan3A_104 : i32
      %mul3A_106 = arith.constant 1 : i32
      %mul3A_107 = arith.muli %scan3A_105, %mul3A_106 : i32
      %add3A_108 = arith.constant 0 : i32
      %add3A_109 = arith.addi %add3A_108, %mul3A_107 : i32
      %mul3A_110 = arith.constant 16 : i32
      %mul3A_111 = arith.muli %add3A_109, %mul3A_110 : i32
      %swap3A_112 = arith.index_cast %mul3A_111 : i32 to index
      %swap3A_113 = tpu.vector_load %arg7[%swap3A_112] {strides = array<i32>} : memref<10240xf32, #tpu.memory_space<vmem>>, vector<16xf32>,
      tpu.vector_store %arg7[%swap3A_112], %broadcast_in_dim3A_20 {strides = array<i32>} : memref<10240xf32, #tpu.memory_space<vmem>>, vector<16xf32>,
    }
    %scan3A_24 = arith.constant 640 : i32
    %broadcast_in_dim3A_25 = arith.constant 16383 : i32
    %broadcast_in_dim3A_26 = vector.broadcast %broadcast_in_dim3A_25 : i32 to vector<16xi32>
    %broadcast_in_dim3A_27 = arith.constant -65536 : i32
    %broadcast_in_dim3A_28 = vector.broadcast %broadcast_in_dim3A_27 : i32 to vector<16xi32>
    %scan3A_29 = arith.constant 0 : i32
    %scan3A_30 = arith.constant 25 : i32
    %scan3A_31 = arith.addi %scan3A_29, %scan3A_30 : i32
    %scan3A_32 = arith.constant 1 : i32
    scf.for %scan3A_36 = %scan3A_29 to %scan3A_31 step %scan3A_32  : i32 {
      %mul3A_37 = arith.constant 2 : i32
      %mul3A_38 = arith.muli %scan3A_36, %mul3A_37 : i32
      %add3A_39 = arith.constant 0 : i32
      %add3A_40 = arith.addi %add3A_39, %mul3A_38 : i32
      %add3A_41 = arith.constant 0 : i32
      %add3A_42 = arith.addi %add3A_40, %add3A_41 : i32
      %dma_wait3A = arith.constant 0 : i32
      %dma_wait3A_43 = tpu.memref_slice %arg3[%dma_wait3A] : memref<320000xi32, #tpu.memory_space<hbm>> -> memref<6400xi32, #tpu.memory_space<hbm>>
      %dma_wait3A_44 = arith.constant 0 : i32
      %dma_wait3A_45 = tpu.memref_slice %arg3[%dma_wait3A_44] : memref<320000xi32, #tpu.memory_space<hbm>> -> memref<6400xi32, #tpu.memory_space<hbm>>
      tpu.wait_dma2 semaphore(%arg12 : memref<!tpu.dma_semaphore, #tpu.memory_space<semaphore_mem>>) src(%dma_wait3A_45 : memref<6400xi32, #tpu.memory_space<hbm>>) dst(%arg8 : memref<6400xi32, #tpu.memory_space<vmem>>)
      %dma_wait3A_46 = arith.constant 0 : i32
      %dma_wait3A_47 = tpu.memref_slice %arg4[%dma_wait3A_46] : memref<320000xf32, #tpu.memory_space<hbm>> -> memref<6400xf32, #tpu.memory_space<hbm>>
      %dma_wait3A_48 = arith.constant 0 : i32
      %dma_wait3A_49 = tpu.memref_slice %arg4[%dma_wait3A_48] : memref<320000xf32, #tpu.memory_space<hbm>> -> memref<6400xf32, #tpu.memory_space<hbm>>
      tpu.wait_dma2 semaphore(%arg12 : memref<!tpu.dma_semaphore, #tpu.memory_space<semaphore_mem>>) src(%dma_wait3A_49 : memref<6400xf32, #tpu.memory_space<hbm>>) dst(%arg9 : memref<6400xf32, #tpu.memory_space<vmem>>)
      %parallel_loop3A = arith.constant 0 : i32
      %parallel_loop3A_50 = arith.constant 400 : i32
      %parallel_loop3A_51 = arith.constant 1 : i32
      scf.for %parallel_loop3A_76 = %parallel_loop3A to %parallel_loop3A_50 step %parallel_loop3A_51  : i32 {
        %parallel_loop3A_77 = arith.constant 16 : i32
        %parallel_loop3A_78 = arith.muli %parallel_loop3A_76, %parallel_loop3A_77 : i32
        %parallel_loop3A_79 = arith.index_cast %parallel_loop3A_78 : i32 to index
        %parallel_loop3A_80 = tpu.vector_load %arg8[%parallel_loop3A_79] {strides = array<i32>} : memref<6400xi32, #tpu.memory_space<vmem>>, vector<16xi32>,
        %parallel_loop3A_81 = arith.index_cast %parallel_loop3A_78 : i32 to index
        %parallel_loop3A_82 = tpu.vector_load %arg9[%parallel_loop3A_81] {strides = array<i32>} : memref<6400xf32, #tpu.memory_space<vmem>>, vector<16xf32>,
        %parallel_loop3A_83 = arith.constant 14 : i32
        %parallel_loop3A_84 = vector.broadcast %parallel_loop3A_83 : i32 to vector<16xi32>
        %parallel_loop3A_85 = arith.shrui %parallel_loop3A_80, %parallel_loop3A_84 : vector<16xi32>
        %parallel_loop3A_86 = arith.andi %parallel_loop3A_80, %broadcast_in_dim3A_26 : vector<16xi32>
        %parallel_loop3A_87 = arith.constant 0 : i32
        %parallel_loop3A_88 = tpu.memref_slice %arg6[%parallel_loop3A_87] : memref<10240xf32, #tpu.memory_space<vmem>> -> memref<10240xf32, #tpu.memory_space<vmem>>
        %parallel_loop3A_89 = tpu.vector_load_idx %parallel_loop3A_88[%parallel_loop3A_85] : memref<10240xf32, #tpu.memory_space<vmem>>[vector<16xi32>], vector<16xf32>,
        %parallel_loop3A_90 = arith.mulf %parallel_loop3A_89, %parallel_loop3A_82 : vector<16xf32>
        %parallel_loop3A_91 = arith.constant 0 : i32
        %parallel_loop3A_92 = tpu.memref_slice %arg7[%parallel_loop3A_91] : memref<10240xf32, #tpu.memory_space<vmem>> -> memref<10240xf32, #tpu.memory_space<vmem>>
        tpu.vector_store_idx %parallel_loop3A_92[%parallel_loop3A_86], %parallel_loop3A_90 {add = true} : memref<10240xf32, #tpu.memory_space<vmem>>[vector<16xi32>], vector<16xf32>,
      } {sc.loop_unroll_factor = 4 : i64, sc.parallel_access}
      %add3A_52 = arith.constant 2 : i32
      %add3A_53 = arith.addi %add3A_42, %add3A_52 : i32
      %lt3A = arith.constant 50 : i32
      %lt3A_54 = arith.cmpi slt, %add3A_53, %lt3A : i32
      %convert_element_type3A = arith.extui %lt3A_54 : i1 to i32
      %cond3A = arith.constant 0 : i32
      %cond3A_55 = arith.cmpi ne, %convert_element_type3A, %cond3A : i32
      scf.if %cond3A_55 {
        %add3A_76 = arith.constant 2 : i32
        %add3A_77 = arith.addi %add3A_42, %add3A_76 : i32
        %mul3A_78 = arith.constant 6400 : i32
        %mul3A_79 = arith.muli %add3A_77, %mul3A_78 : i32
        %dma_start3A_80 = tpu.memref_slice %arg3[%mul3A_79] : memref<320000xi32, #tpu.memory_space<hbm>> -> memref<6400xi32, #tpu.memory_space<hbm>>
        %dma_start3A_81 = tpu.memref_slice %arg3[%mul3A_79] : memref<320000xi32, #tpu.memory_space<hbm>> -> memref<6400xi32, #tpu.memory_space<hbm>>
        tpu.enqueue_dma source(%dma_start3A_81 : memref<6400xi32, #tpu.memory_space<hbm>>) target(%arg8 : memref<6400xi32, #tpu.memory_space<vmem>>) target_semaphore(%arg12 : memref<!tpu.dma_semaphore, #tpu.memory_space<semaphore_mem>>)
        %dma_start3A_82 = tpu.memref_slice %arg4[%mul3A_79] : memref<320000xf32, #tpu.memory_space<hbm>> -> memref<6400xf32, #tpu.memory_space<hbm>>
        %dma_start3A_83 = tpu.memref_slice %arg4[%mul3A_79] : memref<320000xf32, #tpu.memory_space<hbm>> -> memref<6400xf32, #tpu.memory_space<hbm>>
        tpu.enqueue_dma source(%dma_start3A_83 : memref<6400xf32, #tpu.memory_space<hbm>>) target(%arg9 : memref<6400xf32, #tpu.memory_space<vmem>>) target_semaphore(%arg12 : memref<!tpu.dma_semaphore, #tpu.memory_space<semaphore_mem>>)
      } else {
      }
      %add3A_56 = arith.constant 1 : i32
      %add3A_57 = arith.addi %add3A_40, %add3A_56 : i32
      %dma_wait3A_58 = arith.constant 0 : i32
      %dma_wait3A_59 = tpu.memref_slice %arg3[%dma_wait3A_58] : memref<320000xi32, #tpu.memory_space<hbm>> -> memref<6400xi32, #tpu.memory_space<hbm>>
      %dma_wait3A_60 = arith.constant 0 : i32
      %dma_wait3A_61 = tpu.memref_slice %arg3[%dma_wait3A_60] : memref<320000xi32, #tpu.memory_space<hbm>> -> memref<6400xi32, #tpu.memory_space<hbm>>
      tpu.wait_dma2 semaphore(%arg13 : memref<!tpu.dma_semaphore, #tpu.memory_space<semaphore_mem>>) src(%dma_wait3A_61 : memref<6400xi32, #tpu.memory_space<hbm>>) dst(%arg10 : memref<6400xi32, #tpu.memory_space<vmem>>)
      %dma_wait3A_62 = arith.constant 0 : i32
      %dma_wait3A_63 = tpu.memref_slice %arg4[%dma_wait3A_62] : memref<320000xf32, #tpu.memory_space<hbm>> -> memref<6400xf32, #tpu.memory_space<hbm>>
      %dma_wait3A_64 = arith.constant 0 : i32
      %dma_wait3A_65 = tpu.memref_slice %arg4[%dma_wait3A_64] : memref<320000xf32, #tpu.memory_space<hbm>> -> memref<6400xf32, #tpu.memory_space<hbm>>
      tpu.wait_dma2 semaphore(%arg13 : memref<!tpu.dma_semaphore, #tpu.memory_space<semaphore_mem>>) src(%dma_wait3A_65 : memref<6400xf32, #tpu.memory_space<hbm>>) dst(%arg11 : memref<6400xf32, #tpu.memory_space<vmem>>)
      %parallel_loop3A_66 = arith.constant 0 : i32
      %parallel_loop3A_67 = arith.constant 400 : i32
      %parallel_loop3A_68 = arith.constant 1 : i32
      scf.for %parallel_loop3A_76 = %parallel_loop3A_66 to %parallel_loop3A_67 step %parallel_loop3A_68  : i32 {
        %parallel_loop3A_77 = arith.constant 16 : i32
        %parallel_loop3A_78 = arith.muli %parallel_loop3A_76, %parallel_loop3A_77 : i32
        %parallel_loop3A_79 = arith.index_cast %parallel_loop3A_78 : i32 to index
        %parallel_loop3A_80 = tpu.vector_load %arg10[%parallel_loop3A_79] {strides = array<i32>} : memref<6400xi32, #tpu.memory_space<vmem>>, vector<16xi32>,
        %parallel_loop3A_81 = arith.index_cast %parallel_loop3A_78 : i32 to index
        %parallel_loop3A_82 = tpu.vector_load %arg11[%parallel_loop3A_81] {strides = array<i32>} : memref<6400xf32, #tpu.memory_space<vmem>>, vector<16xf32>,
        %parallel_loop3A_83 = arith.constant 14 : i32
        %parallel_loop3A_84 = vector.broadcast %parallel_loop3A_83 : i32 to vector<16xi32>
        %parallel_loop3A_85 = arith.shrui %parallel_loop3A_80, %parallel_loop3A_84 : vector<16xi32>
        %parallel_loop3A_86 = arith.andi %parallel_loop3A_80, %broadcast_in_dim3A_26 : vector<16xi32>
        %parallel_loop3A_87 = arith.constant 0 : i32
        %parallel_loop3A_88 = tpu.memref_slice %arg6[%parallel_loop3A_87] : memref<10240xf32, #tpu.memory_space<vmem>> -> memref<10240xf32, #tpu.memory_space<vmem>>
        %parallel_loop3A_89 = tpu.vector_load_idx %parallel_loop3A_88[%parallel_loop3A_85] : memref<10240xf32, #tpu.memory_space<vmem>>[vector<16xi32>], vector<16xf32>,
        %parallel_loop3A_90 = arith.mulf %parallel_loop3A_89, %parallel_loop3A_82 : vector<16xf32>
        %parallel_loop3A_91 = arith.constant 0 : i32
        %parallel_loop3A_92 = tpu.memref_slice %arg7[%parallel_loop3A_91] : memref<10240xf32, #tpu.memory_space<vmem>> -> memref<10240xf32, #tpu.memory_space<vmem>>
        tpu.vector_store_idx %parallel_loop3A_92[%parallel_loop3A_86], %parallel_loop3A_90 {add = true} : memref<10240xf32, #tpu.memory_space<vmem>>[vector<16xi32>], vector<16xf32>,
      } {sc.loop_unroll_factor = 4 : i64, sc.parallel_access}
      %add3A_69 = arith.constant 2 : i32
      %add3A_70 = arith.addi %add3A_57, %add3A_69 : i32
      %lt3A_71 = arith.constant 50 : i32
      %lt3A_72 = arith.cmpi slt, %add3A_70, %lt3A_71 : i32
      %convert_element_type3A_73 = arith.extui %lt3A_72 : i1 to i32
      %cond3A_74 = arith.constant 0 : i32
      %cond3A_75 = arith.cmpi ne, %convert_element_type3A_73, %cond3A_74 : i32
      scf.if %cond3A_75 {
        %add3A_76 = arith.constant 2 : i32
        %add3A_77 = arith.addi %add3A_57, %add3A_76 : i32
        %mul3A_78 = arith.constant 6400 : i32
        %mul3A_79 = arith.muli %add3A_77, %mul3A_78 : i32
        %dma_start3A_80 = tpu.memref_slice %arg3[%mul3A_79] : memref<320000xi32, #tpu.memory_space<hbm>> -> memref<6400xi32, #tpu.memory_space<hbm>>
        %dma_start3A_81 = tpu.memref_slice %arg3[%mul3A_79] : memref<320000xi32, #tpu.memory_space<hbm>> -> memref<6400xi32, #tpu.memory_space<hbm>>
        tpu.enqueue_dma source(%dma_start3A_81 : memref<6400xi32, #tpu.memory_space<hbm>>) target(%arg10 : memref<6400xi32, #tpu.memory_space<vmem>>) target_semaphore(%arg13 : memref<!tpu.dma_semaphore, #tpu.memory_space<semaphore_mem>>)
        %dma_start3A_82 = tpu.memref_slice %arg4[%mul3A_79] : memref<320000xf32, #tpu.memory_space<hbm>> -> memref<6400xf32, #tpu.memory_space<hbm>>
        %dma_start3A_83 = tpu.memref_slice %arg4[%mul3A_79] : memref<320000xf32, #tpu.memory_space<hbm>> -> memref<6400xf32, #tpu.memory_space<hbm>>
        tpu.enqueue_dma source(%dma_start3A_83 : memref<6400xf32, #tpu.memory_space<hbm>>) target(%arg11 : memref<6400xf32, #tpu.memory_space<vmem>>) target_semaphore(%arg13 : memref<!tpu.dma_semaphore, #tpu.memory_space<semaphore_mem>>)
      } else {
      }
    }
    %scan3A_33 = arith.constant 25 : i32
    %add3A_34 = arith.constant 0 : i32
    %add3A_35 = arith.addi %mul3A_2, %add3A_34 : i32
    "tpu.region"() ({
      %run_scoped3A = tpu.sem_alloc : memref<!tpu.dma_semaphore, #tpu.memory_space<semaphore_mem>>
      %dma_start3A_36 = arith.constant 0 : i32
      %dma_start3A_37 = tpu.memref_slice %arg7[%dma_start3A_36] : memref<10240xf32, #tpu.memory_space<vmem>> -> memref<10240xf32, #tpu.memory_space<vmem>>
      %dma_start3A_38 = arith.constant 0 : i32
      %dma_start3A_39 = tpu.memref_slice %arg5[%add3A_35, %dma_start3A_38] : memref<32x10240xf32, #tpu.memory_space<hbm>> -> memref<1x10240xf32, #tpu.memory_space<hbm>>
      %dma_start3A_40 = tpu.memref_squeeze %dma_start3A_39 : memref<1x10240xf32, #tpu.memory_space<hbm>> -> memref<10240xf32, #tpu.memory_space<hbm>>
      %dma_start3A_41 = arith.constant 0 : i32
      %dma_start3A_42 = tpu.memref_slice %arg5[%add3A_35, %dma_start3A_41] : memref<32x10240xf32, #tpu.memory_space<hbm>> -> memref<1x10240xf32, #tpu.memory_space<hbm>>
      %dma_start3A_43 = tpu.memref_squeeze %dma_start3A_42 : memref<1x10240xf32, #tpu.memory_space<hbm>> -> memref<10240xf32, #tpu.memory_space<hbm>>
      %dma_start3A_44 = arith.constant 0 : i32
      %dma_start3A_45 = tpu.memref_slice %arg7[%dma_start3A_44] : memref<10240xf32, #tpu.memory_space<vmem>> -> memref<10240xf32, #tpu.memory_space<vmem>>
      tpu.enqueue_dma source(%dma_start3A_45 : memref<10240xf32, #tpu.memory_space<vmem>>) target(%dma_start3A_43 : memref<10240xf32, #tpu.memory_space<hbm>>) target_semaphore(%run_scoped3A : memref<!tpu.dma_semaphore, #tpu.memory_space<semaphore_mem>>)
      %dma_wait3A = arith.constant 0 : i32
      %dma_wait3A_46 = tpu.memref_slice %arg7[%dma_wait3A] : memref<10240xf32, #tpu.memory_space<vmem>> -> memref<10240xf32, #tpu.memory_space<vmem>>
      %dma_wait3A_47 = arith.constant 0 : i32
      %dma_wait3A_48 = tpu.memref_slice %arg5[%add3A_35, %dma_wait3A_47] : memref<32x10240xf32, #tpu.memory_space<hbm>> -> memref<1x10240xf32, #tpu.memory_space<hbm>>
      %dma_wait3A_49 = tpu.memref_squeeze %dma_wait3A_48 : memref<1x10240xf32, #tpu.memory_space<hbm>> -> memref<10240xf32, #tpu.memory_space<hbm>>
      %dma_wait3A_50 = arith.constant 0 : i32
      %dma_wait3A_51 = tpu.memref_slice %arg5[%add3A_35, %dma_wait3A_50] : memref<32x10240xf32, #tpu.memory_space<hbm>> -> memref<1x10240xf32, #tpu.memory_space<hbm>>
      %dma_wait3A_52 = tpu.memref_squeeze %dma_wait3A_51 : memref<1x10240xf32, #tpu.memory_space<hbm>> -> memref<10240xf32, #tpu.memory_space<hbm>>
      %dma_wait3A_53 = arith.constant 0 : i32
      %dma_wait3A_54 = tpu.memref_slice %arg7[%dma_wait3A_53] : memref<10240xf32, #tpu.memory_space<vmem>> -> memref<10240xf32, #tpu.memory_space<vmem>>
      tpu.wait_dma2 semaphore(%run_scoped3A : memref<!tpu.dma_semaphore, #tpu.memory_space<semaphore_mem>>) src(%dma_wait3A_54 : memref<10240xf32, #tpu.memory_space<vmem>>) dst(%dma_wait3A_52 : memref<10240xf32, #tpu.memory_space<hbm>>)
      tpu.yield
    }) : () -> ()
    return
  }
}

#map = affine_map<(d0, d1) -> (0, 0)>
#map1 = affine_map<(d0, d1) -> (0)>
module attributes {stable_mosaic.version = 14 : i64} {
  func.func @agg(%arg0: i32, %arg1: i32, %arg2: memref<32x10240xf32, #tpu.memory_space<hbm>>, %arg3: memref<320000xi32, #tpu.memory_space<hbm>>, %arg4: memref<320000xf32, #tpu.memory_space<hbm>>, %arg5: memref<64x10240xf32, #tpu.memory_space<hbm>>, %arg6: memref<10240xf32, #tpu.memory_space<vmem>>, %arg7: memref<20480xf32, #tpu.memory_space<vmem>>, %arg8: memref<6400xi32, #tpu.memory_space<vmem>>, %arg9: memref<6400xf32, #tpu.memory_space<vmem>>, %arg10: memref<6400xi32, #tpu.memory_space<vmem>>, %arg11: memref<6400xf32, #tpu.memory_space<vmem>>, %arg12: memref<!tpu.dma_semaphore, #tpu.memory_space<semaphore_mem>>, %arg13: memref<!tpu.dma_semaphore, #tpu.memory_space<semaphore_mem>>) attributes {dimension_semantics = [#tpu.dimension_semantics<core_parallel>, #tpu.dimension_semantics<subcore_parallel>], iteration_bounds = array<i64: 2, 16>, scalar_prefetch = 0 : i64, scratch_operands = 8 : i64, tpu.core_type = #tpu.core_type<sc_vector_subcore>, window_params = [{transform_indices = #map}, {transform_indices = #map1}, {transform_indices = #map1}, {transform_indices = #map}]} {
    %mul3A = arith.constant 2 : i32
    %mul3A_0 = arith.muli %arg1, %mul3A : i32
    %add3A = arith.addi %mul3A_0, %arg0 : i32
    %mul3A_1 = arith.constant 1 : i32
    %mul3A_2 = arith.muli %add3A, %mul3A_1 : i32
    %dma_start3A = arith.constant 0 : i32
    %dma_start3A_3 = tpu.memref_slice %arg3[%dma_start3A] : memref<320000xi32, #tpu.memory_space<hbm>> -> memref<6400xi32, #tpu.memory_space<hbm>>
    %dma_start3A_4 = arith.constant 0 : i32
    %dma_start3A_5 = tpu.memref_slice %arg3[%dma_start3A_4] : memref<320000xi32, #tpu.memory_space<hbm>> -> memref<6400xi32, #tpu.memory_space<hbm>>
    tpu.enqueue_dma source(%dma_start3A_5 : memref<6400xi32, #tpu.memory_space<hbm>>) target(%arg8 : memref<6400xi32, #tpu.memory_space<vmem>>) target_semaphore(%arg12 : memref<!tpu.dma_semaphore, #tpu.memory_space<semaphore_mem>>)
    %dma_start3A_6 = arith.constant 0 : i32
    %dma_start3A_7 = tpu.memref_slice %arg4[%dma_start3A_6] : memref<320000xf32, #tpu.memory_space<hbm>> -> memref<6400xf32, #tpu.memory_space<hbm>>
    %dma_start3A_8 = arith.constant 0 : i32
    %dma_start3A_9 = tpu.memref_slice %arg4[%dma_start3A_8] : memref<320000xf32, #tpu.memory_space<hbm>> -> memref<6400xf32, #tpu.memory_space<hbm>>
    tpu.enqueue_dma source(%dma_start3A_9 : memref<6400xf32, #tpu.memory_space<hbm>>) target(%arg9 : memref<6400xf32, #tpu.memory_space<vmem>>) target_semaphore(%arg12 : memref<!tpu.dma_semaphore, #tpu.memory_space<semaphore_mem>>)
    %dma_start3A_10 = arith.constant 6400 : i32
    %dma_start3A_11 = tpu.memref_slice %arg3[%dma_start3A_10] : memref<320000xi32, #tpu.memory_space<hbm>> -> memref<6400xi32, #tpu.memory_space<hbm>>
    %dma_start3A_12 = arith.constant 6400 : i32
    %dma_start3A_13 = tpu.memref_slice %arg3[%dma_start3A_12] : memref<320000xi32, #tpu.memory_space<hbm>> -> memref<6400xi32, #tpu.memory_space<hbm>>
    tpu.enqueue_dma source(%dma_start3A_13 : memref<6400xi32, #tpu.memory_space<hbm>>) target(%arg10 : memref<6400xi32, #tpu.memory_space<vmem>>) target_semaphore(%arg13 : memref<!tpu.dma_semaphore, #tpu.memory_space<semaphore_mem>>)
    %dma_start3A_14 = arith.constant 6400 : i32
    %dma_start3A_15 = tpu.memref_slice %arg4[%dma_start3A_14] : memref<320000xf32, #tpu.memory_space<hbm>> -> memref<6400xf32, #tpu.memory_space<hbm>>
    %dma_start3A_16 = arith.constant 6400 : i32
    %dma_start3A_17 = tpu.memref_slice %arg4[%dma_start3A_16] : memref<320000xf32, #tpu.memory_space<hbm>> -> memref<6400xf32, #tpu.memory_space<hbm>>
    tpu.enqueue_dma source(%dma_start3A_17 : memref<6400xf32, #tpu.memory_space<hbm>>) target(%arg11 : memref<6400xf32, #tpu.memory_space<vmem>>) target_semaphore(%arg13 : memref<!tpu.dma_semaphore, #tpu.memory_space<semaphore_mem>>)
    %add3A_18 = arith.constant 0 : i32
    %add3A_19 = arith.addi %mul3A_2, %add3A_18 : i32
    "tpu.region"() ({
      %run_scoped3A = tpu.sem_alloc : memref<!tpu.dma_semaphore, #tpu.memory_space<semaphore_mem>>
      %dma_start3A_40 = arith.constant 0 : i32
      %dma_start3A_41 = tpu.memref_slice %arg6[%dma_start3A_40] : memref<10240xf32, #tpu.memory_space<vmem>> -> memref<10240xf32, #tpu.memory_space<vmem>>
      %dma_start3A_42 = arith.constant 0 : i32
      %dma_start3A_43 = tpu.memref_slice %arg2[%add3A_19, %dma_start3A_42] : memref<32x10240xf32, #tpu.memory_space<hbm>> -> memref<1x10240xf32, #tpu.memory_space<hbm>>
      %dma_start3A_44 = tpu.memref_squeeze %dma_start3A_43 : memref<1x10240xf32, #tpu.memory_space<hbm>> -> memref<10240xf32, #tpu.memory_space<hbm>>
      %dma_start3A_45 = arith.constant 0 : i32
      %dma_start3A_46 = tpu.memref_slice %arg6[%dma_start3A_45] : memref<10240xf32, #tpu.memory_space<vmem>> -> memref<10240xf32, #tpu.memory_space<vmem>>
      %dma_start3A_47 = arith.constant 0 : i32
      %dma_start3A_48 = tpu.memref_slice %arg2[%add3A_19, %dma_start3A_47] : memref<32x10240xf32, #tpu.memory_space<hbm>> -> memref<1x10240xf32, #tpu.memory_space<hbm>>
      %dma_start3A_49 = tpu.memref_squeeze %dma_start3A_48 : memref<1x10240xf32, #tpu.memory_space<hbm>> -> memref<10240xf32, #tpu.memory_space<hbm>>
      tpu.enqueue_dma source(%dma_start3A_49 : memref<10240xf32, #tpu.memory_space<hbm>>) target(%dma_start3A_46 : memref<10240xf32, #tpu.memory_space<vmem>>) target_semaphore(%run_scoped3A : memref<!tpu.dma_semaphore, #tpu.memory_space<semaphore_mem>>)
      %dma_wait3A = arith.constant 0 : i32
      %dma_wait3A_50 = tpu.memref_slice %arg6[%dma_wait3A] : memref<10240xf32, #tpu.memory_space<vmem>> -> memref<10240xf32, #tpu.memory_space<vmem>>
      %dma_wait3A_51 = arith.constant 0 : i32
      %dma_wait3A_52 = tpu.memref_slice %arg2[%add3A_19, %dma_wait3A_51] : memref<32x10240xf32, #tpu.memory_space<hbm>> -> memref<1x10240xf32, #tpu.memory_space<hbm>>
      %dma_wait3A_53 = tpu.memref_squeeze %dma_wait3A_52 : memref<1x10240xf32, #tpu.memory_space<hbm>> -> memref<10240xf32, #tpu.memory_space<hbm>>
      %dma_wait3A_54 = arith.constant 0 : i32
      %dma_wait3A_55 = tpu.memref_slice %arg6[%dma_wait3A_54] : memref<10240xf32, #tpu.memory_space<vmem>> -> memref<10240xf32, #tpu.memory_space<vmem>>
      %dma_wait3A_56 = arith.constant 0 : i32
      %dma_wait3A_57 = tpu.memref_slice %arg2[%add3A_19, %dma_wait3A_56] : memref<32x10240xf32, #tpu.memory_space<hbm>> -> memref<1x10240xf32, #tpu.memory_space<hbm>>
      %dma_wait3A_58 = tpu.memref_squeeze %dma_wait3A_57 : memref<1x10240xf32, #tpu.memory_space<hbm>> -> memref<10240xf32, #tpu.memory_space<hbm>>
      tpu.wait_dma2 semaphore(%run_scoped3A : memref<!tpu.dma_semaphore, #tpu.memory_space<semaphore_mem>>) src(%dma_wait3A_58 : memref<10240xf32, #tpu.memory_space<hbm>>) dst(%dma_wait3A_55 : memref<10240xf32, #tpu.memory_space<vmem>>)
      tpu.yield
    }) : () -> ()
    %broadcast_in_dim3A = arith.constant 0.000000e+00 : f32
    %broadcast_in_dim3A_20 = vector.broadcast %broadcast_in_dim3A : f32 to vector<16xf32>
    %scan3A = arith.constant 0 : i32
    %scan3A_21 = arith.constant 1280 : i32
    %scan3A_22 = arith.addi %scan3A, %scan3A_21 : i32
    %scan3A_23 = arith.constant 8 : i32
    scf.for %scan3A_40 = %scan3A to %scan3A_22 step %scan3A_23  : i32 {
      %mul3A_41 = arith.constant 1 : i32
      %mul3A_42 = arith.muli %scan3A_40, %mul3A_41 : i32
      %add3A_43 = arith.constant 0 : i32
      %add3A_44 = arith.addi %add3A_43, %mul3A_42 : i32
      %mul3A_45 = arith.constant 16 : i32
      %mul3A_46 = arith.muli %add3A_44, %mul3A_45 : i32
      %swap3A = arith.index_cast %mul3A_46 : i32 to index
      %swap3A_47 = tpu.vector_load %arg7[%swap3A] {strides = array<i32>} : memref<20480xf32, #tpu.memory_space<vmem>>, vector<16xf32>,
      tpu.vector_store %arg7[%swap3A], %broadcast_in_dim3A_20 {strides = array<i32>} : memref<20480xf32, #tpu.memory_space<vmem>>, vector<16xf32>,
      %scan3A_48 = arith.constant 1 : i32
      %scan3A_49 = arith.addi %scan3A_40, %scan3A_48 : i32
      %mul3A_50 = arith.constant 1 : i32
      %mul3A_51 = arith.muli %scan3A_49, %mul3A_50 : i32
      %add3A_52 = arith.constant 0 : i32
      %add3A_53 = arith.addi %add3A_52, %mul3A_51 : i32
      %mul3A_54 = arith.constant 16 : i32
      %mul3A_55 = arith.muli %add3A_53, %mul3A_54 : i32
      %swap3A_56 = arith.index_cast %mul3A_55 : i32 to index
      %swap3A_57 = tpu.vector_load %arg7[%swap3A_56] {strides = array<i32>} : memref<20480xf32, #tpu.memory_space<vmem>>, vector<16xf32>,
      tpu.vector_store %arg7[%swap3A_56], %broadcast_in_dim3A_20 {strides = array<i32>} : memref<20480xf32, #tpu.memory_space<vmem>>, vector<16xf32>,
      %scan3A_58 = arith.constant 2 : i32
      %scan3A_59 = arith.addi %scan3A_40, %scan3A_58 : i32
      %mul3A_60 = arith.constant 1 : i32
      %mul3A_61 = arith.muli %scan3A_59, %mul3A_60 : i32
      %add3A_62 = arith.constant 0 : i32
      %add3A_63 = arith.addi %add3A_62, %mul3A_61 : i32
      %mul3A_64 = arith.constant 16 : i32
      %mul3A_65 = arith.muli %add3A_63, %mul3A_64 : i32
      %swap3A_66 = arith.index_cast %mul3A_65 : i32 to index
      %swap3A_67 = tpu.vector_load %arg7[%swap3A_66] {strides = array<i32>} : memref<20480xf32, #tpu.memory_space<vmem>>, vector<16xf32>,
      tpu.vector_store %arg7[%swap3A_66], %broadcast_in_dim3A_20 {strides = array<i32>} : memref<20480xf32, #tpu.memory_space<vmem>>, vector<16xf32>,
      %scan3A_68 = arith.constant 3 : i32
      %scan3A_69 = arith.addi %scan3A_40, %scan3A_68 : i32
      %mul3A_70 = arith.constant 1 : i32
      %mul3A_71 = arith.muli %scan3A_69, %mul3A_70 : i32
      %add3A_72 = arith.constant 0 : i32
      %add3A_73 = arith.addi %add3A_72, %mul3A_71 : i32
      %mul3A_74 = arith.constant 16 : i32
      %mul3A_75 = arith.muli %add3A_73, %mul3A_74 : i32
      %swap3A_76 = arith.index_cast %mul3A_75 : i32 to index
      %swap3A_77 = tpu.vector_load %arg7[%swap3A_76] {strides = array<i32>} : memref<20480xf32, #tpu.memory_space<vmem>>, vector<16xf32>,
      tpu.vector_store %arg7[%swap3A_76], %broadcast_in_dim3A_20 {strides = array<i32>} : memref<20480xf32, #tpu.memory_space<vmem>>, vector<16xf32>,
      %scan3A_78 = arith.constant 4 : i32
      %scan3A_79 = arith.addi %scan3A_40, %scan3A_78 : i32
      %mul3A_80 = arith.constant 1 : i32
      %mul3A_81 = arith.muli %scan3A_79, %mul3A_80 : i32
      %add3A_82 = arith.constant 0 : i32
      %add3A_83 = arith.addi %add3A_82, %mul3A_81 : i32
      %mul3A_84 = arith.constant 16 : i32
      %mul3A_85 = arith.muli %add3A_83, %mul3A_84 : i32
      %swap3A_86 = arith.index_cast %mul3A_85 : i32 to index
      %swap3A_87 = tpu.vector_load %arg7[%swap3A_86] {strides = array<i32>} : memref<20480xf32, #tpu.memory_space<vmem>>, vector<16xf32>,
      tpu.vector_store %arg7[%swap3A_86], %broadcast_in_dim3A_20 {strides = array<i32>} : memref<20480xf32, #tpu.memory_space<vmem>>, vector<16xf32>,
      %scan3A_88 = arith.constant 5 : i32
      %scan3A_89 = arith.addi %scan3A_40, %scan3A_88 : i32
      %mul3A_90 = arith.constant 1 : i32
      %mul3A_91 = arith.muli %scan3A_89, %mul3A_90 : i32
      %add3A_92 = arith.constant 0 : i32
      %add3A_93 = arith.addi %add3A_92, %mul3A_91 : i32
      %mul3A_94 = arith.constant 16 : i32
      %mul3A_95 = arith.muli %add3A_93, %mul3A_94 : i32
      %swap3A_96 = arith.index_cast %mul3A_95 : i32 to index
      %swap3A_97 = tpu.vector_load %arg7[%swap3A_96] {strides = array<i32>} : memref<20480xf32, #tpu.memory_space<vmem>>, vector<16xf32>,
      tpu.vector_store %arg7[%swap3A_96], %broadcast_in_dim3A_20 {strides = array<i32>} : memref<20480xf32, #tpu.memory_space<vmem>>, vector<16xf32>,
      %scan3A_98 = arith.constant 6 : i32
      %scan3A_99 = arith.addi %scan3A_40, %scan3A_98 : i32
      %mul3A_100 = arith.constant 1 : i32
      %mul3A_101 = arith.muli %scan3A_99, %mul3A_100 : i32
      %add3A_102 = arith.constant 0 : i32
      %add3A_103 = arith.addi %add3A_102, %mul3A_101 : i32
      %mul3A_104 = arith.constant 16 : i32
      %mul3A_105 = arith.muli %add3A_103, %mul3A_104 : i32
      %swap3A_106 = arith.index_cast %mul3A_105 : i32 to index
      %swap3A_107 = tpu.vector_load %arg7[%swap3A_106] {strides = array<i32>} : memref<20480xf32, #tpu.memory_space<vmem>>, vector<16xf32>,
      tpu.vector_store %arg7[%swap3A_106], %broadcast_in_dim3A_20 {strides = array<i32>} : memref<20480xf32, #tpu.memory_space<vmem>>, vector<16xf32>,
      %scan3A_108 = arith.constant 7 : i32
      %scan3A_109 = arith.addi %scan3A_40, %scan3A_108 : i32
      %mul3A_110 = arith.constant 1 : i32
      %mul3A_111 = arith.muli %scan3A_109, %mul3A_110 : i32
      %add3A_112 = arith.constant 0 : i32
      %add3A_113 = arith.addi %add3A_112, %mul3A_111 : i32
      %mul3A_114 = arith.constant 16 : i32
      %mul3A_115 = arith.muli %add3A_113, %mul3A_114 : i32
      %swap3A_116 = arith.index_cast %mul3A_115 : i32 to index
      %swap3A_117 = tpu.vector_load %arg7[%swap3A_116] {strides = array<i32>} : memref<20480xf32, #tpu.memory_space<vmem>>, vector<16xf32>,
      tpu.vector_store %arg7[%swap3A_116], %broadcast_in_dim3A_20 {strides = array<i32>} : memref<20480xf32, #tpu.memory_space<vmem>>, vector<16xf32>,
    }
    %scan3A_24 = arith.constant 1280 : i32
    %broadcast_in_dim3A_25 = arith.constant 16383 : i32
    %broadcast_in_dim3A_26 = vector.broadcast %broadcast_in_dim3A_25 : i32 to vector<16xi32>
    %broadcast_in_dim3A_27 = arith.constant -65536 : i32
    %broadcast_in_dim3A_28 = vector.broadcast %broadcast_in_dim3A_27 : i32 to vector<16xi32>
    %scan3A_29 = arith.constant 0 : i32
    %scan3A_30 = arith.constant 25 : i32
    %scan3A_31 = arith.addi %scan3A_29, %scan3A_30 : i32
    %scan3A_32 = arith.constant 1 : i32
    scf.for %scan3A_40 = %scan3A_29 to %scan3A_31 step %scan3A_32  : i32 {
      %mul3A_41 = arith.constant 2 : i32
      %mul3A_42 = arith.muli %scan3A_40, %mul3A_41 : i32
      %add3A_43 = arith.constant 0 : i32
      %add3A_44 = arith.addi %add3A_43, %mul3A_42 : i32
      %add3A_45 = arith.constant 0 : i32
      %add3A_46 = arith.addi %add3A_44, %add3A_45 : i32
      %dma_wait3A = arith.constant 0 : i32
      %dma_wait3A_47 = tpu.memref_slice %arg3[%dma_wait3A] : memref<320000xi32, #tpu.memory_space<hbm>> -> memref<6400xi32, #tpu.memory_space<hbm>>
      %dma_wait3A_48 = arith.constant 0 : i32
      %dma_wait3A_49 = tpu.memref_slice %arg3[%dma_wait3A_48] : memref<320000xi32, #tpu.memory_space<hbm>> -> memref<6400xi32, #tpu.memory_space<hbm>>
      tpu.wait_dma2 semaphore(%arg12 : memref<!tpu.dma_semaphore, #tpu.memory_space<semaphore_mem>>) src(%dma_wait3A_49 : memref<6400xi32, #tpu.memory_space<hbm>>) dst(%arg8 : memref<6400xi32, #tpu.memory_space<vmem>>)
      %dma_wait3A_50 = arith.constant 0 : i32
      %dma_wait3A_51 = tpu.memref_slice %arg4[%dma_wait3A_50] : memref<320000xf32, #tpu.memory_space<hbm>> -> memref<6400xf32, #tpu.memory_space<hbm>>
      %dma_wait3A_52 = arith.constant 0 : i32
      %dma_wait3A_53 = tpu.memref_slice %arg4[%dma_wait3A_52] : memref<320000xf32, #tpu.memory_space<hbm>> -> memref<6400xf32, #tpu.memory_space<hbm>>
      tpu.wait_dma2 semaphore(%arg12 : memref<!tpu.dma_semaphore, #tpu.memory_space<semaphore_mem>>) src(%dma_wait3A_53 : memref<6400xf32, #tpu.memory_space<hbm>>) dst(%arg9 : memref<6400xf32, #tpu.memory_space<vmem>>)
      %parallel_loop3A = arith.constant 0 : i32
      %parallel_loop3A_54 = arith.constant 400 : i32
      %parallel_loop3A_55 = arith.constant 1 : i32
      scf.for %parallel_loop3A_80 = %parallel_loop3A to %parallel_loop3A_54 step %parallel_loop3A_55  : i32 {
        %parallel_loop3A_81 = arith.constant 16 : i32
        %parallel_loop3A_82 = arith.muli %parallel_loop3A_80, %parallel_loop3A_81 : i32
        %parallel_loop3A_83 = arith.index_cast %parallel_loop3A_82 : i32 to index
        %parallel_loop3A_84 = tpu.vector_load %arg8[%parallel_loop3A_83] {strides = array<i32>} : memref<6400xi32, #tpu.memory_space<vmem>>, vector<16xi32>,
        %parallel_loop3A_85 = arith.index_cast %parallel_loop3A_82 : i32 to index
        %parallel_loop3A_86 = tpu.vector_load %arg9[%parallel_loop3A_85] {strides = array<i32>} : memref<6400xf32, #tpu.memory_space<vmem>>, vector<16xf32>,
        %parallel_loop3A_87 = arith.constant 14 : i32
        %parallel_loop3A_88 = vector.broadcast %parallel_loop3A_87 : i32 to vector<16xi32>
        %parallel_loop3A_89 = arith.shrui %parallel_loop3A_84, %parallel_loop3A_88 : vector<16xi32>
        %parallel_loop3A_90 = arith.andi %parallel_loop3A_84, %broadcast_in_dim3A_26 : vector<16xi32>
        %parallel_loop3A_91 = arith.constant 0 : i32
        %parallel_loop3A_92 = tpu.memref_slice %arg6[%parallel_loop3A_91] : memref<10240xf32, #tpu.memory_space<vmem>> -> memref<10240xf32, #tpu.memory_space<vmem>>
        %parallel_loop3A_93 = tpu.vector_load_idx %parallel_loop3A_92[%parallel_loop3A_89] : memref<10240xf32, #tpu.memory_space<vmem>>[vector<16xi32>], vector<16xf32>,
        %parallel_loop3A_94 = vector.bitcast %parallel_loop3A_93 : vector<16xf32> to vector<16xi32>
        %parallel_loop3A_95 = arith.constant 16 : i32
        %parallel_loop3A_96 = vector.broadcast %parallel_loop3A_95 : i32 to vector<16xi32>
        %parallel_loop3A_97 = arith.shli %parallel_loop3A_94, %parallel_loop3A_96 : vector<16xi32>
        %parallel_loop3A_98 = vector.bitcast %parallel_loop3A_97 : vector<16xi32> to vector<16xf32>
        %parallel_loop3A_99 = arith.andi %parallel_loop3A_94, %broadcast_in_dim3A_28 : vector<16xi32>
        %parallel_loop3A_100 = vector.bitcast %parallel_loop3A_99 : vector<16xi32> to vector<16xf32>
        %parallel_loop3A_101 = arith.mulf %parallel_loop3A_98, %parallel_loop3A_86 : vector<16xf32>
        %parallel_loop3A_102 = arith.constant 0 : i32
        %parallel_loop3A_103 = tpu.memref_slice %arg7[%parallel_loop3A_102] : memref<20480xf32, #tpu.memory_space<vmem>> -> memref<10240xf32, #tpu.memory_space<vmem>>
        tpu.vector_store_idx %parallel_loop3A_103[%parallel_loop3A_90], %parallel_loop3A_101 {add = true} : memref<10240xf32, #tpu.memory_space<vmem>>[vector<16xi32>], vector<16xf32>,
        %parallel_loop3A_104 = arith.mulf %parallel_loop3A_100, %parallel_loop3A_86 : vector<16xf32>
        %parallel_loop3A_105 = arith.constant 10240 : i32
        %parallel_loop3A_106 = tpu.memref_slice %arg7[%parallel_loop3A_105] : memref<20480xf32, #tpu.memory_space<vmem>> -> memref<10240xf32, #tpu.memory_space<vmem>>
        tpu.vector_store_idx %parallel_loop3A_106[%parallel_loop3A_90], %parallel_loop3A_104 {add = true} : memref<10240xf32, #tpu.memory_space<vmem>>[vector<16xi32>], vector<16xf32>,
      } {sc.loop_unroll_factor = 4 : i64, sc.parallel_access}
      %add3A_56 = arith.constant 2 : i32
      %add3A_57 = arith.addi %add3A_46, %add3A_56 : i32
      %lt3A = arith.constant 50 : i32
      %lt3A_58 = arith.cmpi slt, %add3A_57, %lt3A : i32
      %convert_element_type3A = arith.extui %lt3A_58 : i1 to i32
      %cond3A = arith.constant 0 : i32
      %cond3A_59 = arith.cmpi ne, %convert_element_type3A, %cond3A : i32
      scf.if %cond3A_59 {
        %add3A_80 = arith.constant 2 : i32
        %add3A_81 = arith.addi %add3A_46, %add3A_80 : i32
        %mul3A_82 = arith.constant 6400 : i32
        %mul3A_83 = arith.muli %add3A_81, %mul3A_82 : i32
        %dma_start3A_84 = tpu.memref_slice %arg3[%mul3A_83] : memref<320000xi32, #tpu.memory_space<hbm>> -> memref<6400xi32, #tpu.memory_space<hbm>>
        %dma_start3A_85 = tpu.memref_slice %arg3[%mul3A_83] : memref<320000xi32, #tpu.memory_space<hbm>> -> memref<6400xi32, #tpu.memory_space<hbm>>
        tpu.enqueue_dma source(%dma_start3A_85 : memref<6400xi32, #tpu.memory_space<hbm>>) target(%arg8 : memref<6400xi32, #tpu.memory_space<vmem>>) target_semaphore(%arg12 : memref<!tpu.dma_semaphore, #tpu.memory_space<semaphore_mem>>)
        %dma_start3A_86 = tpu.memref_slice %arg4[%mul3A_83] : memref<320000xf32, #tpu.memory_space<hbm>> -> memref<6400xf32, #tpu.memory_space<hbm>>
        %dma_start3A_87 = tpu.memref_slice %arg4[%mul3A_83] : memref<320000xf32, #tpu.memory_space<hbm>> -> memref<6400xf32, #tpu.memory_space<hbm>>
        tpu.enqueue_dma source(%dma_start3A_87 : memref<6400xf32, #tpu.memory_space<hbm>>) target(%arg9 : memref<6400xf32, #tpu.memory_space<vmem>>) target_semaphore(%arg12 : memref<!tpu.dma_semaphore, #tpu.memory_space<semaphore_mem>>)
      } else {
      }
      %add3A_60 = arith.constant 1 : i32
      %add3A_61 = arith.addi %add3A_44, %add3A_60 : i32
      %dma_wait3A_62 = arith.constant 0 : i32
      %dma_wait3A_63 = tpu.memref_slice %arg3[%dma_wait3A_62] : memref<320000xi32, #tpu.memory_space<hbm>> -> memref<6400xi32, #tpu.memory_space<hbm>>
      %dma_wait3A_64 = arith.constant 0 : i32
      %dma_wait3A_65 = tpu.memref_slice %arg3[%dma_wait3A_64] : memref<320000xi32, #tpu.memory_space<hbm>> -> memref<6400xi32, #tpu.memory_space<hbm>>
      tpu.wait_dma2 semaphore(%arg13 : memref<!tpu.dma_semaphore, #tpu.memory_space<semaphore_mem>>) src(%dma_wait3A_65 : memref<6400xi32, #tpu.memory_space<hbm>>) dst(%arg10 : memref<6400xi32, #tpu.memory_space<vmem>>)
      %dma_wait3A_66 = arith.constant 0 : i32
      %dma_wait3A_67 = tpu.memref_slice %arg4[%dma_wait3A_66] : memref<320000xf32, #tpu.memory_space<hbm>> -> memref<6400xf32, #tpu.memory_space<hbm>>
      %dma_wait3A_68 = arith.constant 0 : i32
      %dma_wait3A_69 = tpu.memref_slice %arg4[%dma_wait3A_68] : memref<320000xf32, #tpu.memory_space<hbm>> -> memref<6400xf32, #tpu.memory_space<hbm>>
      tpu.wait_dma2 semaphore(%arg13 : memref<!tpu.dma_semaphore, #tpu.memory_space<semaphore_mem>>) src(%dma_wait3A_69 : memref<6400xf32, #tpu.memory_space<hbm>>) dst(%arg11 : memref<6400xf32, #tpu.memory_space<vmem>>)
      %parallel_loop3A_70 = arith.constant 0 : i32
      %parallel_loop3A_71 = arith.constant 400 : i32
      %parallel_loop3A_72 = arith.constant 1 : i32
      scf.for %parallel_loop3A_80 = %parallel_loop3A_70 to %parallel_loop3A_71 step %parallel_loop3A_72  : i32 {
        %parallel_loop3A_81 = arith.constant 16 : i32
        %parallel_loop3A_82 = arith.muli %parallel_loop3A_80, %parallel_loop3A_81 : i32
        %parallel_loop3A_83 = arith.index_cast %parallel_loop3A_82 : i32 to index
        %parallel_loop3A_84 = tpu.vector_load %arg10[%parallel_loop3A_83] {strides = array<i32>} : memref<6400xi32, #tpu.memory_space<vmem>>, vector<16xi32>,
        %parallel_loop3A_85 = arith.index_cast %parallel_loop3A_82 : i32 to index
        %parallel_loop3A_86 = tpu.vector_load %arg11[%parallel_loop3A_85] {strides = array<i32>} : memref<6400xf32, #tpu.memory_space<vmem>>, vector<16xf32>,
        %parallel_loop3A_87 = arith.constant 14 : i32
        %parallel_loop3A_88 = vector.broadcast %parallel_loop3A_87 : i32 to vector<16xi32>
        %parallel_loop3A_89 = arith.shrui %parallel_loop3A_84, %parallel_loop3A_88 : vector<16xi32>
        %parallel_loop3A_90 = arith.andi %parallel_loop3A_84, %broadcast_in_dim3A_26 : vector<16xi32>
        %parallel_loop3A_91 = arith.constant 0 : i32
        %parallel_loop3A_92 = tpu.memref_slice %arg6[%parallel_loop3A_91] : memref<10240xf32, #tpu.memory_space<vmem>> -> memref<10240xf32, #tpu.memory_space<vmem>>
        %parallel_loop3A_93 = tpu.vector_load_idx %parallel_loop3A_92[%parallel_loop3A_89] : memref<10240xf32, #tpu.memory_space<vmem>>[vector<16xi32>], vector<16xf32>,
        %parallel_loop3A_94 = vector.bitcast %parallel_loop3A_93 : vector<16xf32> to vector<16xi32>
        %parallel_loop3A_95 = arith.constant 16 : i32
        %parallel_loop3A_96 = vector.broadcast %parallel_loop3A_95 : i32 to vector<16xi32>
        %parallel_loop3A_97 = arith.shli %parallel_loop3A_94, %parallel_loop3A_96 : vector<16xi32>
        %parallel_loop3A_98 = vector.bitcast %parallel_loop3A_97 : vector<16xi32> to vector<16xf32>
        %parallel_loop3A_99 = arith.andi %parallel_loop3A_94, %broadcast_in_dim3A_28 : vector<16xi32>
        %parallel_loop3A_100 = vector.bitcast %parallel_loop3A_99 : vector<16xi32> to vector<16xf32>
        %parallel_loop3A_101 = arith.mulf %parallel_loop3A_98, %parallel_loop3A_86 : vector<16xf32>
        %parallel_loop3A_102 = arith.constant 0 : i32
        %parallel_loop3A_103 = tpu.memref_slice %arg7[%parallel_loop3A_102] : memref<20480xf32, #tpu.memory_space<vmem>> -> memref<10240xf32, #tpu.memory_space<vmem>>
        tpu.vector_store_idx %parallel_loop3A_103[%parallel_loop3A_90], %parallel_loop3A_101 {add = true} : memref<10240xf32, #tpu.memory_space<vmem>>[vector<16xi32>], vector<16xf32>,
        %parallel_loop3A_104 = arith.mulf %parallel_loop3A_100, %parallel_loop3A_86 : vector<16xf32>
        %parallel_loop3A_105 = arith.constant 10240 : i32
        %parallel_loop3A_106 = tpu.memref_slice %arg7[%parallel_loop3A_105] : memref<20480xf32, #tpu.memory_space<vmem>> -> memref<10240xf32, #tpu.memory_space<vmem>>
        tpu.vector_store_idx %parallel_loop3A_106[%parallel_loop3A_90], %parallel_loop3A_104 {add = true} : memref<10240xf32, #tpu.memory_space<vmem>>[vector<16xi32>], vector<16xf32>,
      } {sc.loop_unroll_factor = 4 : i64, sc.parallel_access}
      %add3A_73 = arith.constant 2 : i32
      %add3A_74 = arith.addi %add3A_61, %add3A_73 : i32
      %lt3A_75 = arith.constant 50 : i32
      %lt3A_76 = arith.cmpi slt, %add3A_74, %lt3A_75 : i32
      %convert_element_type3A_77 = arith.extui %lt3A_76 : i1 to i32
      %cond3A_78 = arith.constant 0 : i32
      %cond3A_79 = arith.cmpi ne, %convert_element_type3A_77, %cond3A_78 : i32
      scf.if %cond3A_79 {
        %add3A_80 = arith.constant 2 : i32
        %add3A_81 = arith.addi %add3A_61, %add3A_80 : i32
        %mul3A_82 = arith.constant 6400 : i32
        %mul3A_83 = arith.muli %add3A_81, %mul3A_82 : i32
        %dma_start3A_84 = tpu.memref_slice %arg3[%mul3A_83] : memref<320000xi32, #tpu.memory_space<hbm>> -> memref<6400xi32, #tpu.memory_space<hbm>>
        %dma_start3A_85 = tpu.memref_slice %arg3[%mul3A_83] : memref<320000xi32, #tpu.memory_space<hbm>> -> memref<6400xi32, #tpu.memory_space<hbm>>
        tpu.enqueue_dma source(%dma_start3A_85 : memref<6400xi32, #tpu.memory_space<hbm>>) target(%arg10 : memref<6400xi32, #tpu.memory_space<vmem>>) target_semaphore(%arg13 : memref<!tpu.dma_semaphore, #tpu.memory_space<semaphore_mem>>)
        %dma_start3A_86 = tpu.memref_slice %arg4[%mul3A_83] : memref<320000xf32, #tpu.memory_space<hbm>> -> memref<6400xf32, #tpu.memory_space<hbm>>
        %dma_start3A_87 = tpu.memref_slice %arg4[%mul3A_83] : memref<320000xf32, #tpu.memory_space<hbm>> -> memref<6400xf32, #tpu.memory_space<hbm>>
        tpu.enqueue_dma source(%dma_start3A_87 : memref<6400xf32, #tpu.memory_space<hbm>>) target(%arg11 : memref<6400xf32, #tpu.memory_space<vmem>>) target_semaphore(%arg13 : memref<!tpu.dma_semaphore, #tpu.memory_space<semaphore_mem>>)
      } else {
      }
    }
    %scan3A_33 = arith.constant 25 : i32
    %add3A_34 = arith.constant 0 : i32
    %add3A_35 = arith.addi %mul3A_2, %add3A_34 : i32
    "tpu.region"() ({
      %run_scoped3A = tpu.sem_alloc : memref<!tpu.dma_semaphore, #tpu.memory_space<semaphore_mem>>
      %dma_start3A_40 = arith.constant 0 : i32
      %dma_start3A_41 = tpu.memref_slice %arg7[%dma_start3A_40] : memref<20480xf32, #tpu.memory_space<vmem>> -> memref<10240xf32, #tpu.memory_space<vmem>>
      %dma_start3A_42 = arith.constant 0 : i32
      %dma_start3A_43 = tpu.memref_slice %arg5[%add3A_35, %dma_start3A_42] : memref<64x10240xf32, #tpu.memory_space<hbm>> -> memref<1x10240xf32, #tpu.memory_space<hbm>>
      %dma_start3A_44 = tpu.memref_squeeze %dma_start3A_43 : memref<1x10240xf32, #tpu.memory_space<hbm>> -> memref<10240xf32, #tpu.memory_space<hbm>>
      %dma_start3A_45 = arith.constant 0 : i32
      %dma_start3A_46 = tpu.memref_slice %arg5[%add3A_35, %dma_start3A_45] : memref<64x10240xf32, #tpu.memory_space<hbm>> -> memref<1x10240xf32, #tpu.memory_space<hbm>>
      %dma_start3A_47 = tpu.memref_squeeze %dma_start3A_46 : memref<1x10240xf32, #tpu.memory_space<hbm>> -> memref<10240xf32, #tpu.memory_space<hbm>>
      %dma_start3A_48 = arith.constant 0 : i32
      %dma_start3A_49 = tpu.memref_slice %arg7[%dma_start3A_48] : memref<20480xf32, #tpu.memory_space<vmem>> -> memref<10240xf32, #tpu.memory_space<vmem>>
      tpu.enqueue_dma source(%dma_start3A_49 : memref<10240xf32, #tpu.memory_space<vmem>>) target(%dma_start3A_47 : memref<10240xf32, #tpu.memory_space<hbm>>) target_semaphore(%run_scoped3A : memref<!tpu.dma_semaphore, #tpu.memory_space<semaphore_mem>>)
      %dma_wait3A = arith.constant 0 : i32
      %dma_wait3A_50 = tpu.memref_slice %arg7[%dma_wait3A] : memref<20480xf32, #tpu.memory_space<vmem>> -> memref<10240xf32, #tpu.memory_space<vmem>>
      %dma_wait3A_51 = arith.constant 0 : i32
      %dma_wait3A_52 = tpu.memref_slice %arg5[%add3A_35, %dma_wait3A_51] : memref<64x10240xf32, #tpu.memory_space<hbm>> -> memref<1x10240xf32, #tpu.memory_space<hbm>>
      %dma_wait3A_53 = tpu.memref_squeeze %dma_wait3A_52 : memref<1x10240xf32, #tpu.memory_space<hbm>> -> memref<10240xf32, #tpu.memory_space<hbm>>
      %dma_wait3A_54 = arith.constant 0 : i32
      %dma_wait3A_55 = tpu.memref_slice %arg5[%add3A_35, %dma_wait3A_54] : memref<64x10240xf32, #tpu.memory_space<hbm>> -> memref<1x10240xf32, #tpu.memory_space<hbm>>
      %dma_wait3A_56 = tpu.memref_squeeze %dma_wait3A_55 : memref<1x10240xf32, #tpu.memory_space<hbm>> -> memref<10240xf32, #tpu.memory_space<hbm>>
      %dma_wait3A_57 = arith.constant 0 : i32
      %dma_wait3A_58 = tpu.memref_slice %arg7[%dma_wait3A_57] : memref<20480xf32, #tpu.memory_space<vmem>> -> memref<10240xf32, #tpu.memory_space<vmem>>
      tpu.wait_dma2 semaphore(%run_scoped3A : memref<!tpu.dma_semaphore, #tpu.memory_space<semaphore_mem>>) src(%dma_wait3A_58 : memref<10240xf32, #tpu.memory_space<vmem>>) dst(%dma_wait3A_56 : memref<10240xf32, #tpu.memory_space<hbm>>)
      tpu.yield
    }) : () -> ()
    %add3A_36 = arith.constant 32 : i32
    %add3A_37 = arith.addi %add3A_36, %mul3A_2 : i32
    %add3A_38 = arith.constant 0 : i32
    %add3A_39 = arith.addi %add3A_37, %add3A_38 : i32
    "tpu.region"() ({
      %run_scoped3A = tpu.sem_alloc : memref<!tpu.dma_semaphore, #tpu.memory_space<semaphore_mem>>
      %dma_start3A_40 = arith.constant 10240 : i32
      %dma_start3A_41 = tpu.memref_slice %arg7[%dma_start3A_40] : memref<20480xf32, #tpu.memory_space<vmem>> -> memref<10240xf32, #tpu.memory_space<vmem>>
      %dma_start3A_42 = arith.constant 0 : i32
      %dma_start3A_43 = tpu.memref_slice %arg5[%add3A_39, %dma_start3A_42] : memref<64x10240xf32, #tpu.memory_space<hbm>> -> memref<1x10240xf32, #tpu.memory_space<hbm>>
      %dma_start3A_44 = tpu.memref_squeeze %dma_start3A_43 : memref<1x10240xf32, #tpu.memory_space<hbm>> -> memref<10240xf32, #tpu.memory_space<hbm>>
      %dma_start3A_45 = arith.constant 0 : i32
      %dma_start3A_46 = tpu.memref_slice %arg5[%add3A_39, %dma_start3A_45] : memref<64x10240xf32, #tpu.memory_space<hbm>> -> memref<1x10240xf32, #tpu.memory_space<hbm>>
      %dma_start3A_47 = tpu.memref_squeeze %dma_start3A_46 : memref<1x10240xf32, #tpu.memory_space<hbm>> -> memref<10240xf32, #tpu.memory_space<hbm>>
      %dma_start3A_48 = arith.constant 10240 : i32
      %dma_start3A_49 = tpu.memref_slice %arg7[%dma_start3A_48] : memref<20480xf32, #tpu.memory_space<vmem>> -> memref<10240xf32, #tpu.memory_space<vmem>>
      tpu.enqueue_dma source(%dma_start3A_49 : memref<10240xf32, #tpu.memory_space<vmem>>) target(%dma_start3A_47 : memref<10240xf32, #tpu.memory_space<hbm>>) target_semaphore(%run_scoped3A : memref<!tpu.dma_semaphore, #tpu.memory_space<semaphore_mem>>)
      %dma_wait3A = arith.constant 10240 : i32
      %dma_wait3A_50 = tpu.memref_slice %arg7[%dma_wait3A] : memref<20480xf32, #tpu.memory_space<vmem>> -> memref<10240xf32, #tpu.memory_space<vmem>>
      %dma_wait3A_51 = arith.constant 0 : i32
      %dma_wait3A_52 = tpu.memref_slice %arg5[%add3A_39, %dma_wait3A_51] : memref<64x10240xf32, #tpu.memory_space<hbm>> -> memref<1x10240xf32, #tpu.memory_space<hbm>>
      %dma_wait3A_53 = tpu.memref_squeeze %dma_wait3A_52 : memref<1x10240xf32, #tpu.memory_space<hbm>> -> memref<10240xf32, #tpu.memory_space<hbm>>
      %dma_wait3A_54 = arith.constant 0 : i32
      %dma_wait3A_55 = tpu.memref_slice %arg5[%add3A_39, %dma_wait3A_54] : memref<64x10240xf32, #tpu.memory_space<hbm>> -> memref<1x10240xf32, #tpu.memory_space<hbm>>
      %dma_wait3A_56 = tpu.memref_squeeze %dma_wait3A_55 : memref<1x10240xf32, #tpu.memory_space<hbm>> -> memref<10240xf32, #tpu.memory_space<hbm>>
      %dma_wait3A_57 = arith.constant 10240 : i32
      %dma_wait3A_58 = tpu.memref_slice %arg7[%dma_wait3A_57] : memref<20480xf32, #tpu.memory_space<vmem>> -> memref<10240xf32, #tpu.memory_space<vmem>>
      tpu.wait_dma2 semaphore(%run_scoped3A : memref<!tpu.dma_semaphore, #tpu.memory_space<semaphore_mem>>) src(%dma_wait3A_58 : memref<10240xf32, #tpu.memory_space<vmem>>) dst(%dma_wait3A_56 : memref<10240xf32, #tpu.memory_space<hbm>>)
      tpu.yield
    }) : () -> ()
    return
  }
}

module attributes {stable_mosaic.version = 14 : i64} {
  func.func @body(%arg0: i32, %arg1: memref<128x2560xf32, #tpu.memory_space<vmem>>, %arg2: memref<128x128xf32, #tpu.memory_space<vmem>>, %arg3: memref<128x1xf32, #tpu.memory_space<vmem>>, %arg4: memref<64x2560xf32, #tpu.memory_space<vmem>>) attributes {dimension_semantics = [#tpu.dimension_semantics<arbitrary>], iteration_bounds = array<i64: 4>, scalar_prefetch = 0 : i64, scratch_operands = 0 : i64, tpu.core_type = #tpu.core_type<tc>, window_params = [{transform_indices = @transform_0, window_bounds = array<i64: 128, 2560>}, {pipeline_mode = #tpu.pipeline_mode<synchronous>, transform_indices = @transform_1, window_bounds = array<i64: 128, 128>}, {pipeline_mode = #tpu.pipeline_mode<synchronous>, transform_indices = @transform_2, window_bounds = array<i64: 128, 1>}, {transform_indices = @transform_3, window_bounds = array<i64: 64, 2560>}]} {
    %get3A = arith.constant 0 : index
    %get3A_0 = arith.constant 0 : index
    %get3A_1 = vector.load %arg1[%get3A, %get3A_0] : memref<128x2560xf32, #tpu.memory_space<vmem>>, vector<128x2560xf32>
    %get3A_2 = arith.constant 0 : index
    %get3A_3 = arith.constant 0 : index
    %get3A_4 = vector.load %arg2[%get3A_2, %get3A_3] : memref<128x128xf32, #tpu.memory_space<vmem>>, vector<128x128xf32>
    %dot_general3A = arith.constant dense<0.000000e+00> : vector<128x2560xf32>
    %dot_general3A_5 = tpu.matmul %get3A_4, %get3A_1, %dot_general3A {dimension_numbers = #tpu.dot_dimension_numbers<[0], [0], [1], [1], [0, 1, 1, 1], [], []>, transpose_lhs_hint = false} : vector<128x128xf32>, vector<128x2560xf32>, vector<128x2560xf32> -> vector<128x2560xf32>
    %get3A_6 = arith.constant 0 : index
    %get3A_7 = arith.constant 0 : index
    %get3A_8 = vector.load %arg3[%get3A_6, %get3A_7] : memref<128x1xf32, #tpu.memory_space<vmem>>, vector<128x1xf32>
    %add3A = vector.broadcast %get3A_8 : vector<128x1xf32> to vector<128x2560xf32>
    %add3A_9 = arith.addf %dot_general3A_5, %add3A : vector<128x2560xf32>
    %slice3A = vector.extract_strided_slice %add3A_9 {offsets = [0, 0], sizes = [64, 2560], strides = [1, 1]} : vector<128x2560xf32> to vector<64x2560xf32>
    %convert_element_type3A = arith.truncf %slice3A : vector<64x2560xf32> to vector<64x2560xbf16>
    %bitcast_convert_type3A = tpu.bitcast %convert_element_type3A : vector<64x2560xbf16> -> vector<64x2560xi16>
    %convert_element_type3A_10 = arith.extui %bitcast_convert_type3A : vector<64x2560xi16> to vector<64x2560xi32>
    %slice3A_11 = vector.extract_strided_slice %add3A_9 {offsets = [64, 0], sizes = [64, 2560], strides = [1, 1]} : vector<128x2560xf32> to vector<64x2560xf32>
    %convert_element_type3A_12 = arith.truncf %slice3A_11 : vector<64x2560xf32> to vector<64x2560xbf16>
    %bitcast_convert_type3A_13 = tpu.bitcast %convert_element_type3A_12 : vector<64x2560xbf16> -> vector<64x2560xi16>
    %convert_element_type3A_14 = arith.extui %bitcast_convert_type3A_13 : vector<64x2560xi16> to vector<64x2560xi32>
    %shift_left3A = arith.constant 16 : i32
    %shift_left3A_15 = vector.broadcast %shift_left3A : i32 to vector<64x2560xi32>
    %shift_left3A_16 = arith.shli %convert_element_type3A_14, %shift_left3A_15 : vector<64x2560xi32>
    %or3A = arith.ori %shift_left3A_16, %convert_element_type3A_10 : vector<64x2560xi32>
    %bitcast_convert_type3A_17 = tpu.bitcast %or3A : vector<64x2560xi32> -> vector<64x2560xf32>
    %swap3A = arith.constant 0 : index
    %swap3A_18 = arith.constant 0 : index
    %swap3A_19 = vector.load %arg4[%swap3A, %swap3A_18] : memref<64x2560xf32, #tpu.memory_space<vmem>>, vector<64x2560xf32>
    tpu.vector_store %arg4[%swap3A, %swap3A_18], %bitcast_convert_type3A_17 {strides = array<i32>} : memref<64x2560xf32, #tpu.memory_space<vmem>>, vector<64x2560xf32>,
    return
  }
  func.func @transform_0(%arg0: i32) -> (i32, i32) {
    %c0_i32 = arith.constant 0 : i32
    %c0_i32_0 = arith.constant 0 : i32
    return %c0_i32, %arg0 : i32, i32
  }
  func.func @transform_1(%arg0: i32) -> (i32, i32) {
    %c0_i32 = arith.constant 0 : i32
    %c0_i32_0 = arith.constant 0 : i32
    %c0_i32_1 = arith.constant 0 : i32
    return %c0_i32, %c0_i32_0 : i32, i32
  }
  func.func @transform_2(%arg0: i32) -> (i32, i32) {
    %c0_i32 = arith.constant 0 : i32
    %c0_i32_0 = arith.constant 0 : i32
    %c0_i32_1 = arith.constant 0 : i32
    return %c0_i32, %c0_i32_0 : i32, i32
  }
  func.func @transform_3(%arg0: i32) -> (i32, i32) {
    %c0_i32 = arith.constant 0 : i32
    %c0_i32_0 = arith.constant 0 : i32
    return %c0_i32, %arg0 : i32, i32
  }
}

module attributes {stable_mosaic.version = 14 : i64} {
  func.func @body(%arg0: i32, %arg1: memref<128x2560xf32, #tpu.memory_space<vmem>>, %arg2: memref<128x64xf32, #tpu.memory_space<vmem>>, %arg3: memref<64x1xf32, #tpu.memory_space<vmem>>, %arg4: memref<32x2560xf32, #tpu.memory_space<vmem>>) attributes {dimension_semantics = [#tpu.dimension_semantics<arbitrary>], iteration_bounds = array<i64: 4>, scalar_prefetch = 0 : i64, scratch_operands = 0 : i64, tpu.core_type = #tpu.core_type<tc>, window_params = [{transform_indices = @transform_0, window_bounds = array<i64: 128, 2560>}, {pipeline_mode = #tpu.pipeline_mode<synchronous>, transform_indices = @transform_1, window_bounds = array<i64: 128, 64>}, {pipeline_mode = #tpu.pipeline_mode<synchronous>, transform_indices = @transform_2, window_bounds = array<i64: 64, 1>}, {transform_indices = @transform_3, window_bounds = array<i64: 32, 2560>}]} {
    %get3A = arith.constant 0 : index
    %get3A_0 = arith.constant 0 : index
    %get3A_1 = vector.load %arg1[%get3A, %get3A_0] : memref<128x2560xf32, #tpu.memory_space<vmem>>, vector<128x2560xf32>
    %max3A = arith.constant 0.000000e+00 : f32
    %max3A_2 = vector.broadcast %max3A : f32 to vector<128x2560xf32>
    %max3A_3 = arith.maximumf %get3A_1, %max3A_2 : vector<128x2560xf32>
    %get3A_4 = arith.constant 0 : index
    %get3A_5 = arith.constant 0 : index
    %get3A_6 = vector.load %arg2[%get3A_4, %get3A_5] : memref<128x64xf32, #tpu.memory_space<vmem>>, vector<128x64xf32>
    %dot_general3A = arith.constant dense<0.000000e+00> : vector<64x2560xf32>
    %dot_general3A_7 = tpu.matmul %get3A_6, %max3A_3, %dot_general3A {dimension_numbers = #tpu.dot_dimension_numbers<[0], [0], [1], [1], [0, 1, 1, 1], [], []>, transpose_lhs_hint = false} : vector<128x64xf32>, vector<128x2560xf32>, vector<64x2560xf32> -> vector<64x2560xf32>
    %get3A_8 = arith.constant 0 : index
    %get3A_9 = arith.constant 0 : index
    %get3A_10 = vector.load %arg3[%get3A_8, %get3A_9] : memref<64x1xf32, #tpu.memory_space<vmem>>, vector<64x1xf32>
    %add3A = vector.broadcast %get3A_10 : vector<64x1xf32> to vector<64x2560xf32>
    %add3A_11 = arith.addf %dot_general3A_7, %add3A : vector<64x2560xf32>
    %slice3A = vector.extract_strided_slice %add3A_11 {offsets = [0, 0], sizes = [32, 2560], strides = [1, 1]} : vector<64x2560xf32> to vector<32x2560xf32>
    %convert_element_type3A = arith.truncf %slice3A : vector<32x2560xf32> to vector<32x2560xbf16>
    %bitcast_convert_type3A = tpu.bitcast %convert_element_type3A : vector<32x2560xbf16> -> vector<32x2560xi16>
    %convert_element_type3A_12 = arith.extui %bitcast_convert_type3A : vector<32x2560xi16> to vector<32x2560xi32>
    %slice3A_13 = vector.extract_strided_slice %add3A_11 {offsets = [32, 0], sizes = [32, 2560], strides = [1, 1]} : vector<64x2560xf32> to vector<32x2560xf32>
    %convert_element_type3A_14 = arith.truncf %slice3A_13 : vector<32x2560xf32> to vector<32x2560xbf16>
    %bitcast_convert_type3A_15 = tpu.bitcast %convert_element_type3A_14 : vector<32x2560xbf16> -> vector<32x2560xi16>
    %convert_element_type3A_16 = arith.extui %bitcast_convert_type3A_15 : vector<32x2560xi16> to vector<32x2560xi32>
    %shift_left3A = arith.constant 16 : i32
    %shift_left3A_17 = vector.broadcast %shift_left3A : i32 to vector<32x2560xi32>
    %shift_left3A_18 = arith.shli %convert_element_type3A_16, %shift_left3A_17 : vector<32x2560xi32>
    %or3A = arith.ori %shift_left3A_18, %convert_element_type3A_12 : vector<32x2560xi32>
    %bitcast_convert_type3A_19 = tpu.bitcast %or3A : vector<32x2560xi32> -> vector<32x2560xf32>
    %swap3A = arith.constant 0 : index
    %swap3A_20 = arith.constant 0 : index
    %swap3A_21 = vector.load %arg4[%swap3A, %swap3A_20] : memref<32x2560xf32, #tpu.memory_space<vmem>>, vector<32x2560xf32>
    tpu.vector_store %arg4[%swap3A, %swap3A_20], %bitcast_convert_type3A_19 {strides = array<i32>} : memref<32x2560xf32, #tpu.memory_space<vmem>>, vector<32x2560xf32>,
    return
  }
  func.func @transform_0(%arg0: i32) -> (i32, i32) {
    %c0_i32 = arith.constant 0 : i32
    %c0_i32_0 = arith.constant 0 : i32
    return %c0_i32, %arg0 : i32, i32
  }
  func.func @transform_1(%arg0: i32) -> (i32, i32) {
    %c0_i32 = arith.constant 0 : i32
    %c0_i32_0 = arith.constant 0 : i32
    %c0_i32_1 = arith.constant 0 : i32
    return %c0_i32, %c0_i32_0 : i32, i32
  }
  func.func @transform_2(%arg0: i32) -> (i32, i32) {
    %c0_i32 = arith.constant 0 : i32
    %c0_i32_0 = arith.constant 0 : i32
    %c0_i32_1 = arith.constant 0 : i32
    return %c0_i32, %c0_i32_0 : i32, i32
  }
  func.func @transform_3(%arg0: i32) -> (i32, i32) {
    %c0_i32 = arith.constant 0 : i32
    %c0_i32_0 = arith.constant 0 : i32
    return %c0_i32, %arg0 : i32, i32
  }
}

module attributes {stable_mosaic.version = 14 : i64} {
  func.func @body(%arg0: i32, %arg1: memref<64x2560xf32, #tpu.memory_space<vmem>>, %arg2: memref<64x32xf32, #tpu.memory_space<vmem>>, %arg3: memref<32x1xf32, #tpu.memory_space<vmem>>, %arg4: memref<32x2560xf32, #tpu.memory_space<vmem>>) attributes {dimension_semantics = [#tpu.dimension_semantics<arbitrary>], iteration_bounds = array<i64: 4>, scalar_prefetch = 0 : i64, scratch_operands = 0 : i64, tpu.core_type = #tpu.core_type<tc>, window_params = [{transform_indices = @transform_0, window_bounds = array<i64: 64, 2560>}, {pipeline_mode = #tpu.pipeline_mode<synchronous>, transform_indices = @transform_1, window_bounds = array<i64: 64, 32>}, {pipeline_mode = #tpu.pipeline_mode<synchronous>, transform_indices = @transform_2, window_bounds = array<i64: 32, 1>}, {transform_indices = @transform_3, window_bounds = array<i64: 32, 2560>}]} {
    %get3A = arith.constant 0 : index
    %get3A_0 = arith.constant 0 : index
    %get3A_1 = vector.load %arg1[%get3A, %get3A_0] : memref<64x2560xf32, #tpu.memory_space<vmem>>, vector<64x2560xf32>
    %max3A = arith.constant 0.000000e+00 : f32
    %max3A_2 = vector.broadcast %max3A : f32 to vector<64x2560xf32>
    %max3A_3 = arith.maximumf %get3A_1, %max3A_2 : vector<64x2560xf32>
    %get3A_4 = arith.constant 0 : index
    %get3A_5 = arith.constant 0 : index
    %get3A_6 = vector.load %arg2[%get3A_4, %get3A_5] : memref<64x32xf32, #tpu.memory_space<vmem>>, vector<64x32xf32>
    %dot_general3A = arith.constant dense<0.000000e+00> : vector<32x2560xf32>
    %dot_general3A_7 = tpu.matmul %get3A_6, %max3A_3, %dot_general3A {dimension_numbers = #tpu.dot_dimension_numbers<[0], [0], [1], [1], [0, 1, 1, 1], [], []>, transpose_lhs_hint = false} : vector<64x32xf32>, vector<64x2560xf32>, vector<32x2560xf32> -> vector<32x2560xf32>
    %get3A_8 = arith.constant 0 : index
    %get3A_9 = arith.constant 0 : index
    %get3A_10 = vector.load %arg3[%get3A_8, %get3A_9] : memref<32x1xf32, #tpu.memory_space<vmem>>, vector<32x1xf32>
    %add3A = vector.broadcast %get3A_10 : vector<32x1xf32> to vector<32x2560xf32>
    %add3A_11 = arith.addf %dot_general3A_7, %add3A : vector<32x2560xf32>
    %swap3A = arith.constant 0 : index
    %swap3A_12 = arith.constant 0 : index
    %swap3A_13 = vector.load %arg4[%swap3A, %swap3A_12] : memref<32x2560xf32, #tpu.memory_space<vmem>>, vector<32x2560xf32>
    tpu.vector_store %arg4[%swap3A, %swap3A_12], %add3A_11 {strides = array<i32>} : memref<32x2560xf32, #tpu.memory_space<vmem>>, vector<32x2560xf32>,
    return
  }
  func.func @transform_0(%arg0: i32) -> (i32, i32) {
    %c0_i32 = arith.constant 0 : i32
    %c0_i32_0 = arith.constant 0 : i32
    return %c0_i32, %arg0 : i32, i32
  }
  func.func @transform_1(%arg0: i32) -> (i32, i32) {
    %c0_i32 = arith.constant 0 : i32
    %c0_i32_0 = arith.constant 0 : i32
    %c0_i32_1 = arith.constant 0 : i32
    return %c0_i32, %c0_i32_0 : i32, i32
  }
  func.func @transform_2(%arg0: i32) -> (i32, i32) {
    %c0_i32 = arith.constant 0 : i32
    %c0_i32_0 = arith.constant 0 : i32
    %c0_i32_1 = arith.constant 0 : i32
    return %c0_i32, %c0_i32_0 : i32, i32
  }
  func.func @transform_3(%arg0: i32) -> (i32, i32) {
    %c0_i32 = arith.constant 0 : i32
    %c0_i32_0 = arith.constant 0 : i32
    return %c0_i32, %arg0 : i32, i32
  }
}

module attributes {stable_mosaic.version = 14 : i64} {
  func.func @body(%arg0: i32, %arg1: memref<32x2560xf32, #tpu.memory_space<vmem>>, %arg2: memref<32x32xf32, #tpu.memory_space<vmem>>, %arg3: memref<32x1xf32, #tpu.memory_space<vmem>>, %arg4: memref<32x16xf32, #tpu.memory_space<vmem>>, %arg5: memref<16x1xf32, #tpu.memory_space<vmem>>, %arg6: memref<16x8xf32, #tpu.memory_space<vmem>>, %arg7: memref<8x1xf32, #tpu.memory_space<vmem>>, %arg8: memref<8x2560xf32, #tpu.memory_space<vmem>>) attributes {dimension_semantics = [#tpu.dimension_semantics<arbitrary>], iteration_bounds = array<i64: 4>, scalar_prefetch = 0 : i64, scratch_operands = 0 : i64, tpu.core_type = #tpu.core_type<tc>, window_params = [{transform_indices = @transform_0, window_bounds = array<i64: 32, 2560>}, {pipeline_mode = #tpu.pipeline_mode<synchronous>, transform_indices = @transform_1, window_bounds = array<i64: 32, 32>}, {pipeline_mode = #tpu.pipeline_mode<synchronous>, transform_indices = @transform_2, window_bounds = array<i64: 32, 1>}, {pipeline_mode = #tpu.pipeline_mode<synchronous>, transform_indices = @transform_3, window_bounds = array<i64: 32, 16>}, {pipeline_mode = #tpu.pipeline_mode<synchronous>, transform_indices = @transform_4, window_bounds = array<i64: 16, 1>}, {pipeline_mode = #tpu.pipeline_mode<synchronous>, transform_indices = @transform_5, window_bounds = array<i64: 16, 8>}, {pipeline_mode = #tpu.pipeline_mode<synchronous>, transform_indices = @transform_6, window_bounds = array<i64: 8, 1>}, {transform_indices = @transform_7, window_bounds = array<i64: 8, 2560>}]} {
    %get3A = arith.constant 0 : index
    %get3A_0 = arith.constant 0 : index
    %get3A_1 = vector.load %arg1[%get3A, %get3A_0] : memref<32x2560xf32, #tpu.memory_space<vmem>>, vector<32x2560xf32>
    %max3A = arith.constant 0.000000e+00 : f32
    %max3A_2 = vector.broadcast %max3A : f32 to vector<32x2560xf32>
    %max3A_3 = arith.maximumf %get3A_1, %max3A_2 : vector<32x2560xf32>
    %get3A_4 = arith.constant 0 : index
    %get3A_5 = arith.constant 0 : index
    %get3A_6 = vector.load %arg2[%get3A_4, %get3A_5] : memref<32x32xf32, #tpu.memory_space<vmem>>, vector<32x32xf32>
    %dot_general3A = arith.constant dense<0.000000e+00> : vector<32x2560xf32>
    %dot_general3A_7 = tpu.matmul %get3A_6, %max3A_3, %dot_general3A {dimension_numbers = #tpu.dot_dimension_numbers<[0], [0], [1], [1], [0, 1, 1, 1], [], []>, transpose_lhs_hint = false} : vector<32x32xf32>, vector<32x2560xf32>, vector<32x2560xf32> -> vector<32x2560xf32>
    %get3A_8 = arith.constant 0 : index
    %get3A_9 = arith.constant 0 : index
    %get3A_10 = vector.load %arg3[%get3A_8, %get3A_9] : memref<32x1xf32, #tpu.memory_space<vmem>>, vector<32x1xf32>
    %add3A = vector.broadcast %get3A_10 : vector<32x1xf32> to vector<32x2560xf32>
    %add3A_11 = arith.addf %dot_general3A_7, %add3A : vector<32x2560xf32>
    %max3A_12 = arith.constant 0.000000e+00 : f32
    %max3A_13 = vector.broadcast %max3A_12 : f32 to vector<32x2560xf32>
    %max3A_14 = arith.maximumf %add3A_11, %max3A_13 : vector<32x2560xf32>
    %get3A_15 = arith.constant 0 : index
    %get3A_16 = arith.constant 0 : index
    %get3A_17 = vector.load %arg4[%get3A_15, %get3A_16] : memref<32x16xf32, #tpu.memory_space<vmem>>, vector<32x16xf32>
    %dot_general3A_18 = arith.constant dense<0.000000e+00> : vector<16x2560xf32>
    %dot_general3A_19 = tpu.matmul %get3A_17, %max3A_14, %dot_general3A_18 {dimension_numbers = #tpu.dot_dimension_numbers<[0], [0], [1], [1], [0, 1, 1, 1], [], []>, transpose_lhs_hint = false} : vector<32x16xf32>, vector<32x2560xf32>, vector<16x2560xf32> -> vector<16x2560xf32>
    %get3A_20 = arith.constant 0 : index
    %get3A_21 = arith.constant 0 : index
    %get3A_22 = vector.load %arg5[%get3A_20, %get3A_21] : memref<16x1xf32, #tpu.memory_space<vmem>>, vector<16x1xf32>
    %add3A_23 = vector.broadcast %get3A_22 : vector<16x1xf32> to vector<16x2560xf32>
    %add3A_24 = arith.addf %dot_general3A_19, %add3A_23 : vector<16x2560xf32>
    %max3A_25 = arith.constant 0.000000e+00 : f32
    %max3A_26 = vector.broadcast %max3A_25 : f32 to vector<16x2560xf32>
    %max3A_27 = arith.maximumf %add3A_24, %max3A_26 : vector<16x2560xf32>
    %get3A_28 = arith.constant 0 : index
    %get3A_29 = arith.constant 0 : index
    %get3A_30 = vector.load %arg6[%get3A_28, %get3A_29] : memref<16x8xf32, #tpu.memory_space<vmem>>, vector<16x8xf32>
    %dot_general3A_31 = arith.constant dense<0.000000e+00> : vector<8x2560xf32>
    %dot_general3A_32 = tpu.matmul %get3A_30, %max3A_27, %dot_general3A_31 {dimension_numbers = #tpu.dot_dimension_numbers<[0], [0], [1], [1], [0, 1, 1, 1], [], []>, transpose_lhs_hint = false} : vector<16x8xf32>, vector<16x2560xf32>, vector<8x2560xf32> -> vector<8x2560xf32>
    %get3A_33 = arith.constant 0 : index
    %get3A_34 = arith.constant 0 : index
    %get3A_35 = vector.load %arg7[%get3A_33, %get3A_34] : memref<8x1xf32, #tpu.memory_space<vmem>>, vector<8x1xf32>
    %add3A_36 = vector.broadcast %get3A_35 : vector<8x1xf32> to vector<8x2560xf32>
    %add3A_37 = arith.addf %dot_general3A_32, %add3A_36 : vector<8x2560xf32>
    %swap3A = arith.constant 0 : index
    %swap3A_38 = arith.constant 0 : index
    %swap3A_39 = vector.load %arg8[%swap3A, %swap3A_38] : memref<8x2560xf32, #tpu.memory_space<vmem>>, vector<8x2560xf32>
    tpu.vector_store %arg8[%swap3A, %swap3A_38], %add3A_37 {strides = array<i32>} : memref<8x2560xf32, #tpu.memory_space<vmem>>, vector<8x2560xf32>,
    return
  }
  func.func @transform_0(%arg0: i32) -> (i32, i32) {
    %c0_i32 = arith.constant 0 : i32
    %c0_i32_0 = arith.constant 0 : i32
    return %c0_i32, %arg0 : i32, i32
  }
  func.func @transform_1(%arg0: i32) -> (i32, i32) {
    %c0_i32 = arith.constant 0 : i32
    %c0_i32_0 = arith.constant 0 : i32
    %c0_i32_1 = arith.constant 0 : i32
    return %c0_i32, %c0_i32_0 : i32, i32
  }
  func.func @transform_2(%arg0: i32) -> (i32, i32) {
    %c0_i32 = arith.constant 0 : i32
    %c0_i32_0 = arith.constant 0 : i32
    %c0_i32_1 = arith.constant 0 : i32
    return %c0_i32, %c0_i32_0 : i32, i32
  }
  func.func @transform_3(%arg0: i32) -> (i32, i32) {
    %c0_i32 = arith.constant 0 : i32
    %c0_i32_0 = arith.constant 0 : i32
    %c0_i32_1 = arith.constant 0 : i32
    return %c0_i32, %c0_i32_0 : i32, i32
  }
  func.func @transform_4(%arg0: i32) -> (i32, i32) {
    %c0_i32 = arith.constant 0 : i32
    %c0_i32_0 = arith.constant 0 : i32
    %c0_i32_1 = arith.constant 0 : i32
    return %c0_i32, %c0_i32_0 : i32, i32
  }
  func.func @transform_5(%arg0: i32) -> (i32, i32) {
    %c0_i32 = arith.constant 0 : i32
    %c0_i32_0 = arith.constant 0 : i32
    %c0_i32_1 = arith.constant 0 : i32
    return %c0_i32, %c0_i32_0 : i32, i32
  }
  func.func @transform_6(%arg0: i32) -> (i32, i32) {
    %c0_i32 = arith.constant 0 : i32
    %c0_i32_0 = arith.constant 0 : i32
    %c0_i32_1 = arith.constant 0 : i32
    return %c0_i32, %c0_i32_0 : i32, i32
  }
  func.func @transform_7(%arg0: i32) -> (i32, i32) {
    %c0_i32 = arith.constant 0 : i32
    %c0_i32_0 = arith.constant 0 : i32
    return %c0_i32, %arg0 : i32, i32
  }
}

</mosaic_0001>

<sc_bundles>
// kernel: kernel.12.cloned.1.call-start
scs
__scs_entry_jumppad:
0x0: {  	(pc) =	sbr.rel $0x88, $3  }
0x1: {  	(tag) =	ssettag $0x0;
	lr =	simm.s32 $0x1  }
0x2: {  	[smem:$0x3F92] =	sst lr;
	_ =	strace $0xD0000000  }
0x3: {  	_ = 	snop  }
0x4: {  	_ = 	snop  }
0x5: {  	_ = 	snop  }
0x6: {  	_ = 	snop  }
0x7: {  	_ = 	snop  }
__scs_overlays_trampoline_lowered:
0x8: {  	[smem:$0x3FA1] =	sst s0  }
0x9: {  	[smem:$0x3FA2] =	sst s1  }
0xa: {  	[smem:$0x3FA3] =	sst s2  }
0xb: {  	[smem:$0x3FA4] =	sst s3  }
0xc: {  	[smem:$0x3FA5] =	sst s4  }
0xd: {  	[smem:$0x3FA6] =	sst s5  }
0xe: {  	[smem:$0x3FA7] =	sst s6  }
0xf: {  	[smem:$0x3FA8] =	sst s7  }
0x10: {  	[smem:$0x3FA9] =	sst s8  }
0x11: {  	[smem:$0x3FAA] =	sst s9;
	s0 =	simm.s32 @!p0 $0x0  }
0x12: {  	s1 =	sld [smem:$0x3F90];
	s0 =	simm.s32 @p0 $0x1  }
0x13: {  	[smem:$0x3FAB] =	sst s0;
	s0 =	simm.s32 @!p1 $0x0  }
0x14: {  	s2 =	sld [smem:$0x3F8F];
	s0 =	simm.s32 @p1 $0x1  }
0x15: {  	[smem:$0x3FAC] =	sst s0;
	s0 =	simm.s32 @!p2 $0x0  }
0x16: {  	s3 =	sld [smem:$0x3FDB];
	s0 =	simm.s32 @p2 $0x1  }
0x17: {  	s4 =	simm.s32 $0x1BF5;
	[smem:$0x3FAE] =	sst s0  }
0x18: {  	s0 =	sld [smem:$0x3F91];
	_ =	swait.ge [sflag:s4], $0x0  }
0x19: {  	s7 =	sld [smem:$0x3F92]  }
0x1a: {  	s8 =	sadd.s32 $0xFFFFE003, lr  }
0x1b: {  	s9 =	sadd.s32 $0xFFFFFEF7, lr;
	s5 =	simm.s32 $0xFFFFFFFF;
	p2 =	slt.u32 s8, $0xFFFFF086  }
0x1c: {  	p1 =	slt.u32 s9, $0xF7A;
	s5 =	simm.s32 @!p2 $0x0  }
0x1d: {  	s5 =	simm.s32 @p1 $0x1;
	p0 =	seq.s32 s7, s2  }
0x1e: {  	s7 =	smul.u32 @!p0 $0xF7A, s2;
	p2 =	seq.s32 @!p0 s5, $0x0  }
0x1f: {  	s9 =	smul.u32 $0xF7A, s1;
	s8 =	simm.s32 @!p0 $0x1BF5;
	p2 =	por !p2, p0  }
0x20: {  	[sflag:s8] =	ssyncset.s32 @!p0 $0xFFFFF086;
	s6 =	sadd.s32 @!p0 s3, s7;
	s7 =	simm.s32 @!p0 $0x108  }
0x21: {  	s3 =	sadd.s32 s3, s9;
	s6 =	sadd.s32 @!p0 $0x88, s6;
	s7 =	simm.s32 @p2 $0x1082  }
0x22: {  	[simem:s7], [sflag:s8] =	dma.local @!p0 [hbm:s6], $0xF7A  }
0x23: {  	s9 =	sor.u32 $0xD0000000, s2;
	s6 =	simm.s32 $0x108;
	_ =	swait.ge @!p0 [sflag:s8], $0x0  }
0x24: {  	s3 =	sadd.s32 $0x88, s3;
	s6 =	simm.s32 @!p1 $0x1082;
	[sflag:s4] =	ssyncset.s32 $0xFFFFF086  }
0x25: {  	[simem:s6], [sflag:s4] =	dma.local [hbm:s3], $0xF7A  }
0x26: {  	[smem:$0x3F92] =	sst s1;
	(tag) =	ssettag s2;
	_ =	strace s9  }
0x27: {  	s1 =	sld [smem:$0x3FA2]  }
0x28: {  	s2 =	sld [smem:$0x3FA3]  }
0x29: {  	s4 =	sld [smem:$0x3FA5]  }
0x2a: {  	p0 =	seq.s32 s5, $0x0;
	s5 =	sld [smem:$0x3FA6]  }
0x2b: {  	s6 =	sld [smem:$0x3FA7]  }
0x2c: {  	s7 =	sld [smem:$0x3FA8]  }
0x2d: {  	s3 =	simm.s32 $0x108;
	s8 =	sld [smem:$0x3FA9]  }
0x2e: {  	s3 =	simm.s32 @!p0 $0x1082;
	s9 =	sld [smem:$0x3FAA]  }
0x2f: {  	lr =	sadd.s32 s0, s3;
	s0 =	sld [smem:$0x3FA1]  }
0x30: {  	s3 =	sld [smem:$0x3FA4]  }
0x31: {  	[smem:$0x3FAD] =	sst s10  }
0x32: {  	s10 =	sld [smem:$0x3FAB];
	_ =	sdelay $0x3  }
0x33: {  	p0 =	seq.s32 s10, $0x1;
	s10 =	sld [smem:$0x3FAD];
	_ =	sdelay $0x3  }
0x34: {  	[smem:$0x3FAD] =	sst s10  }
0x35: {  	s10 =	sld [smem:$0x3FAC];
	_ =	sdelay $0x3  }
0x36: {  	p1 =	seq.s32 s10, $0x1;
	s10 =	sld [smem:$0x3FAD];
	_ =	sdelay $0x3  }
0x37: {  	[smem:$0x3FAD] =	sst s10  }
0x38: {  	s10 =	sld [smem:$0x3FAE]  }
0x39: {  	_ = 	snop;
	(pc) =	sbr.ind lr, $3  }
0x3a: {  	_ = 	snop  }
0x3b: {  	_ = 	snop  }
0x3c: {  	p2 =	seq.s32 s10, $0x1;
	s10 =	sld [smem:$0x3FAD]  }
0x3d: {  	_ =	shalt  }
0x3e: {  	_ =	shalt  }
0x3f: {  	_ =	shalt  }
0x40: {  	_ =	shalt  }
0x41: {  	_ =	shalt  }
0x42: {  	_ =	shalt  }
0x43: {  	_ =	shalt  }
0x44: {  	_ =	shalt  }
0x45: {  	_ =	shalt  }
0x46: {  	_ =	shalt  }
0x47: {  	_ =	shalt  }
0x48: {  	_ =	shalt  }
0x49: {  	_ =	shalt  }
0x4a: {  	_ =	shalt  }
0x4b: {  	_ =	shalt  }
0x4c: {  	_ =	shalt  }
0x4d: {  	_ =	shalt  }
0x4e: {  	_ =	shalt  }
0x4f: {  	_ =	shalt  }
0x50: {  	_ =	shalt  }
0x51: {  	_ =	shalt  }
0x52: {  	_ =	shalt  }
0x53: {  	_ =	shalt  }
0x54: {  	_ =	shalt  }
0x55: {  	_ =	shalt  }
0x56: {  	_ =	shalt  }
0x57: {  	_ =	shalt  }
0x58: {  	_ =	shalt  }
0x59: {  	_ =	shalt  }
0x5a: {  	_ =	shalt  }
0x5b: {  	_ =	shalt  }
0x5c: {  	_ =	shalt  }
0x5d: {  	_ =	shalt  }
0x5e: {  	_ =	shalt  }
0x5f: {  	_ =	shalt  }
0x60: {  	_ =	shalt  }
0x61: {  	_ =	shalt  }
0x62: {  	_ =	shalt  }
0x63: {  	_ =	shalt  }
0x64: {  	_ =	shalt  }
0x65: {  	_ =	shalt  }
0x66: {  	_ =	shalt  }
0x67: {  	_ =	shalt  }
0x68: {  	_ =	shalt  }
0x69: {  	_ =	shalt  }
0x6a: {  	_ =	shalt  }
0x6b: {  	_ =	shalt  }
0x6c: {  	_ =	shalt  }
0x6d: {  	_ =	shalt  }
0x6e: {  	_ =	shalt  }
0x6f: {  	_ =	shalt  }
0x70: {  	_ =	shalt  }
0x71: {  	_ =	shalt  }
0x72: {  	_ =	shalt  }
0x73: {  	_ =	shalt  }
0x74: {  	_ =	shalt  }
0x75: {  	_ =	shalt  }
0x76: {  	_ =	shalt  }
0x77: {  	_ =	shalt  }
0x78: {  	_ =	shalt  }
0x79: {  	_ =	shalt  }
0x7a: {  	_ =	shalt  }
0x7b: {  	_ =	shalt  }
0x7c: {  	_ =	shalt  }
0x7d: {  	_ =	shalt  }
0x7e: {  	_ =	shalt  }
0x7f: {  	_ =	shalt  }
0x80: {  	_ =	shalt  }
0x81: {  	_ =	shalt  }
0x82: {  	_ =	shalt  }
0x83: {  	_ =	shalt  }
0x84: {  	_ =	shalt  }
0x85: {  	_ =	shalt  }
0x86: {  	_ =	shalt  }
0x87: {  	_ =	shalt  }
.Lfunc_end0:
.L_simem_size_0:
called_computation.1_lowered:
.L_overlay_start_0:
0x88: {  	s2 =	sld [smem:$0x3FD9]  }
0x89: {  	s3 =	sld [smem:$0x3FFE];
	_ =	sdelay $0x1  }
0x8a: {  	s1 =	srdreg.scid  }
0x8b: {  	s0 =	sand.u32 $0x1, s1  }
0x8c: {  	s17 =	sshll.u32 s0, $0xA;
	s2 =	sadd.s32 s3, s2  }
0x8d: {  	s2 =	sadd.s32 s2, s17  }
0x8e: {  	[smem:$0x3FB9] =	sst s2  }
0x8f: {  	_ = 	snop  }
0x90: {  	s2 =	sld [smem:$0x3FC7];
	(tm) =	ssettm $0x1  }
0x91: {  	s18 =	sld [smem:$0x3FFB];
	_ =	sdelay $0x3  }
0x92: {  	_ =	strace s18  }
0x93: {  	s3 =	sld [smem:$0x3FFC];
	_ =	sdelay $0x3  }
0x94: {  	_ =	strace s3  }
0x95: {  	s3 =	sld [smem:$0x3FFD];
	_ =	sdelay $0x3  }
0x96: {  	_ =	strace s3  }
0x97: {  	_ =	strace $0x8FFFFFFF  }
0x98: {  	s19 =	sld [smem:$0x3FDB];
	_ =	sdelay $0x1  }
0x99: {  	s4 =	simm.s32 $_scs_section_size  }
0x9a: {  	s5 =	simm.s32 $_size__tile_overlayer_lowered;
	s6 =	simm.s32 $_tile_overlayer_lowered  }
0x9b: {  	s22 =	simm.s32 $0x1BFF;
	s21 =	sshll.u32 s6, $0x1;
	s3 =	sadd.s32 s4, s19  }
0x9c: {  	s7 =	simm.s32 $0x0;
	s20 =	sshll.u32 s5, $0x1;
	s5 =	sadd.s32 s21, s3  }
0x9d: {  	[timem:s7], [sflag:s22] =	dma.local [hbm:s5], s20  }
0x9e: {  	_ =	swait.ge [sflag:s22], s20  }
0x9f: {  	s4 =	ssub.s32 $0x0, s20;
	[sflag:s22] =	ssyncset.done $0x0  }
0xa0: {  	[sflag:s22] =	ssyncadd.s32 s4;
	_ =	sdelay $0x1  }
0xa1: {  	s23 =	simm.s32 $0x1B8B  }
0xa2: {  	_ =	swait.ge [sflag:s23], $0x1  }
0xa3: {  	[sflag:s23] =	ssyncset.done $0x0  }
0xa4: {  	s25 =	simm.s32 $0x1B8E;
	s24 =	sld [smem:$0x3FFE];
	[sflag:s23] =	ssyncadd.s32 $0xFFFFFFFF  }
0xa5: {  	s26 =	simm.s32 $execute0_lowered;
	[smem:$0x3FD2] =	sst s25  }
0xa6: {  	s5 =	sshll.u32 s26, $0x1;
	_ =	strace $0x80000049;
	[dreg:$0x1] =	wrdreg $0xFFFFFFFF  }
0xa7: {  	s28 =	simm.s32 $_size_execute0_lowered;
	s3 =	sadd.s32 s3, s5;
	[dreg:$0x0] =	wrdreg $0x0  }
0xa8: {  	s5 =	sshll.u32 s28, $0x1;
	[dreg:$0x2] =	wrdreg s3  }
0xa9: {  	[dreg:$0x3] =	wrdreg s5  }
0xaa: {  	[dreg:$0x4] =	wrdreg $0xC0  }
0xab: {  	_ =	task [dreg:s7], $0x5FFFF  }
0xac: {  	[dreg:$0x1] =	wrdreg $0xFFFFFFFF  }
0xad: {  	[dreg:$0x0] =	wrdreg $0x60  }
0xae: {  	[dreg:$0x2] =	wrdreg s24  }
0xaf: {  	[dreg:$0x3] =	wrdreg s2  }
0xb0: {  	[dreg:$0x4] =	wrdreg $0x9  }
0xb1: {  	_ =	task.clear_ibuf [dreg:s7], $0x5FFFF;
	_ =	strace $0x90000049  }
0xb2: {  	s29 =	simm.s32 $0x9;
	_ =	strace $0x8000004B  }
0xb3: {  	_ =	swait.ge [sflag:s29], $0x1  }
0xb4: {  	[sflag:s29] =	ssyncadd.s32 $0xFFFFFFFF  }
0xb5: {  	_ =	strace $0x9000004B  }
0xb6: {  	_ =	sfence  }
0xb7: {  	s30 =	sld [smem:$0x0];
	_ =	sdelay $0x2  }
0xb8: {  	s31 =	sshll.u32 s1, $0xD;
	s1 =	sshrl.u32 s1, $0x2  }
0xb9: {  	s3 =	sand.u32 $0x4000, s31;
	s1 =	sadd.s32 s1, s30  }
0xba: {  	s0 =	sor.u32 s3, s0;
	s1 =	sshll.u32 s1, $0x11  }
0xbb: {  	s0 =	sor.u32 s1, s0  }
0xbc: {  	s0 =	sadd.s32 $0x8F2B, s0  }
0xbd: {  	[sflag:s0] =	ssyncadd.remote.s32 $0x1  }
0xbe: {  	_ =	sfence.sel $0xFFFF  }
0xbf: {  	[dreg:$0x0] =	wrdreg $0xFFFFFFFF;
	(pc) =	sbr.abs _section_cstart, $3  }
0xc0: {  	[dreg:$0x1] =	wrdreg $0xFFFFFFFF  }
0xc1: {  	_ =	task.clear_ibuf [dreg:s7], $0x2FFFF;
	_ =	strace $0x9FFFFFFF  }
0xc2: {  	(tm) =	ssettm $0x7FFFFFFF  }
0xc3: {  	_ =	shalt  }
tec
execute0_lowered:
.L_overlay_start_1:
0x0: {  	(tag) =	ssettag $0x1  }
0x1: {  	s5 =	rddreg [dreg:$0x0];
	s1 =	srdreg.scid  }
0x2: {  	s0 =	stileid.u32;
	s12 =	simm.s32 $0x9100;
	s13 =	simm.s32 $0xAA00  }
0x3: {  	s14 =	simm.s32 $0xC300;
	s15 =	simm.s32 $0x80;
	s16 =	simm.s32 $0x400  }
0x4: {  	s17 =	simm.s32 $0x3;
	s18 =	simm.s32 $0x1;
	s19 =	simm.s32 $0x2800  }
0x5: {  	s20 =	simm.s32 $0x5000;
	s21 =	simm.s32 $0x2;
	s22 =	simm.s32 $0x0  }
0x6: {  	s4 =	sand.u32 $0x1, s1;
	s28 =	sshrl.u32 s0, $0x2;
	s2 =	sshll.u32 s0, $0x8  }
0x7: {  	s1 =	rddreg [dreg:$0x2];
	s10 =	sadd.s32 $0x16C00, s5;
	s6 =	smul.u32 $0x14000, s28  }
0x8: {  	s29 =	sshll.u32 s4, $0x7;
	s3 =	sand.u32 $0x300, s2;
	s2 =	rddreg [dreg:$0x1]  }
0x9: {  	s9 =	ssub.s32 $0x2, s4;
	s4 =	sadd.s32 $0x2E00, s5;
	s7 =	sor.u32 s29, s3  }
0xa: {  	s3 =	simm.s32 $0x0;
	s11 =	sshrl.u32 s9, $0x1;
	s6 =	sor.u32 s6, s7  }
.Ltmp0:
0xb: {  	[smem:$0x7FF] =	sst s3;
	s11 =	ssub.s32 s9, s11;
	(pc) =	sbr.rel .LBB2_1-.Ltmp0, $4  }
0xc: {  	s8 =	sshrl.u32 s6, $0x3;
	_ =	strace $0x8000004A;
	s31 =	sadd.s32 $0x50000, s6  }
0xd: {  	s6 =	sadd.s32 $0x320, s2;
	s30 =	sadd.s32 s8, s5;
	s5 =	sadd.s32 $0x3120, s5  }
0xe: {  	s9 =	sshrl.u32 s31, $0x3;
	s8 =	sadd.s32 s10, s8;
	s7 =	sadd.s32 $0xCC00, s30  }
0xf: {  	v0 =	vimm.f32 $0.0e+00;
	s9 =	sadd.s32 s10, s9;
	s10 =	smax.u32 s11, $0x1;
	s11 =	simm.s32 $0x7800  }
.LBB2_10:
0x10: {  	[hbm4b:s8+s15] =	stream.strided.scatter [tilespmem:s19], [sflag:$0x3], $0x2800, s16, s15, $0x38;
	[tilespmem:$0xDC00] =	vst v63  }
0x11: {  	s22 =	sadd.s32 $0x1, s22;
	_ =	swait.ge [sflag:s17], $0x2800  }
0x12: {  	p0 =	sne.s32 s22, s10;
	[sflag:s17] =	ssyncset.done $0x0  }
.Ltmp1:
0x13: {  	[sflag:s17] =	ssyncadd.s32 $0xFFFFD800;
	(pc) =	sbr.rel @!p0 .LBB2_11-.Ltmp1, $4  }
0x14: {  	[hbm4b:s9+s15] =	stream.strided.scatter [tilespmem:s20], [sflag:$0x3], $0x2800, s16, s15, $0x38;
	[tilespmem:$0xDC00] =	vst v63  }
0x15: {  	_ =	swait.ge [sflag:s17], $0x2800  }
0x16: {  	[sflag:s17] =	ssyncset.done $0x0  }
0x17: {  	[sflag:s17] =	ssyncadd.s32 $0xFFFFD800  }
.LBB2_1:
0x18: {  	[tilespmem:s11], [sflag:$0x1] =	stream.linear.gather [hbm4b:s4+s3], $0x1900, $0x38;
	[tilespmem:$0xDC00] =	vst v63  }
0x19: {  	_ = 	snop  }
0x1a: {  	[tilespmem:s12], [sflag:$0x1] =	stream.linear.gather [hbm4b:s2+s3], $0x1900, $0x38;
	[tilespmem:$0xDC00] =	vst v63  }
0x1b: {  	_ = 	snop  }
0x1c: {  	[tilespmem:s13], [sflag:$0x2] =	stream.linear.gather [hbm4b:s5+s3], $0x1900, $0x38;
	[tilespmem:$0xDC00] =	vst v63  }
0x1d: {  	_ = 	snop  }
0x1e: {  	[tilespmem:s14], [sflag:$0x2] =	stream.linear.gather [hbm4b:s6+s3], $0x1900, $0x38;
	[tilespmem:$0xDC00] =	vst v63  }
0x1f: {  	_ = 	snop  }
0x20: {  	[tilespmem:s3], [sflag:$0x3] =	stream.strided.gather [hbm4b:s7+s15], $0x2800, s16, s15, $0x38;
	[tilespmem:$0xDC00] =	vst v63  }
0x21: {  	_ =	swait.ge [sflag:s17], $0x2800  }
0x22: {  	[sflag:s17] =	ssyncset.done $0x0  }
0x23: {  	s23 =	simm.s32 $0x2840;
	[sflag:s17] =	ssyncadd.s32 $0xFFFFD800  }
0x24: {  	[tilespmem:s23+$0xFFFFFFC0] =	vst v0  }
0x25: {  	[tilespmem:s23+$0x30] =	vst v0  }
0x26: {  	[tilespmem:s23+$0x20] =	vst v0  }
0x27: {  	[tilespmem:s23+$0x10] =	vst v0  }
0x28: {  	[tilespmem:s23+$0x0] =	vst v0  }
0x29: {  	[tilespmem:s23+$0xFFFFFFF0] =	vst v0  }
0x2a: {  	s24 =	simm.s32 $0x0;
	[tilespmem:s23+$0xFFFFFFE0] =	vst v0  }
.LBB2_2:
0x2b: {  	s24 =	sadd.s32 $0x8, s24;
	[tilespmem:s23+$0xFFFFFFD0] =	vst v0;
	s23 =	sadd.s32 $0x80, s23  }
0x2c: {  	[tilespmem:s23+$0xFFFFFFC0] =	vst v0;
	p0 =	slt.u32 s24, $0x4F8  }
0x2d: {  	[tilespmem:s23+$0x30] =	vst v0  }
.Ltmp2:
0x2e: {  	[tilespmem:s23+$0x20] =	vst v0;
	(pc) =	sbr.rel @p0 .LBB2_2-.Ltmp2, $4  }
0x2f: {  	[tilespmem:s23+$0x10] =	vst v0  }
0x30: {  	[tilespmem:s23+$0x0] =	vst v0  }
0x31: {  	[tilespmem:s23+$0xFFFFFFF0] =	vst v0  }
0x32: {  	[tilespmem:s23+$0xFFFFFFE0] =	vst v0  }
0x33: {  	[tilespmem:s23+$0xFFFFFFD0] =	vst v0;
	s23 =	simm.s32 $0x0  }
.LBB2_4:
0x34: {  	_ =	swait.ge [sflag:s18], $0x1900  }
0x35: {  	[sflag:s18] =	ssyncset.done $0x0  }
0x36: {  	[sflag:s18] =	ssyncadd.s32 $0xFFFFE700  }
0x37: {  	_ =	swait.ge [sflag:s18], $0x1900  }
0x38: {  	[sflag:s18] =	ssyncset.done $0x0  }
0x39: {  	s24 =	simm.s32 $0x7820;
	[sflag:s18] =	ssyncadd.s32 $0xFFFFE700  }
0x3a: {  	v5 =	vld [tilespmem:s24+$0x10]  }
0x3b: {  	v1 =	vld [tilespmem:s24+$0xFFFFFFF0]  }
0x3c: {  	v3 =	vld [tilespmem:s24+$0xFFFFFFE0]  }
0x3d: {  	v6 =	vld [tilespmem:s24+$0x0];
	_ =	sdelay $0x1  }
0x3e: {  	v2 =	vshrl.u32 v5, $0xE  }
0x3f: {  	v4 =	vshrl.u32 v1, $0xE  }
0x40: {  	v8 =	vshrl.u32 v3, $0xE  }
0x41: {  	s24 =	simm.s32 $0x9120;
	v10 =	vshrl.u32 v6, $0xE  }
0x42: {  	v11 =	vld [tilespmem:s24+$0x10]  }
0x43: {  	v13 =	vld.idx.msk [tilespmem:v2+s3+$0x0], $0xffff  }
0x44: {  	v7 =	vld.idx.msk [tilespmem:v4+s3+$0x0], $0xffff  }
0x45: {  	v9 =	vld.idx.msk [tilespmem:v8+s3+$0x0], $0xffff  }
0x46: {  	v4 =	vld.idx.msk [tilespmem:v10+s3+$0x0], $0xffff;
	v10 =	vand.u32 $0x3FFF, v5  }
0x47: {  	v3 =	vand.u32 $0x3FFF, v3;
	v8 =	vld [tilespmem:s24+$0xFFFFFFE0]  }
0x48: {  	v2 =	vand.u32 $0x3FFF, v1;
	v1 =	vand.u32 $0x3FFF, v6;
	v6 =	vld [tilespmem:s24+$0xFFFFFFF0];
	v15 =	vshll.u32 v13, $0x10  }
0x49: {  	s25 =	simm.s32 $0x0;
	s26 =	simm.s32 $0x7860;
	v5 =	vld [tilespmem:s24+$0x0];
	v12 =	vshll.u32 v7, $0x10;
	v14 =	vand.u32 $0xFFFF0000, v13;
	v13 =	vmul.f32 v15, v11  }
.LBB2_5:
0x4a: {  	v15 =	vld [tilespmem:s26+$0x10];
	v7 =	vand.u32 $0xFFFF0000, v7;
	v11 =	vmul.f32 v14, v11  }
0x4b: {  	v14 =	vshll.u32 v9, $0x10;
	v9 =	vand.u32 $0xFFFF0000, v9;
	[tilespmem:v10+s19+$0x0] =	vst.idx.add.f32.msk $0xffff, v13  }
0x4c: {  	v13 =	vmul.f32 v14, v8;
	v14 =	vshll.u32 v4, $0x10;
	v4 =	vand.u32 $0xFFFF0000, v4;
	[tilespmem:v10+s20+$0x0] =	vst.idx.add.f32.msk $0xffff, v11  }
0x4d: {  	s25 =	sadd.s32 $0x4, s25;
	v8 =	vmul.f32 v9, v8;
	v10 =	vld [tilespmem:s26+$0xFFFFFFF0];
	v9 =	vmul.f32 v12, v6  }
0x4e: {  	p0 =	slt.u32 s25, $0x18C;
	v6 =	vmul.f32 v7, v6;
	v11 =	vld [tilespmem:s26+$0x0];
	v7 =	vmul.f32 v14, v5  }
0x4f: {  	v4 =	vmul.f32 v4, v5;
	v12 =	vld [tilespmem:s26+$0xFFFFFFE0]  }
0x50: {  	[tilespmem:v3+s19+$0x0] =	vst.idx.add.f32.msk $0xffff, v13  }
0x51: {  	v5 =	vshrl.u32 v15, $0xE;
	[tilespmem:v3+s20+$0x0] =	vst.idx.add.f32.msk $0xffff, v8  }
0x52: {  	v8 =	vshrl.u32 v10, $0xE;
	v3 =	vand.u32 $0x3FFF, v10;
	[tilespmem:v2+s19+$0x0] =	vst.idx.add.f32.msk $0xffff, v9  }
0x53: {  	v10 =	vshrl.u32 v11, $0xE;
	v9 =	vand.u32 $0x3FFF, v11;
	[tilespmem:v2+s20+$0x0] =	vst.idx.add.f32.msk $0xffff, v6;
	v2 =	vmov v3  }
0x54: {  	v6 =	vshrl.u32 v12, $0xE;
	v3 =	vand.u32 $0x3FFF, v12;
	[tilespmem:v1+s19+$0x0] =	vst.idx.add.f32.msk $0xffff, v7  }
0x55: {  	[tilespmem:v1+s20+$0x0] =	vst.idx.add.f32.msk $0xffff, v4;
	v1 =	vmov v9  }
0x56: {  	v13 =	vld.idx.msk [tilespmem:v5+s3+$0x0], $0xffff  }
0x57: {  	s24 =	sadd.s32 $0x40, s24;
	v7 =	vld.idx.msk [tilespmem:v8+s3+$0x0], $0xffff  }
0x58: {  	v11 =	vld [tilespmem:s24+$0x10]  }
.Ltmp3:
0x59: {  	v9 =	vld.idx.msk [tilespmem:v6+s3+$0x0], $0xffff;
	(pc) =	sbr.rel @p0 .LBB2_5-.Ltmp3, $4  }
0x5a: {  	v4 =	vld.idx.msk [tilespmem:v10+s3+$0x0], $0xffff;
	v10 =	vand.u32 $0x3FFF, v15  }
0x5b: {  	v8 =	vld [tilespmem:s24+$0xFFFFFFE0]  }
0x5c: {  	v15 =	vshll.u32 v13, $0x10;
	v6 =	vld [tilespmem:s24+$0xFFFFFFF0]  }
0x5d: {  	s26 =	sadd.s32 $0x40, s26;
	v14 =	vand.u32 $0xFFFF0000, v13;
	v12 =	vshll.u32 v7, $0x10;
	v5 =	vld [tilespmem:s24+$0x0];
	v13 =	vmul.f32 v15, v11  }
0x5e: {  	_ =	sdelay $0x2  }
0x5f: {  	v11 =	vmul.f32 v14, v11;
	v14 =	vshll.u32 v9, $0x10  }
0x60: {  	v9 =	vand.u32 $0xFFFF0000, v9;
	[tilespmem:v10+s19+$0x0] =	vst.idx.add.f32.msk $0xffff, v13;
	v13 =	vmul.f32 v14, v8  }
0x61: {  	[tilespmem:v10+s20+$0x0] =	vst.idx.add.f32.msk $0xffff, v11;
	v8 =	vmul.f32 v9, v8  }
0x62: {  	v7 =	vand.u32 $0xFFFF0000, v7;
	p0 =	seq.s32 s23, $0x18;
	v9 =	vmul.f32 v12, v6;
	[tilespmem:v3+s19+$0x0] =	vst.idx.add.f32.msk $0xffff, v13  }
0x63: {  	s24 =	smul.u32 @!p0 $0x3200, s23;
	v10 =	vshll.u32 v4, $0x10;
	v6 =	vmul.f32 v7, v6;
	[tilespmem:v3+s20+$0x0] =	vst.idx.add.f32.msk $0xffff, v8  }
0x64: {  	v3 =	vand.u32 $0xFFFF0000, v4;
	v4 =	vmul.f32 v10, v5;
	[tilespmem:v2+s19+$0x0] =	vst.idx.add.f32.msk $0xffff, v9  }
0x65: {  	s24 =	sshrl.u32 @!p0 s24, $0x3;
	v3 =	vmul.f32 v3, v5;
	[tilespmem:v2+s20+$0x0] =	vst.idx.add.f32.msk $0xffff, v6  }
0x66: {  	s24 =	sadd.s32 @!p0 $0x640, s24;
	[tilespmem:v1+s19+$0x0] =	vst.idx.add.f32.msk $0xffff, v4  }
0x67: {  	s26 =	simm.s32 @!p0 $0x0;
	s28 =	simm.s32 @!p0 $0x7800;
	s25 =	sadd.s32 @!p0 s4, s24;
	[tilespmem:v1+s20+$0x0] =	vst.idx.add.f32.msk $0xffff, v3  }
0x68: {  	[tilespmem:s28], [sflag:$0x1] =	stream.linear.gather @!p0 [hbm4b:s25+s26], $0x1900, $0x38;
	[tilespmem:$0xDC00] =	vst v63  }
0x69: {  	s24 =	sadd.s32 @!p0 s2, s24;
	s25 =	simm.s32 @!p0 $0x9100  }
0x6a: {  	[tilespmem:s25], [sflag:$0x1] =	stream.linear.gather @!p0 [hbm4b:s24+s26], $0x1900, $0x38;
	[tilespmem:$0xDC00] =	vst v63  }
0x6b: {  	_ =	swait.ge [sflag:s21], $0x1900  }
0x6c: {  	[sflag:s21] =	ssyncset.done $0x0  }
0x6d: {  	[sflag:s21] =	ssyncadd.s32 $0xFFFFE700  }
0x6e: {  	_ =	swait.ge [sflag:s21], $0x1900  }
0x6f: {  	[sflag:s21] =	ssyncset.done $0x0  }
0x70: {  	s31 =	simm.s32 $0xAA20;
	[sflag:s21] =	ssyncadd.s32 $0xFFFFE700  }
0x71: {  	v5 =	vld [tilespmem:s31+$0x10]  }
0x72: {  	v1 =	vld [tilespmem:s31+$0xFFFFFFF0]  }
0x73: {  	v3 =	vld [tilespmem:s31+$0xFFFFFFE0]  }
0x74: {  	v6 =	vld [tilespmem:s31+$0x0];
	_ =	sdelay $0x1  }
0x75: {  	v2 =	vshrl.u32 v5, $0xE  }
0x76: {  	v4 =	vshrl.u32 v1, $0xE  }
0x77: {  	v8 =	vshrl.u32 v3, $0xE  }
0x78: {  	s24 =	simm.s32 $0xC320;
	v10 =	vshrl.u32 v6, $0xE  }
0x79: {  	v11 =	vld [tilespmem:s24+$0x10]  }
0x7a: {  	v13 =	vld.idx.msk [tilespmem:v2+s3+$0x0], $0xffff  }
0x7b: {  	v7 =	vld.idx.msk [tilespmem:v4+s3+$0x0], $0xffff  }
0x7c: {  	v9 =	vld.idx.msk [tilespmem:v8+s3+$0x0], $0xffff  }
0x7d: {  	v4 =	vld.idx.msk [tilespmem:v10+s3+$0x0], $0xffff;
	v10 =	vand.u32 $0x3FFF, v5  }
0x7e: {  	v3 =	vand.u32 $0x3FFF, v3;
	v8 =	vld [tilespmem:s24+$0xFFFFFFE0]  }
0x7f: {  	v2 =	vand.u32 $0x3FFF, v1;
	v1 =	vand.u32 $0x3FFF, v6;
	v6 =	vld [tilespmem:s24+$0xFFFFFFF0];
	v15 =	vshll.u32 v13, $0x10  }
0x80: {  	s25 =	simm.s32 $0x0;
	s26 =	simm.s32 $0xAA60;
	v5 =	vld [tilespmem:s24+$0x0];
	v12 =	vshll.u32 v7, $0x10;
	v14 =	vand.u32 $0xFFFF0000, v13;
	v13 =	vmul.f32 v15, v11  }
.LBB2_7:
0x81: {  	v15 =	vld [tilespmem:s26+$0x10];
	v7 =	vand.u32 $0xFFFF0000, v7;
	v11 =	vmul.f32 v14, v11  }
0x82: {  	v14 =	vshll.u32 v9, $0x10;
	v9 =	vand.u32 $0xFFFF0000, v9;
	[tilespmem:v10+s19+$0x0] =	vst.idx.add.f32.msk $0xffff, v13  }
0x83: {  	v13 =	vmul.f32 v14, v8;
	v14 =	vshll.u32 v4, $0x10;
	v4 =	vand.u32 $0xFFFF0000, v4;
	[tilespmem:v10+s20+$0x0] =	vst.idx.add.f32.msk $0xffff, v11  }
0x84: {  	s25 =	sadd.s32 $0x4, s25;
	v8 =	vmul.f32 v9, v8;
	v10 =	vld [tilespmem:s26+$0xFFFFFFF0];
	v9 =	vmul.f32 v12, v6  }
0x85: {  	p1 =	slt.u32 s25, $0x18C;
	v6 =	vmul.f32 v7, v6;
	v11 =	vld [tilespmem:s26+$0x0];
	v7 =	vmul.f32 v14, v5  }
0x86: {  	v4 =	vmul.f32 v4, v5;
	v12 =	vld [tilespmem:s26+$0xFFFFFFE0]  }
0x87: {  	[tilespmem:v3+s19+$0x0] =	vst.idx.add.f32.msk $0xffff, v13  }
0x88: {  	v5 =	vshrl.u32 v15, $0xE;
	[tilespmem:v3+s20+$0x0] =	vst.idx.add.f32.msk $0xffff, v8  }
0x89: {  	v8 =	vshrl.u32 v10, $0xE;
	v3 =	vand.u32 $0x3FFF, v10;
	[tilespmem:v2+s19+$0x0] =	vst.idx.add.f32.msk $0xffff, v9  }
0x8a: {  	v10 =	vshrl.u32 v11, $0xE;
	v9 =	vand.u32 $0x3FFF, v11;
	[tilespmem:v2+s20+$0x0] =	vst.idx.add.f32.msk $0xffff, v6;
	v2 =	vmov v3  }
0x8b: {  	v6 =	vshrl.u32 v12, $0xE;
	v3 =	vand.u32 $0x3FFF, v12;
	[tilespmem:v1+s19+$0x0] =	vst.idx.add.f32.msk $0xffff, v7  }
0x8c: {  	[tilespmem:v1+s20+$0x0] =	vst.idx.add.f32.msk $0xffff, v4;
	v1 =	vmov v9  }
0x8d: {  	v13 =	vld.idx.msk [tilespmem:v5+s3+$0x0], $0xffff  }
0x8e: {  	s24 =	sadd.s32 $0x40, s24;
	v7 =	vld.idx.msk [tilespmem:v8+s3+$0x0], $0xffff  }
0x8f: {  	v11 =	vld [tilespmem:s24+$0x10]  }
.Ltmp4:
0x90: {  	v9 =	vld.idx.msk [tilespmem:v6+s3+$0x0], $0xffff;
	(pc) =	sbr.rel @p1 .LBB2_7-.Ltmp4, $4  }
0x91: {  	v4 =	vld.idx.msk [tilespmem:v10+s3+$0x0], $0xffff;
	v10 =	vand.u32 $0x3FFF, v15  }
0x92: {  	v8 =	vld [tilespmem:s24+$0xFFFFFFE0]  }
0x93: {  	v15 =	vshll.u32 v13, $0x10;
	v6 =	vld [tilespmem:s24+$0xFFFFFFF0]  }
0x94: {  	s26 =	sadd.s32 $0x40, s26;
	v14 =	vand.u32 $0xFFFF0000, v13;
	v12 =	vshll.u32 v7, $0x10;
	v5 =	vld [tilespmem:s24+$0x0];
	v13 =	vmul.f32 v15, v11  }
0x95: {  	_ =	sdelay $0x2  }
0x96: {  	v11 =	vmul.f32 v14, v11;
	v56 =	vshll.u32 v9, $0x10  }
0x97: {  	v57 =	vand.u32 $0xFFFF0000, v9;
	[tilespmem:v10+s19+$0x0] =	vst.idx.add.f32.msk $0xffff, v13;
	v58 =	vmul.f32 v56, v8  }
0x98: {  	[tilespmem:v10+s20+$0x0] =	vst.idx.add.f32.msk $0xffff, v11;
	v59 =	vmul.f32 v57, v8  }
0x99: {  	v7 =	vand.u32 $0xFFFF0000, v7;
	v60 =	vmul.f32 v12, v6;
	[tilespmem:v3+s19+$0x0] =	vst.idx.add.f32.msk $0xffff, v58  }
.Ltmp5:
0x9a: {  	v61 =	vshll.u32 v4, $0x10;
	v62 =	vmul.f32 v7, v6;
	[tilespmem:v3+s20+$0x0] =	vst.idx.add.f32.msk $0xffff, v59;
	(pc) =	sbr.rel @p0 .LBB2_10-.Ltmp5, $4  }
0x9b: {  	v63 =	vmul.f32 v61, v5;
	v3 =	vand.u32 $0xFFFF0000, v4;
	[tilespmem:v2+s19+$0x0] =	vst.idx.add.f32.msk $0xffff, v60  }
0x9c: {  	v3 =	vmul.f32 v3, v5;
	[tilespmem:v2+s20+$0x0] =	vst.idx.add.f32.msk $0xffff, v62  }
0x9d: {  	[tilespmem:v1+s19+$0x0] =	vst.idx.add.f32.msk $0xffff, v63  }
0x9e: {  	[tilespmem:v1+s20+$0x0] =	vst.idx.add.f32.msk $0xffff, v3  }
0x9f: {  	s24 =	smul.u32 $0x3200, s23;
	_ =	sdelay $0x1  }
0xa0: {  	s24 =	sshrl.u32 s24, $0x3  }
.Ltmp6:
0xa1: {  	s24 =	sadd.s32 $0x960, s24;
	(pc) =	sbr.rel .LBB2_4-.Ltmp6, $4  }
0xa2: {  	s25 =	sadd.s32 s4, s24  }
0xa3: {  	[tilespmem:s13], [sflag:$0x2] =	stream.linear.gather [hbm4b:s25+s3], $0x1900, $0x38;
	[tilespmem:$0xDC00] =	vst v63  }
0xa4: {  	s23 =	sadd.s32 $0x1, s23;
	s24 =	sadd.s32 s2, s24  }
0xa5: {  	[tilespmem:s14], [sflag:$0x2] =	stream.linear.gather [hbm4b:s24+s3], $0x1900, $0x38;
	[tilespmem:$0xDC00] =	vst v63  }
.LBB2_11:
0xa6: {  	_ =	sfence.sel $0x180000  }
0xa7: {  	[bflag:$0x0] =	sbarrier.arrive $0xFFFF  }
0xa8: {  	p0 =	sne.s32 s0, $0x0;
	_ =	strace $0x9000004A  }
0xa9: {  	s0 =	sadd.s32 @!p0 $0x100000, s1;
	[bflag:$0x2] =	sbarrier.arrive $0xFFFF  }
0xaa: {  	[sflag:s0] =	ssyncadd.tile.s32 @!p0 $0x1;
	_ =	shalt  }
.Lfunc_end2:
_tile_overlayer_lowered:
.L_overlay_start_2:
0xab: {  	(tag) =	ssettag $0x2  }
0xac: {  	s0 =	rddreg [dreg:$0x0];
	s2 =	stileid.u32  }
0xad: {  	s1 =	rddreg [dreg:$0x1];
	p0 =	sne.s32 s2, $0x0  }
0xae: {  	s3 =	rddreg [dreg:$0x2];
	[bflag:$0x3] =	sbarrier.arrive $0xFFFF;
	s2 =	simm.s32 @!p0 $0x1C03  }
0xaf: {  	[timem:s3], [sflag:s2] =	dma.local @!p0 [hbm:s0], s1  }
0xb0: {  	s0 =	simm.s32 @!p0 $0x3  }
0xb1: {  	_ =	swait.ge @!p0 [sflag:s0], s1  }
0xb2: {  	s1 =	ssub.s32 @!p0 $0x0, s1;
	[sflag:s0] =	ssyncset.done @!p0 $0x0  }
0xb3: {  	[sflag:s0] =	ssyncadd.s32 @!p0 s1  }
0xb4: {  	[bflag:$0x3] =	sbarrier.arrive $0xFFFF  }
0xb5: {  	_ =	shalt  }

// kernel: kernel.15.cloned.1.call-start
scs
__scs_entry_jumppad:
0x0: {  	(pc) =	sbr.rel $0x88, $3  }
0x1: {  	(tag) =	ssettag $0x0;
	lr =	simm.s32 $0x1  }
0x2: {  	[smem:$0x3F92] =	sst lr;
	_ =	strace $0xD0000000  }
0x3: {  	_ = 	snop  }
0x4: {  	_ = 	snop  }
0x5: {  	_ = 	snop  }
0x6: {  	_ = 	snop  }
0x7: {  	_ = 	snop  }
__scs_overlays_trampoline_lowered:
0x8: {  	[smem:$0x3FA1] =	sst s0  }
0x9: {  	[smem:$0x3FA2] =	sst s1  }
0xa: {  	[smem:$0x3FA3] =	sst s2  }
0xb: {  	[smem:$0x3FA4] =	sst s3  }
0xc: {  	[smem:$0x3FA5] =	sst s4  }
0xd: {  	[smem:$0x3FA6] =	sst s5  }
0xe: {  	[smem:$0x3FA7] =	sst s6  }
0xf: {  	[smem:$0x3FA8] =	sst s7  }
0x10: {  	[smem:$0x3FA9] =	sst s8  }
0x11: {  	[smem:$0x3FAA] =	sst s9;
	s0 =	simm.s32 @!p0 $0x0  }
0x12: {  	s1 =	sld [smem:$0x3F90];
	s0 =	simm.s32 @p0 $0x1  }
0x13: {  	[smem:$0x3FAB] =	sst s0;
	s0 =	simm.s32 @!p1 $0x0  }
0x14: {  	s2 =	sld [smem:$0x3F8F];
	s0 =	simm.s32 @p1 $0x1  }
0x15: {  	[smem:$0x3FAC] =	sst s0;
	s0 =	simm.s32 @!p2 $0x0  }
0x16: {  	s3 =	sld [smem:$0x3FDB];
	s0 =	simm.s32 @p2 $0x1  }
0x17: {  	s4 =	simm.s32 $0x1BF5;
	[smem:$0x3FAE] =	sst s0  }
0x18: {  	s0 =	sld [smem:$0x3F91];
	_ =	swait.ge [sflag:s4], $0x0  }
0x19: {  	s7 =	sld [smem:$0x3F92]  }
0x1a: {  	s8 =	sadd.s32 $0xFFFFE003, lr  }
0x1b: {  	s9 =	sadd.s32 $0xFFFFFEF7, lr;
	s5 =	simm.s32 $0xFFFFFFFF;
	p2 =	slt.u32 s8, $0xFFFFF086  }
0x1c: {  	p1 =	slt.u32 s9, $0xF7A;
	s5 =	simm.s32 @!p2 $0x0  }
0x1d: {  	s5 =	simm.s32 @p1 $0x1;
	p0 =	seq.s32 s7, s2  }
0x1e: {  	s7 =	smul.u32 @!p0 $0xF7A, s2;
	p2 =	seq.s32 @!p0 s5, $0x0  }
0x1f: {  	s9 =	smul.u32 $0xF7A, s1;
	s8 =	simm.s32 @!p0 $0x1BF5;
	p2 =	por !p2, p0  }
0x20: {  	[sflag:s8] =	ssyncset.s32 @!p0 $0xFFFFF086;
	s6 =	sadd.s32 @!p0 s3, s7;
	s7 =	simm.s32 @!p0 $0x108  }
0x21: {  	s3 =	sadd.s32 s3, s9;
	s6 =	sadd.s32 @!p0 $0x88, s6;
	s7 =	simm.s32 @p2 $0x1082  }
0x22: {  	[simem:s7], [sflag:s8] =	dma.local @!p0 [hbm:s6], $0xF7A  }
0x23: {  	s9 =	sor.u32 $0xD0000000, s2;
	s6 =	simm.s32 $0x108;
	_ =	swait.ge @!p0 [sflag:s8], $0x0  }
0x24: {  	s3 =	sadd.s32 $0x88, s3;
	s6 =	simm.s32 @!p1 $0x1082;
	[sflag:s4] =	ssyncset.s32 $0xFFFFF086  }
0x25: {  	[simem:s6], [sflag:s4] =	dma.local [hbm:s3], $0xF7A  }
0x26: {  	[smem:$0x3F92] =	sst s1;
	(tag) =	ssettag s2;
	_ =	strace s9  }
0x27: {  	s1 =	sld [smem:$0x3FA2]  }
0x28: {  	s2 =	sld [smem:$0x3FA3]  }
0x29: {  	s4 =	sld [smem:$0x3FA5]  }
0x2a: {  	p0 =	seq.s32 s5, $0x0;
	s5 =	sld [smem:$0x3FA6]  }
0x2b: {  	s6 =	sld [smem:$0x3FA7]  }
0x2c: {  	s7 =	sld [smem:$0x3FA8]  }
0x2d: {  	s3 =	simm.s32 $0x108;
	s8 =	sld [smem:$0x3FA9]  }
0x2e: {  	s3 =	simm.s32 @!p0 $0x1082;
	s9 =	sld [smem:$0x3FAA]  }
0x2f: {  	lr =	sadd.s32 s0, s3;
	s0 =	sld [smem:$0x3FA1]  }
0x30: {  	s3 =	sld [smem:$0x3FA4]  }
0x31: {  	[smem:$0x3FAD] =	sst s10  }
0x32: {  	s10 =	sld [smem:$0x3FAB];
	_ =	sdelay $0x3  }
0x33: {  	p0 =	seq.s32 s10, $0x1;
	s10 =	sld [smem:$0x3FAD];
	_ =	sdelay $0x3  }
0x34: {  	[smem:$0x3FAD] =	sst s10  }
0x35: {  	s10 =	sld [smem:$0x3FAC];
	_ =	sdelay $0x3  }
0x36: {  	p1 =	seq.s32 s10, $0x1;
	s10 =	sld [smem:$0x3FAD];
	_ =	sdelay $0x3  }
0x37: {  	[smem:$0x3FAD] =	sst s10  }
0x38: {  	s10 =	sld [smem:$0x3FAE]  }
0x39: {  	_ = 	snop;
	(pc) =	sbr.ind lr, $3  }
0x3a: {  	_ = 	snop  }
0x3b: {  	_ = 	snop  }
0x3c: {  	p2 =	seq.s32 s10, $0x1;
	s10 =	sld [smem:$0x3FAD]  }
0x3d: {  	_ =	shalt  }
0x3e: {  	_ =	shalt  }
0x3f: {  	_ =	shalt  }
0x40: {  	_ =	shalt  }
0x41: {  	_ =	shalt  }
0x42: {  	_ =	shalt  }
0x43: {  	_ =	shalt  }
0x44: {  	_ =	shalt  }
0x45: {  	_ =	shalt  }
0x46: {  	_ =	shalt  }
0x47: {  	_ =	shalt  }
0x48: {  	_ =	shalt  }
0x49: {  	_ =	shalt  }
0x4a: {  	_ =	shalt  }
0x4b: {  	_ =	shalt  }
0x4c: {  	_ =	shalt  }
0x4d: {  	_ =	shalt  }
0x4e: {  	_ =	shalt  }
0x4f: {  	_ =	shalt  }
0x50: {  	_ =	shalt  }
0x51: {  	_ =	shalt  }
0x52: {  	_ =	shalt  }
0x53: {  	_ =	shalt  }
0x54: {  	_ =	shalt  }
0x55: {  	_ =	shalt  }
0x56: {  	_ =	shalt  }
0x57: {  	_ =	shalt  }
0x58: {  	_ =	shalt  }
0x59: {  	_ =	shalt  }
0x5a: {  	_ =	shalt  }
0x5b: {  	_ =	shalt  }
0x5c: {  	_ =	shalt  }
0x5d: {  	_ =	shalt  }
0x5e: {  	_ =	shalt  }
0x5f: {  	_ =	shalt  }
0x60: {  	_ =	shalt  }
0x61: {  	_ =	shalt  }
0x62: {  	_ =	shalt  }
0x63: {  	_ =	shalt  }
0x64: {  	_ =	shalt  }
0x65: {  	_ =	shalt  }
0x66: {  	_ =	shalt  }
0x67: {  	_ =	shalt  }
0x68: {  	_ =	shalt  }
0x69: {  	_ =	shalt  }
0x6a: {  	_ =	shalt  }
0x6b: {  	_ =	shalt  }
0x6c: {  	_ =	shalt  }
0x6d: {  	_ =	shalt  }
0x6e: {  	_ =	shalt  }
0x6f: {  	_ =	shalt  }
0x70: {  	_ =	shalt  }
0x71: {  	_ =	shalt  }
0x72: {  	_ =	shalt  }
0x73: {  	_ =	shalt  }
0x74: {  	_ =	shalt  }
0x75: {  	_ =	shalt  }
0x76: {  	_ =	shalt  }
0x77: {  	_ =	shalt  }
0x78: {  	_ =	shalt  }
0x79: {  	_ =	shalt  }
0x7a: {  	_ =	shalt  }
0x7b: {  	_ =	shalt  }
0x7c: {  	_ =	shalt  }
0x7d: {  	_ =	shalt  }
0x7e: {  	_ =	shalt  }
0x7f: {  	_ =	shalt  }
0x80: {  	_ =	shalt  }
0x81: {  	_ =	shalt  }
0x82: {  	_ =	shalt  }
0x83: {  	_ =	shalt  }
0x84: {  	_ =	shalt  }
0x85: {  	_ =	shalt  }
0x86: {  	_ =	shalt  }
0x87: {  	_ =	shalt  }
.Lfunc_end0:
.L_simem_size_0:
called_computation.2_lowered:
.L_overlay_start_0:
0x88: {  	s2 =	sld [smem:$0x3FD9]  }
0x89: {  	s3 =	sld [smem:$0x3FFE];
	_ =	sdelay $0x1  }
0x8a: {  	s1 =	srdreg.scid  }
0x8b: {  	s0 =	sand.u32 $0x1, s1  }
0x8c: {  	s17 =	sshll.u32 s0, $0xA;
	s2 =	sadd.s32 s3, s2  }
0x8d: {  	s2 =	sadd.s32 s2, s17  }
0x8e: {  	[smem:$0x3FB9] =	sst s2  }
0x8f: {  	_ = 	snop  }
0x90: {  	s2 =	sld [smem:$0x3FC7];
	(tm) =	ssettm $0x1  }
0x91: {  	s18 =	sld [smem:$0x3FFB];
	_ =	sdelay $0x3  }
0x92: {  	_ =	strace s18  }
0x93: {  	s3 =	sld [smem:$0x3FFC];
	_ =	sdelay $0x3  }
0x94: {  	_ =	strace s3  }
0x95: {  	s3 =	sld [smem:$0x3FFD];
	_ =	sdelay $0x3  }
0x96: {  	_ =	strace s3  }
0x97: {  	_ =	strace $0x8FFFFFFF  }
0x98: {  	s19 =	sld [smem:$0x3FDB];
	_ =	sdelay $0x1  }
0x99: {  	s4 =	simm.s32 $_scs_section_size  }
0x9a: {  	s5 =	simm.s32 $_size__tile_overlayer_lowered;
	s6 =	simm.s32 $_tile_overlayer_lowered  }
0x9b: {  	s22 =	simm.s32 $0x1BFF;
	s21 =	sshll.u32 s6, $0x1;
	s3 =	sadd.s32 s4, s19  }
0x9c: {  	s7 =	simm.s32 $0x0;
	s20 =	sshll.u32 s5, $0x1;
	s5 =	sadd.s32 s21, s3  }
0x9d: {  	[timem:s7], [sflag:s22] =	dma.local [hbm:s5], s20  }
0x9e: {  	_ =	swait.ge [sflag:s22], s20  }
0x9f: {  	s4 =	ssub.s32 $0x0, s20;
	[sflag:s22] =	ssyncset.done $0x0  }
0xa0: {  	[sflag:s22] =	ssyncadd.s32 s4;
	_ =	sdelay $0x1  }
0xa1: {  	s23 =	simm.s32 $0x1B8B  }
0xa2: {  	_ =	swait.ge [sflag:s23], $0x1  }
0xa3: {  	[sflag:s23] =	ssyncset.done $0x0  }
0xa4: {  	s25 =	simm.s32 $0x1B8E;
	s24 =	sld [smem:$0x3FFE];
	[sflag:s23] =	ssyncadd.s32 $0xFFFFFFFF  }
0xa5: {  	s26 =	simm.s32 $execute0_lowered;
	[smem:$0x3FD2] =	sst s25  }
0xa6: {  	s5 =	sshll.u32 s26, $0x1;
	_ =	strace $0x8000004C;
	[dreg:$0x1] =	wrdreg $0xFFFFFFFF  }
0xa7: {  	s28 =	simm.s32 $_size_execute0_lowered;
	s3 =	sadd.s32 s3, s5;
	[dreg:$0x0] =	wrdreg $0x0  }
0xa8: {  	s5 =	sshll.u32 s28, $0x1;
	[dreg:$0x2] =	wrdreg s3  }
0xa9: {  	[dreg:$0x3] =	wrdreg s5  }
0xaa: {  	[dreg:$0x4] =	wrdreg $0xC0  }
0xab: {  	_ =	task [dreg:s7], $0x5FFFF  }
0xac: {  	[dreg:$0x1] =	wrdreg $0xFFFFFFFF  }
0xad: {  	[dreg:$0x0] =	wrdreg $0x60  }
0xae: {  	[dreg:$0x2] =	wrdreg s24  }
0xaf: {  	[dreg:$0x3] =	wrdreg s2  }
0xb0: {  	[dreg:$0x4] =	wrdreg $0x9  }
0xb1: {  	_ =	task.clear_ibuf [dreg:s7], $0x5FFFF;
	_ =	strace $0x9000004C  }
0xb2: {  	s29 =	simm.s32 $0x9;
	_ =	strace $0x8000004E  }
0xb3: {  	_ =	swait.ge [sflag:s29], $0x1  }
0xb4: {  	[sflag:s29] =	ssyncadd.s32 $0xFFFFFFFF  }
0xb5: {  	_ =	strace $0x9000004E  }
0xb6: {  	_ =	sfence  }
0xb7: {  	s30 =	sld [smem:$0x0];
	_ =	sdelay $0x2  }
0xb8: {  	s31 =	sshll.u32 s1, $0xD;
	s1 =	sshrl.u32 s1, $0x2  }
0xb9: {  	s3 =	sand.u32 $0x4000, s31;
	s1 =	sadd.s32 s1, s30  }
0xba: {  	s0 =	sor.u32 s3, s0;
	s1 =	sshll.u32 s1, $0x11  }
0xbb: {  	s0 =	sor.u32 s1, s0  }
0xbc: {  	s0 =	sadd.s32 $0x8F2B, s0  }
0xbd: {  	[sflag:s0] =	ssyncadd.remote.s32 $0x1  }
0xbe: {  	_ =	sfence.sel $0xFFFF  }
0xbf: {  	[dreg:$0x0] =	wrdreg $0xFFFFFFFF;
	(pc) =	sbr.abs _section_cstart, $3  }
0xc0: {  	[dreg:$0x1] =	wrdreg $0xFFFFFFFF  }
0xc1: {  	_ =	task.clear_ibuf [dreg:s7], $0x2FFFF;
	_ =	strace $0x9FFFFFFF  }
0xc2: {  	(tm) =	ssettm $0x7FFFFFFF  }
0xc3: {  	_ =	shalt  }
tec
execute0_lowered:
.L_overlay_start_1:
0x0: {  	(tag) =	ssettag $0x1  }
0x1: {  	s5 =	rddreg [dreg:$0x0]  }
0x2: {  	s2 =	rddreg [dreg:$0x1]  }
0x3: {  	s0 =	rddreg [dreg:$0x2]  }
0x4: {  	s3 =	simm.s32 $0x0;
	s4 =	srdreg.scid;
	s1 =	stileid.u32  }
0x5: {  	s11 =	simm.s32 $0x6900;
	s12 =	simm.s32 $0x8200;
	s13 =	simm.s32 $0x9B00  }
0x6: {  	s14 =	simm.s32 $0x80;
	s15 =	simm.s32 $0x400;
	s16 =	simm.s32 $0x3  }
0x7: {  	s17 =	simm.s32 $0x1;
	s18 =	simm.s32 $0x2800;
	s19 =	simm.s32 $0x2  }
0x8: {  	s4 =	sand.u32 $0x1, s4;
	s6 =	sshrl.u32 s1, $0x2;
	s7 =	sshll.u32 s1, $0x8  }
0x9: {  	s6 =	smul.u32 $0x14000, s6;
	s8 =	sshll.u32 s4, $0x7;
	s7 =	sand.u32 $0x300, s7  }
0xa: {  	s20 =	simm.s32 $0x0;
	[smem:$0x7FF] =	sst s3;
	s7 =	sor.u32 s8, s7  }
.Ltmp0:
0xb: {  	s30 =	ssub.s32 $0x2, s4;
	s6 =	sor.u32 s6, s7;
	(pc) =	sbr.rel .LBB2_1-.Ltmp0, $4  }
0xc: {  	_ =	strace $0x8000004D;
	s31 =	sshrl.u32 s30, $0x1;
	s6 =	sshrl.u32 s6, $0x3  }
0xd: {  	s4 =	sadd.s32 $0x2E00, s5;
	s10 =	ssub.s32 s30, s31;
	s9 =	sadd.s32 s6, s5  }
0xe: {  	s5 =	sadd.s32 $0x3120, s5;
	s6 =	sadd.s32 $0x320, s2;
	s7 =	sadd.s32 $0xCC00, s9  }
0xf: {  	v0 =	vimm.f32 $0.0e+00;
	s8 =	sadd.s32 $0x16C00, s9;
	s9 =	smax.u32 s10, $0x1;
	s10 =	simm.s32 $0x5000  }
.LBB2_10:
0x10: {  	s20 =	sadd.s32 $0x1, s20  }
0x11: {  	p0 =	sne.s32 s20, s9  }
.Ltmp1:
0x12: {  	_ = 	snop;
	(pc) =	sbr.rel @!p0 .LBB2_11-.Ltmp1, $4  }
0x13: {  	[hbm4b:s8+s14] =	stream.strided.scatter [tilespmem:s18], [sflag:$0x3], $0x2800, s15, s14, $0x38;
	[tilespmem:$0xB400] =	vst v63  }
0x14: {  	_ =	swait.ge [sflag:s16], $0x2800  }
0x15: {  	[sflag:s16] =	ssyncset.done $0x0  }
0x16: {  	[sflag:s16] =	ssyncadd.s32 $0xFFFFD800  }
.LBB2_1:
0x17: {  	[tilespmem:s10], [sflag:$0x1] =	stream.linear.gather [hbm4b:s4+s3], $0x1900, $0x38;
	[tilespmem:$0xB400] =	vst v63  }
0x18: {  	_ = 	snop  }
0x19: {  	[tilespmem:s11], [sflag:$0x1] =	stream.linear.gather [hbm4b:s2+s3], $0x1900, $0x38;
	[tilespmem:$0xB400] =	vst v63  }
0x1a: {  	_ = 	snop  }
0x1b: {  	[tilespmem:s12], [sflag:$0x2] =	stream.linear.gather [hbm4b:s5+s3], $0x1900, $0x38;
	[tilespmem:$0xB400] =	vst v63  }
0x1c: {  	_ = 	snop  }
0x1d: {  	[tilespmem:s13], [sflag:$0x2] =	stream.linear.gather [hbm4b:s6+s3], $0x1900, $0x38;
	[tilespmem:$0xB400] =	vst v63  }
0x1e: {  	_ = 	snop  }
0x1f: {  	[tilespmem:s3], [sflag:$0x3] =	stream.strided.gather [hbm4b:s7+s14], $0x2800, s15, s14, $0x38;
	[tilespmem:$0xB400] =	vst v63  }
0x20: {  	_ =	swait.ge [sflag:s16], $0x2800  }
0x21: {  	[sflag:s16] =	ssyncset.done $0x0  }
0x22: {  	s21 =	simm.s32 $0x2840;
	[sflag:s16] =	ssyncadd.s32 $0xFFFFD800  }
0x23: {  	[tilespmem:s21+$0xFFFFFFC0] =	vst v0  }
0x24: {  	[tilespmem:s21+$0x30] =	vst v0  }
0x25: {  	[tilespmem:s21+$0x20] =	vst v0  }
0x26: {  	[tilespmem:s21+$0x10] =	vst v0  }
0x27: {  	[tilespmem:s21+$0x0] =	vst v0  }
0x28: {  	[tilespmem:s21+$0xFFFFFFF0] =	vst v0  }
0x29: {  	s22 =	simm.s32 $0x0;
	[tilespmem:s21+$0xFFFFFFE0] =	vst v0  }
.LBB2_2:
0x2a: {  	s22 =	sadd.s32 $0x8, s22;
	[tilespmem:s21+$0xFFFFFFD0] =	vst v0;
	s21 =	sadd.s32 $0x80, s21  }
0x2b: {  	[tilespmem:s21+$0xFFFFFFC0] =	vst v0;
	p0 =	slt.u32 s22, $0x278  }
0x2c: {  	[tilespmem:s21+$0x30] =	vst v0  }
.Ltmp2:
0x2d: {  	[tilespmem:s21+$0x20] =	vst v0;
	(pc) =	sbr.rel @p0 .LBB2_2-.Ltmp2, $4  }
0x2e: {  	[tilespmem:s21+$0x10] =	vst v0  }
0x2f: {  	[tilespmem:s21+$0x0] =	vst v0  }
0x30: {  	[tilespmem:s21+$0xFFFFFFF0] =	vst v0  }
0x31: {  	[tilespmem:s21+$0xFFFFFFE0] =	vst v0  }
0x32: {  	[tilespmem:s21+$0xFFFFFFD0] =	vst v0;
	s21 =	simm.s32 $0x0  }
.LBB2_4:
0x33: {  	_ =	swait.ge [sflag:s17], $0x1900  }
0x34: {  	[sflag:s17] =	ssyncset.done $0x0  }
0x35: {  	[sflag:s17] =	ssyncadd.s32 $0xFFFFE700  }
0x36: {  	_ =	swait.ge [sflag:s17], $0x1900  }
0x37: {  	[sflag:s17] =	ssyncset.done $0x0  }
0x38: {  	s22 =	simm.s32 $0x5020;
	[sflag:s17] =	ssyncadd.s32 $0xFFFFE700  }
0x39: {  	v1 =	vld [tilespmem:s22+$0x10];
	_ =	sdelay $0x1  }
0x3a: {  	v3 =	vld [tilespmem:s22+$0xFFFFFFE0]  }
0x3b: {  	v2 =	vld [tilespmem:s22+$0xFFFFFFF0]  }
0x3c: {  	s31 =	simm.s32 $0x6920;
	v8 =	vld [tilespmem:s22+$0x0]  }
0x3d: {  	s23 =	simm.s32 $0x5060;
	v7 =	vld [tilespmem:s31+$0x10];
	v4 =	vshrl.u32 v1, $0xE  }
0x3e: {  	v13 =	vld [tilespmem:s23+$0x10]  }
0x3f: {  	v10 =	vld [tilespmem:s31+$0xFFFFFFE0];
	v6 =	vshrl.u32 v3, $0xE  }
0x40: {  	v12 =	vld [tilespmem:s23+$0xFFFFFFF0]  }
0x41: {  	v14 =	vld [tilespmem:s23+$0x0]  }
0x42: {  	v5 =	vshrl.u32 v2, $0xE;
	v4 =	vld.idx.msk [tilespmem:v4+s3+$0x0], $0xffff  }
0x43: {  	v15 =	vld [tilespmem:s23+$0xFFFFFFE0];
	v9 =	vshrl.u32 v8, $0xE  }
0x44: {  	v1 =	vand.u32 $0x3FFF, v1;
	v6 =	vld.idx.msk [tilespmem:v6+s3+$0x0], $0xffff  }
0x45: {  	v17 =	vld [tilespmem:s31+$0x0];
	s22 =	simm.s32 $0x6960  }
0x46: {  	v11 =	vld [tilespmem:s22+$0x10];
	v3 =	vand.u32 $0x3FFF, v3  }
0x47: {  	v5 =	vld.idx.msk [tilespmem:v5+s3+$0x0], $0xffff;
	v4 =	vmul.f32 v4, v7;
	v7 =	vshrl.u32 v13, $0xE  }
0x48: {  	v18 =	vshrl.u32 v15, $0xE;
	v16 =	vld.idx.msk [tilespmem:v9+s3+$0x0], $0xffff  }
0x49: {  	[tilespmem:v1+s18+$0x0] =	vst.idx.add.f32.msk $0xffff, v4;
	v1 =	vmul.f32 v6, v10  }
0x4a: {  	v4 =	vld [tilespmem:s31+$0xFFFFFFF0];
	v6 =	vshrl.u32 v12, $0xE  }
0x4b: {  	v9 =	vshrl.u32 v14, $0xE;
	[tilespmem:v3+s18+$0x0] =	vst.idx.add.f32.msk $0xffff, v1  }
0x4c: {  	v10 =	vld.idx.msk [tilespmem:v7+s3+$0x0], $0xffff  }
0x4d: {  	v3 =	vand.u32 $0x3FFF, v2;
	v2 =	vand.u32 $0x3FFF, v12;
	v12 =	vld.idx.msk [tilespmem:v18+s3+$0x0], $0xffff  }
0x4e: {  	v13 =	vand.u32 $0x3FFF, v13;
	v1 =	vand.u32 $0x3FFF, v14;
	v14 =	vld [tilespmem:s22+$0xFFFFFFE0]  }
0x4f: {  	v6 =	vld.idx.msk [tilespmem:v6+s3+$0x0], $0xffff;
	v7 =	vmul.f32 v5, v4  }
0x50: {  	s24 =	simm.s32 $0x50A0;
	s23 =	simm.s32 $0x4;
	v5 =	vld.idx.msk [tilespmem:v9+s3+$0x0], $0xffff;
	v4 =	vand.u32 $0x3FFF, v8;
	v9 =	vand.u32 $0x3FFF, v15;
	v8 =	vmul.f32 v16, v17  }
.LBB2_5:
0x51: {  	v15 =	vld [tilespmem:s24+$0x10];
	s23 =	sadd.s32 $0x4, s23;
	v10 =	vmul.f32 v10, v11  }
0x52: {  	v11 =	vld [tilespmem:s24+$0xFFFFFFF0];
	p0 =	slt.u32 s23, $0x18C  }
0x53: {  	[tilespmem:v13+s18+$0x0] =	vst.idx.add.f32.msk $0xffff, v10  }
0x54: {  	v10 =	vld [tilespmem:s24+$0x0]  }
0x55: {  	v13 =	vld [tilespmem:s24+$0xFFFFFFE0];
	v12 =	vmul.f32 v12, v14  }
0x56: {  	v14 =	vshrl.u32 v15, $0xE;
	v16 =	vld [tilespmem:s22+$0xFFFFFFF0]  }
0x57: {  	v17 =	vshrl.u32 v11, $0xE;
	v11 =	vand.u32 $0x3FFF, v11;
	v18 =	vld [tilespmem:s22+$0x0]  }
0x58: {  	[tilespmem:v9+s18+$0x0] =	vst.idx.add.f32.msk $0xffff, v12  }
0x59: {  	v12 =	vshrl.u32 v10, $0xE;
	v10 =	vand.u32 $0x3FFF, v10;
	[tilespmem:v3+s18+$0x0] =	vst.idx.add.f32.msk $0xffff, v7;
	v3 =	vmovc v2;
	v2 =	vmov v11  }
0x5a: {  	v19 =	vshrl.u32 v13, $0xE;
	v9 =	vand.u32 $0x3FFF, v13;
	[tilespmem:v4+s18+$0x0] =	vst.idx.add.f32.msk $0xffff, v8;
	v4 =	vmovc v1;
	v1 =	vmov v10  }
0x5b: {  	s22 =	sadd.s32 $0x40, s22;
	v10 =	vld.idx.msk [tilespmem:v14+s3+$0x0], $0xffff;
	v7 =	vmul.f32 v6, v16  }
.Ltmp3:
0x5c: {  	v11 =	vld [tilespmem:s22+$0x10];
	v8 =	vmul.f32 v5, v18;
	(pc) =	sbr.rel @p0 .LBB2_5-.Ltmp3, $4  }
0x5d: {  	v6 =	vld.idx.msk [tilespmem:v17+s3+$0x0], $0xffff  }
0x5e: {  	v13 =	vand.u32 $0x3FFF, v15;
	v5 =	vld.idx.msk [tilespmem:v12+s3+$0x0], $0xffff  }
0x5f: {  	v12 =	vld.idx.msk [tilespmem:v19+s3+$0x0], $0xffff  }
0x60: {  	s24 =	sadd.s32 $0x40, s24;
	v14 =	vld [tilespmem:s22+$0xFFFFFFE0]  }
0x61: {  	_ = 	snop  }
0x62: {  	v15 =	vld [tilespmem:s22+$0xFFFFFFF0]  }
0x63: {  	v10 =	vmul.f32 v10, v11;
	v11 =	vld [tilespmem:s22+$0x0];
	_ =	sdelay $0x1  }
0x64: {  	p0 =	seq.s32 s21, $0x18;
	[tilespmem:v3+s18+$0x0] =	vst.idx.add.f32.msk $0xffff, v7  }
0x65: {  	[tilespmem:v4+s18+$0x0] =	vst.idx.add.f32.msk $0xffff, v8;
	s22 =	smul.u32 @!p0 $0x3200, s21;
	v12 =	vmul.f32 v12, v14  }
0x66: {  	[tilespmem:v13+s18+$0x0] =	vst.idx.add.f32.msk $0xffff, v10;
	v3 =	vmul.f32 v6, v15  }
0x67: {  	s22 =	sshrl.u32 @!p0 s22, $0x3;
	v4 =	vmul.f32 v5, v11;
	[tilespmem:v9+s18+$0x0] =	vst.idx.add.f32.msk $0xffff, v12  }
0x68: {  	s22 =	sadd.s32 @!p0 $0x640, s22;
	[tilespmem:v2+s18+$0x0] =	vst.idx.add.f32.msk $0xffff, v3  }
0x69: {  	s24 =	simm.s32 @!p0 $0x0;
	s25 =	simm.s32 @!p0 $0x5000;
	s23 =	sadd.s32 @!p0 s4, s22;
	[tilespmem:v1+s18+$0x0] =	vst.idx.add.f32.msk $0xffff, v4  }
0x6a: {  	[tilespmem:s25], [sflag:$0x1] =	stream.linear.gather @!p0 [hbm4b:s23+s24], $0x1900, $0x38;
	[tilespmem:$0xB400] =	vst v63  }
0x6b: {  	s22 =	sadd.s32 @!p0 s2, s22;
	s23 =	simm.s32 @!p0 $0x6900  }
0x6c: {  	[tilespmem:s23], [sflag:$0x1] =	stream.linear.gather @!p0 [hbm4b:s22+s24], $0x1900, $0x38;
	[tilespmem:$0xB400] =	vst v63  }
0x6d: {  	_ =	swait.ge [sflag:s19], $0x1900  }
0x6e: {  	[sflag:s19] =	ssyncset.done $0x0  }
0x6f: {  	[sflag:s19] =	ssyncadd.s32 $0xFFFFE700  }
0x70: {  	_ =	swait.ge [sflag:s19], $0x1900  }
0x71: {  	[sflag:s19] =	ssyncset.done $0x0  }
0x72: {  	s29 =	simm.s32 $0x8220;
	[sflag:s19] =	ssyncadd.s32 $0xFFFFE700  }
0x73: {  	v1 =	vld [tilespmem:s29+$0x10];
	_ =	sdelay $0x1  }
0x74: {  	v3 =	vld [tilespmem:s29+$0xFFFFFFE0]  }
0x75: {  	v2 =	vld [tilespmem:s29+$0xFFFFFFF0]  }
0x76: {  	s30 =	simm.s32 $0x9B20;
	v8 =	vld [tilespmem:s29+$0x0]  }
0x77: {  	s31 =	simm.s32 $0x8260;
	v7 =	vld [tilespmem:s30+$0x10];
	v4 =	vshrl.u32 v1, $0xE  }
0x78: {  	v13 =	vld [tilespmem:s31+$0x10]  }
0x79: {  	v10 =	vld [tilespmem:s30+$0xFFFFFFE0];
	v6 =	vshrl.u32 v3, $0xE  }
0x7a: {  	v12 =	vld [tilespmem:s31+$0xFFFFFFF0]  }
0x7b: {  	v14 =	vld [tilespmem:s31+$0x0]  }
0x7c: {  	v5 =	vshrl.u32 v2, $0xE;
	v4 =	vld.idx.msk [tilespmem:v4+s3+$0x0], $0xffff  }
0x7d: {  	v15 =	vld [tilespmem:s31+$0xFFFFFFE0];
	v9 =	vshrl.u32 v8, $0xE  }
0x7e: {  	v1 =	vand.u32 $0x3FFF, v1;
	v6 =	vld.idx.msk [tilespmem:v6+s3+$0x0], $0xffff  }
0x7f: {  	s22 =	simm.s32 $0x9B60;
	v17 =	vld [tilespmem:s30+$0x0]  }
0x80: {  	v11 =	vld [tilespmem:s22+$0x10];
	v3 =	vand.u32 $0x3FFF, v3  }
0x81: {  	v5 =	vld.idx.msk [tilespmem:v5+s3+$0x0], $0xffff;
	v4 =	vmul.f32 v4, v7;
	v7 =	vshrl.u32 v13, $0xE  }
0x82: {  	v18 =	vshrl.u32 v15, $0xE;
	v16 =	vld.idx.msk [tilespmem:v9+s3+$0x0], $0xffff  }
0x83: {  	[tilespmem:v1+s18+$0x0] =	vst.idx.add.f32.msk $0xffff, v4;
	v1 =	vmul.f32 v6, v10  }
0x84: {  	v4 =	vld [tilespmem:s30+$0xFFFFFFF0];
	v6 =	vshrl.u32 v12, $0xE  }
0x85: {  	v9 =	vshrl.u32 v14, $0xE;
	[tilespmem:v3+s18+$0x0] =	vst.idx.add.f32.msk $0xffff, v1  }
0x86: {  	v10 =	vld.idx.msk [tilespmem:v7+s3+$0x0], $0xffff  }
0x87: {  	v1 =	vand.u32 $0x3FFF, v12;
	v12 =	vld.idx.msk [tilespmem:v18+s3+$0x0], $0xffff  }
0x88: {  	v13 =	vand.u32 $0x3FFF, v13;
	v3 =	vand.u32 $0x3FFF, v2;
	v2 =	vand.u32 $0x3FFF, v14;
	v14 =	vld [tilespmem:s22+$0xFFFFFFE0]  }
0x89: {  	v6 =	vld.idx.msk [tilespmem:v6+s3+$0x0], $0xffff;
	v7 =	vmul.f32 v5, v4  }
0x8a: {  	s23 =	simm.s32 $0x4;
	s24 =	simm.s32 $0x82A0;
	v5 =	vld.idx.msk [tilespmem:v9+s3+$0x0], $0xffff;
	v4 =	vand.u32 $0x3FFF, v8;
	v9 =	vand.u32 $0x3FFF, v15;
	v8 =	vmul.f32 v16, v17  }
.LBB2_7:
0x8b: {  	v15 =	vld [tilespmem:s24+$0x10];
	s23 =	sadd.s32 $0x4, s23;
	v10 =	vmul.f32 v10, v11  }
0x8c: {  	v11 =	vld [tilespmem:s24+$0xFFFFFFF0];
	p1 =	slt.u32 s23, $0x18C  }
0x8d: {  	[tilespmem:v13+s18+$0x0] =	vst.idx.add.f32.msk $0xffff, v10  }
0x8e: {  	v10 =	vld [tilespmem:s24+$0x0]  }
0x8f: {  	v13 =	vld [tilespmem:s24+$0xFFFFFFE0];
	v12 =	vmul.f32 v12, v14  }
0x90: {  	v14 =	vshrl.u32 v15, $0xE;
	v16 =	vld [tilespmem:s22+$0xFFFFFFF0]  }
0x91: {  	v17 =	vshrl.u32 v11, $0xE;
	v11 =	vand.u32 $0x3FFF, v11;
	v18 =	vld [tilespmem:s22+$0x0]  }
0x92: {  	[tilespmem:v9+s18+$0x0] =	vst.idx.add.f32.msk $0xffff, v12  }
0x93: {  	v12 =	vshrl.u32 v10, $0xE;
	v10 =	vand.u32 $0x3FFF, v10;
	[tilespmem:v3+s18+$0x0] =	vst.idx.add.f32.msk $0xffff, v7;
	v3 =	vmovc v1;
	v1 =	vmov v11  }
0x94: {  	v19 =	vshrl.u32 v13, $0xE;
	v9 =	vand.u32 $0x3FFF, v13;
	[tilespmem:v4+s18+$0x0] =	vst.idx.add.f32.msk $0xffff, v8;
	v4 =	vmovc v2;
	v2 =	vmov v10  }
0x95: {  	s22 =	sadd.s32 $0x40, s22;
	v10 =	vld.idx.msk [tilespmem:v14+s3+$0x0], $0xffff;
	v7 =	vmul.f32 v6, v16  }
.Ltmp4:
0x96: {  	v11 =	vld [tilespmem:s22+$0x10];
	v8 =	vmul.f32 v5, v18;
	(pc) =	sbr.rel @p1 .LBB2_7-.Ltmp4, $4  }
0x97: {  	v6 =	vld.idx.msk [tilespmem:v17+s3+$0x0], $0xffff  }
0x98: {  	v13 =	vand.u32 $0x3FFF, v15;
	v5 =	vld.idx.msk [tilespmem:v12+s3+$0x0], $0xffff  }
0x99: {  	v12 =	vld.idx.msk [tilespmem:v19+s3+$0x0], $0xffff  }
0x9a: {  	s24 =	sadd.s32 $0x40, s24;
	v14 =	vld [tilespmem:s22+$0xFFFFFFE0]  }
0x9b: {  	_ = 	snop  }
0x9c: {  	v15 =	vld [tilespmem:s22+$0xFFFFFFF0]  }
0x9d: {  	v62 =	vld [tilespmem:s22+$0x0];
	_ =	sdelay $0x1  }
0x9e: {  	v10 =	vmul.f32 v10, v11;
	[tilespmem:v3+s18+$0x0] =	vst.idx.add.f32.msk $0xffff, v7  }
.Ltmp5:
0x9f: {  	[tilespmem:v4+s18+$0x0] =	vst.idx.add.f32.msk $0xffff, v8;
	v12 =	vmul.f32 v12, v14;
	(pc) =	sbr.rel @p0 .LBB2_10-.Ltmp5, $4  }
0xa0: {  	[tilespmem:v13+s18+$0x0] =	vst.idx.add.f32.msk $0xffff, v10;
	v3 =	vmul.f32 v6, v15  }
0xa1: {  	v63 =	vmul.f32 v5, v62;
	[tilespmem:v9+s18+$0x0] =	vst.idx.add.f32.msk $0xffff, v12  }
0xa2: {  	[tilespmem:v1+s18+$0x0] =	vst.idx.add.f32.msk $0xffff, v3  }
0xa3: {  	[tilespmem:v2+s18+$0x0] =	vst.idx.add.f32.msk $0xffff, v63  }
0xa4: {  	s22 =	smul.u32 $0x3200, s21;
	_ =	sdelay $0x1  }
0xa5: {  	s22 =	sshrl.u32 s22, $0x3  }
.Ltmp6:
0xa6: {  	s22 =	sadd.s32 $0x960, s22;
	(pc) =	sbr.rel .LBB2_4-.Ltmp6, $4  }
0xa7: {  	s23 =	sadd.s32 s4, s22  }
0xa8: {  	[tilespmem:s12], [sflag:$0x2] =	stream.linear.gather [hbm4b:s23+s3], $0x1900, $0x38;
	[tilespmem:$0xB400] =	vst v63  }
0xa9: {  	s21 =	sadd.s32 $0x1, s21;
	s22 =	sadd.s32 s2, s22  }
0xaa: {  	[tilespmem:s13], [sflag:$0x2] =	stream.linear.gather [hbm4b:s22+s3], $0x1900, $0x38;
	[tilespmem:$0xB400] =	vst v63  }
.LBB2_11:
0xab: {  	_ =	sfence.sel $0x180000  }
0xac: {  	[bflag:$0x0] =	sbarrier.arrive $0xFFFF  }
0xad: {  	p0 =	sne.s32 s1, $0x0;
	_ =	strace $0x9000004D  }
0xae: {  	s0 =	sadd.s32 @!p0 $0x100000, s0;
	[bflag:$0x2] =	sbarrier.arrive $0xFFFF  }
0xaf: {  	[sflag:s0] =	ssyncadd.tile.s32 @!p0 $0x1;
	_ =	shalt  }
.Lfunc_end2:
_tile_overlayer_lowered:
.L_overlay_start_2:
0xb0: {  	(tag) =	ssettag $0x2  }
0xb1: {  	s0 =	rddreg [dreg:$0x0];
	s2 =	stileid.u32  }
0xb2: {  	s1 =	rddreg [dreg:$0x1];
	p0 =	sne.s32 s2, $0x0  }
0xb3: {  	s3 =	rddreg [dreg:$0x2];
	[bflag:$0x3] =	sbarrier.arrive $0xFFFF;
	s2 =	simm.s32 @!p0 $0x1C03  }
0xb4: {  	[timem:s3], [sflag:s2] =	dma.local @!p0 [hbm:s0], s1  }
0xb5: {  	s0 =	simm.s32 @!p0 $0x3  }
0xb6: {  	_ =	swait.ge @!p0 [sflag:s0], s1  }
0xb7: {  	s1 =	ssub.s32 @!p0 $0x0, s1;
	[sflag:s0] =	ssyncset.done @!p0 $0x0  }
0xb8: {  	[sflag:s0] =	ssyncadd.s32 @!p0 s1  }
0xb9: {  	[bflag:$0x3] =	sbarrier.arrive $0xFFFF  }
0xba: {  	_ =	shalt  }

// kernel: kernel.9.cloned.1.call-start
scs
__scs_entry_jumppad:
0x0: {  	(pc) =	sbr.rel $0x88, $3  }
0x1: {  	(tag) =	ssettag $0x0;
	lr =	simm.s32 $0x1  }
0x2: {  	[smem:$0x3F92] =	sst lr;
	_ =	strace $0xD0000000  }
0x3: {  	_ = 	snop  }
0x4: {  	_ = 	snop  }
0x5: {  	_ = 	snop  }
0x6: {  	_ = 	snop  }
0x7: {  	_ = 	snop  }
__scs_overlays_trampoline_lowered:
0x8: {  	[smem:$0x3FA1] =	sst s0  }
0x9: {  	[smem:$0x3FA2] =	sst s1  }
0xa: {  	[smem:$0x3FA3] =	sst s2  }
0xb: {  	[smem:$0x3FA4] =	sst s3  }
0xc: {  	[smem:$0x3FA5] =	sst s4  }
0xd: {  	[smem:$0x3FA6] =	sst s5  }
0xe: {  	[smem:$0x3FA7] =	sst s6  }
0xf: {  	[smem:$0x3FA8] =	sst s7  }
0x10: {  	[smem:$0x3FA9] =	sst s8  }
0x11: {  	[smem:$0x3FAA] =	sst s9;
	s0 =	simm.s32 @!p0 $0x0  }
0x12: {  	s1 =	sld [smem:$0x3F90];
	s0 =	simm.s32 @p0 $0x1  }
0x13: {  	[smem:$0x3FAB] =	sst s0;
	s0 =	simm.s32 @!p1 $0x0  }
0x14: {  	s2 =	sld [smem:$0x3F8F];
	s0 =	simm.s32 @p1 $0x1  }
0x15: {  	[smem:$0x3FAC] =	sst s0;
	s0 =	simm.s32 @!p2 $0x0  }
0x16: {  	s3 =	sld [smem:$0x3FDB];
	s0 =	simm.s32 @p2 $0x1  }
0x17: {  	s4 =	simm.s32 $0x1BF5;
	[smem:$0x3FAE] =	sst s0  }
0x18: {  	s0 =	sld [smem:$0x3F91];
	_ =	swait.ge [sflag:s4], $0x0  }
0x19: {  	s7 =	sld [smem:$0x3F92]  }
0x1a: {  	s8 =	sadd.s32 $0xFFFFE003, lr  }
0x1b: {  	s9 =	sadd.s32 $0xFFFFFEF7, lr;
	s5 =	simm.s32 $0xFFFFFFFF;
	p2 =	slt.u32 s8, $0xFFFFF086  }
0x1c: {  	p1 =	slt.u32 s9, $0xF7A;
	s5 =	simm.s32 @!p2 $0x0  }
0x1d: {  	s5 =	simm.s32 @p1 $0x1;
	p0 =	seq.s32 s7, s2  }
0x1e: {  	s7 =	smul.u32 @!p0 $0xF7A, s2;
	p2 =	seq.s32 @!p0 s5, $0x0  }
0x1f: {  	s9 =	smul.u32 $0xF7A, s1;
	s8 =	simm.s32 @!p0 $0x1BF5;
	p2 =	por !p2, p0  }
0x20: {  	[sflag:s8] =	ssyncset.s32 @!p0 $0xFFFFF086;
	s6 =	sadd.s32 @!p0 s3, s7;
	s7 =	simm.s32 @!p0 $0x108  }
0x21: {  	s3 =	sadd.s32 s3, s9;
	s6 =	sadd.s32 @!p0 $0x88, s6;
	s7 =	simm.s32 @p2 $0x1082  }
0x22: {  	[simem:s7], [sflag:s8] =	dma.local @!p0 [hbm:s6], $0xF7A  }
0x23: {  	s9 =	sor.u32 $0xD0000000, s2;
	s6 =	simm.s32 $0x108;
	_ =	swait.ge @!p0 [sflag:s8], $0x0  }
0x24: {  	s3 =	sadd.s32 $0x88, s3;
	s6 =	simm.s32 @!p1 $0x1082;
	[sflag:s4] =	ssyncset.s32 $0xFFFFF086  }
0x25: {  	[simem:s6], [sflag:s4] =	dma.local [hbm:s3], $0xF7A  }
0x26: {  	[smem:$0x3F92] =	sst s1;
	(tag) =	ssettag s2;
	_ =	strace s9  }
0x27: {  	s1 =	sld [smem:$0x3FA2]  }
0x28: {  	s2 =	sld [smem:$0x3FA3]  }
0x29: {  	s4 =	sld [smem:$0x3FA5]  }
0x2a: {  	p0 =	seq.s32 s5, $0x0;
	s5 =	sld [smem:$0x3FA6]  }
0x2b: {  	s6 =	sld [smem:$0x3FA7]  }
0x2c: {  	s7 =	sld [smem:$0x3FA8]  }
0x2d: {  	s3 =	simm.s32 $0x108;
	s8 =	sld [smem:$0x3FA9]  }
0x2e: {  	s3 =	simm.s32 @!p0 $0x1082;
	s9 =	sld [smem:$0x3FAA]  }
0x2f: {  	lr =	sadd.s32 s0, s3;
	s0 =	sld [smem:$0x3FA1]  }
0x30: {  	s3 =	sld [smem:$0x3FA4]  }
0x31: {  	[smem:$0x3FAD] =	sst s10  }
0x32: {  	s10 =	sld [smem:$0x3FAB];
	_ =	sdelay $0x3  }
0x33: {  	p0 =	seq.s32 s10, $0x1;
	s10 =	sld [smem:$0x3FAD];
	_ =	sdelay $0x3  }
0x34: {  	[smem:$0x3FAD] =	sst s10  }
0x35: {  	s10 =	sld [smem:$0x3FAC];
	_ =	sdelay $0x3  }
0x36: {  	p1 =	seq.s32 s10, $0x1;
	s10 =	sld [smem:$0x3FAD];
	_ =	sdelay $0x3  }
0x37: {  	[smem:$0x3FAD] =	sst s10  }
0x38: {  	s10 =	sld [smem:$0x3FAE]  }
0x39: {  	_ = 	snop;
	(pc) =	sbr.ind lr, $3  }
0x3a: {  	_ = 	snop  }
0x3b: {  	_ = 	snop  }
0x3c: {  	p2 =	seq.s32 s10, $0x1;
	s10 =	sld [smem:$0x3FAD]  }
0x3d: {  	_ =	shalt  }
0x3e: {  	_ =	shalt  }
0x3f: {  	_ =	shalt  }
0x40: {  	_ =	shalt  }
0x41: {  	_ =	shalt  }
0x42: {  	_ =	shalt  }
0x43: {  	_ =	shalt  }
0x44: {  	_ =	shalt  }
0x45: {  	_ =	shalt  }
0x46: {  	_ =	shalt  }
0x47: {  	_ =	shalt  }
0x48: {  	_ =	shalt  }
0x49: {  	_ =	shalt  }
0x4a: {  	_ =	shalt  }
0x4b: {  	_ =	shalt  }
0x4c: {  	_ =	shalt  }
0x4d: {  	_ =	shalt  }
0x4e: {  	_ =	shalt  }
0x4f: {  	_ =	shalt  }
0x50: {  	_ =	shalt  }
0x51: {  	_ =	shalt  }
0x52: {  	_ =	shalt  }
0x53: {  	_ =	shalt  }
0x54: {  	_ =	shalt  }
0x55: {  	_ =	shalt  }
0x56: {  	_ =	shalt  }
0x57: {  	_ =	shalt  }
0x58: {  	_ =	shalt  }
0x59: {  	_ =	shalt  }
0x5a: {  	_ =	shalt  }
0x5b: {  	_ =	shalt  }
0x5c: {  	_ =	shalt  }
0x5d: {  	_ =	shalt  }
0x5e: {  	_ =	shalt  }
0x5f: {  	_ =	shalt  }
0x60: {  	_ =	shalt  }
0x61: {  	_ =	shalt  }
0x62: {  	_ =	shalt  }
0x63: {  	_ =	shalt  }
0x64: {  	_ =	shalt  }
0x65: {  	_ =	shalt  }
0x66: {  	_ =	shalt  }
0x67: {  	_ =	shalt  }
0x68: {  	_ =	shalt  }
0x69: {  	_ =	shalt  }
0x6a: {  	_ =	shalt  }
0x6b: {  	_ =	shalt  }
0x6c: {  	_ =	shalt  }
0x6d: {  	_ =	shalt  }
0x6e: {  	_ =	shalt  }
0x6f: {  	_ =	shalt  }
0x70: {  	_ =	shalt  }
0x71: {  	_ =	shalt  }
0x72: {  	_ =	shalt  }
0x73: {  	_ =	shalt  }
0x74: {  	_ =	shalt  }
0x75: {  	_ =	shalt  }
0x76: {  	_ =	shalt  }
0x77: {  	_ =	shalt  }
0x78: {  	_ =	shalt  }
0x79: {  	_ =	shalt  }
0x7a: {  	_ =	shalt  }
0x7b: {  	_ =	shalt  }
0x7c: {  	_ =	shalt  }
0x7d: {  	_ =	shalt  }
0x7e: {  	_ =	shalt  }
0x7f: {  	_ =	shalt  }
0x80: {  	_ =	shalt  }
0x81: {  	_ =	shalt  }
0x82: {  	_ =	shalt  }
0x83: {  	_ =	shalt  }
0x84: {  	_ =	shalt  }
0x85: {  	_ =	shalt  }
0x86: {  	_ =	shalt  }
0x87: {  	_ =	shalt  }
.Lfunc_end0:
.L_simem_size_0:
called_computation_lowered:
.L_overlay_start_0:
0x88: {  	s2 =	sld [smem:$0x3FD9]  }
0x89: {  	s3 =	sld [smem:$0x3FFE];
	_ =	sdelay $0x1  }
0x8a: {  	s1 =	srdreg.scid  }
0x8b: {  	s0 =	sand.u32 $0x1, s1  }
0x8c: {  	s17 =	sshll.u32 s0, $0xA;
	s2 =	sadd.s32 s3, s2  }
0x8d: {  	s2 =	sadd.s32 s2, s17  }
0x8e: {  	[smem:$0x3FB9] =	sst s2  }
0x8f: {  	_ = 	snop  }
0x90: {  	s2 =	sld [smem:$0x3FC7];
	(tm) =	ssettm $0x1  }
0x91: {  	s18 =	sld [smem:$0x3FFB];
	_ =	sdelay $0x3  }
0x92: {  	_ =	strace s18  }
0x93: {  	s3 =	sld [smem:$0x3FFC];
	_ =	sdelay $0x3  }
0x94: {  	_ =	strace s3  }
0x95: {  	s3 =	sld [smem:$0x3FFD];
	_ =	sdelay $0x3  }
0x96: {  	_ =	strace s3  }
0x97: {  	_ =	strace $0x8FFFFFFF  }
0x98: {  	s19 =	sld [smem:$0x3FDB];
	_ =	sdelay $0x1  }
0x99: {  	s4 =	simm.s32 $_scs_section_size  }
0x9a: {  	s5 =	simm.s32 $_size__tile_overlayer_lowered;
	s6 =	simm.s32 $_tile_overlayer_lowered  }
0x9b: {  	s22 =	simm.s32 $0x1BFF;
	s21 =	sshll.u32 s6, $0x1;
	s3 =	sadd.s32 s4, s19  }
0x9c: {  	s7 =	simm.s32 $0x0;
	s20 =	sshll.u32 s5, $0x1;
	s5 =	sadd.s32 s21, s3  }
0x9d: {  	[timem:s7], [sflag:s22] =	dma.local [hbm:s5], s20  }
0x9e: {  	_ =	swait.ge [sflag:s22], s20  }
0x9f: {  	s4 =	ssub.s32 $0x0, s20;
	[sflag:s22] =	ssyncset.done $0x0  }
0xa0: {  	[sflag:s22] =	ssyncadd.s32 s4;
	_ =	sdelay $0x1  }
0xa1: {  	s23 =	simm.s32 $0x1B8B  }
0xa2: {  	_ =	swait.ge [sflag:s23], $0x1  }
0xa3: {  	[sflag:s23] =	ssyncset.done $0x0  }
0xa4: {  	s25 =	simm.s32 $0x1B8E;
	s24 =	sld [smem:$0x3FFE];
	[sflag:s23] =	ssyncadd.s32 $0xFFFFFFFF  }
0xa5: {  	s26 =	simm.s32 $execute0_lowered;
	[smem:$0x3FD2] =	sst s25  }
0xa6: {  	s5 =	sshll.u32 s26, $0x1;
	_ =	strace $0x80000046;
	[dreg:$0x1] =	wrdreg $0xFFFFFFFF  }
0xa7: {  	s28 =	simm.s32 $_size_execute0_lowered;
	s3 =	sadd.s32 s3, s5;
	[dreg:$0x0] =	wrdreg $0x0  }
0xa8: {  	s5 =	sshll.u32 s28, $0x1;
	[dreg:$0x2] =	wrdreg s3  }
0xa9: {  	[dreg:$0x3] =	wrdreg s5  }
0xaa: {  	[dreg:$0x4] =	wrdreg $0xC0  }
0xab: {  	_ =	task [dreg:s7], $0x5FFFF  }
0xac: {  	[dreg:$0x1] =	wrdreg $0xFFFFFFFF  }
0xad: {  	[dreg:$0x0] =	wrdreg $0x60  }
0xae: {  	[dreg:$0x2] =	wrdreg s24  }
0xaf: {  	[dreg:$0x3] =	wrdreg s2  }
0xb0: {  	[dreg:$0x4] =	wrdreg $0x9  }
0xb1: {  	_ =	task.clear_ibuf [dreg:s7], $0x5FFFF;
	_ =	strace $0x90000046  }
0xb2: {  	s29 =	simm.s32 $0x9;
	_ =	strace $0x80000048  }
0xb3: {  	_ =	swait.ge [sflag:s29], $0x1  }
0xb4: {  	[sflag:s29] =	ssyncadd.s32 $0xFFFFFFFF  }
0xb5: {  	_ =	strace $0x90000048  }
0xb6: {  	_ =	sfence  }
0xb7: {  	s30 =	sld [smem:$0x0];
	_ =	sdelay $0x2  }
0xb8: {  	s31 =	sshll.u32 s1, $0xD;
	s1 =	sshrl.u32 s1, $0x2  }
0xb9: {  	s3 =	sand.u32 $0x4000, s31;
	s1 =	sadd.s32 s1, s30  }
0xba: {  	s0 =	sor.u32 s3, s0;
	s1 =	sshll.u32 s1, $0x11  }
0xbb: {  	s0 =	sor.u32 s1, s0  }
0xbc: {  	s0 =	sadd.s32 $0x8F2B, s0  }
0xbd: {  	[sflag:s0] =	ssyncadd.remote.s32 $0x1  }
0xbe: {  	_ =	sfence.sel $0xFFFF  }
0xbf: {  	[dreg:$0x0] =	wrdreg $0xFFFFFFFF;
	(pc) =	sbr.abs _section_cstart, $3  }
0xc0: {  	[dreg:$0x1] =	wrdreg $0xFFFFFFFF  }
0xc1: {  	_ =	task.clear_ibuf [dreg:s7], $0x2FFFF;
	_ =	strace $0x9FFFFFFF  }
0xc2: {  	(tm) =	ssettm $0x7FFFFFFF  }
0xc3: {  	_ =	shalt  }
tec
execute0_lowered:
.L_overlay_start_1:
0x0: {  	(tag) =	ssettag $0x1  }
0x1: {  	s0 =	rddreg [dreg:$0x0]  }
0x2: {  	s1 =	rddreg [dreg:$0x1];
	s2 =	simm.s32 $0x0  }
0x3: {  	s3 =	srdreg.scid;
	s7 =	stileid.u32;
	s15 =	simm.s32 $0x10900  }
0x4: {  	s16 =	simm.s32 $0x12200;
	s17 =	simm.s32 $0x13B00;
	s18 =	simm.s32 $0x80  }
0x5: {  	s19 =	simm.s32 $0x400;
	s20 =	simm.s32 $0x3;
	s21 =	simm.s32 $0x2800  }
0x6: {  	s22 =	simm.s32 $0x1;
	s28 =	simm.s32 $0x2;
	s29 =	simm.s32 $0x0  }
0x7: {  	[smem:$0x7FF] =	sst s2;
	s8 =	sadd.s32 $0xCC00, s0;
	s3 =	sand.u32 $0x1, s3  }
0x8: {  	s4 =	sadd.s32 $0x2E00, s0;
	s5 =	sshll.u32 s7, $0x2;
	s23 =	sshrl.u32 s7, $0x1  }
0x9: {  	s12 =	sadd.s32 $0x20C00, s0;
	_ =	strace $0x80000047;
	s6 =	sshll.u32 s3, $0x1  }
0xa: {  	s3 =	ssub.s32 $0x2, s3;
	s9 =	smul.u32 $0x14000, s23;
	s23 =	simm.s32 $0x5000  }
0xb: {  	s6 =	sor.u32 s6, s5;
	s24 =	sshrl.u32 s3, $0x1;
	s5 =	sadd.s32 $0x3120, s0  }
0xc: {  	s25 =	sshll.u32 s6, $0x7;
	s3 =	ssub.s32 s3, s24;
	s31 =	sor.u32 $0x41, s6  }
0xd: {  	s6 =	sadd.s32 $0x320, s1;
	s24 =	simm.s32 $0xA000;
	s26 =	sand.u32 $0x300, s25  }
0xe: {  	s10 =	sshrl.u32 s31, $0x3;
	s13 =	sshll.u32 s31, $0x7;
	s25 =	simm.s32 $0x7800  }
0xf: {  	s30 =	sor.u32 s9, s26;
	s10 =	smul.u32 $0x14000, s10;
	s13 =	sand.u32 $0x380, s13  }
.Ltmp0:
0x10: {  	s26 =	simm.s32 $0xC800;
	s9 =	sshrl.u32 s30, $0x3;
	(pc) =	sbr.rel .LBB2_1-.Ltmp0, $4  }
0x11: {  	s0 =	sadd.s32 $0xA0000, s30;
	s11 =	sor.u32 $0x10, s9;
	s7 =	sadd.s32 s8, s9  }
0x12: {  	s9 =	sadd.s32 s12, s9;
	s13 =	sor.u32 s13, s10;
	s0 =	sshrl.u32 s0, $0x3  }
0x13: {  	s8 =	sadd.s32 s8, s11;
	s10 =	sadd.s32 s12, s11;
	s13 =	sshrl.u32 s13, $0x3  }
0x14: {  	v0 =	vimm.f32 $0.0e+00;
	s11 =	sadd.s32 s12, s0;
	s12 =	sadd.s32 s12, s13;
	s13 =	smax.u32 s3, $0x1  }
.LBB2_10:
0x15: {  	[hbm4b:s9+s18] =	stream.strided.scatter [tilespmem:s23], [sflag:$0x3], $0x2800, s19, s18, $0x38;
	[tilespmem:$0x15400] =	vst v63  }
0x16: {  	_ =	swait.ge [sflag:s20], $0x2800  }
0x17: {  	[sflag:s20] =	ssyncset.done $0x0  }
0x18: {  	[sflag:s20] =	ssyncadd.s32 $0xFFFFD800  }
0x19: {  	[hbm4b:s10+s18] =	stream.strided.scatter [tilespmem:s25], [sflag:$0x3], $0x2800, s19, s18, $0x38;
	[tilespmem:$0x15400] =	vst v63  }
0x1a: {  	_ =	swait.ge [sflag:s20], $0x2800  }
0x1b: {  	[sflag:s20] =	ssyncset.done $0x0  }
0x1c: {  	[sflag:s20] =	ssyncadd.s32 $0xFFFFD800  }
0x1d: {  	[hbm4b:s11+s18] =	stream.strided.scatter [tilespmem:s24], [sflag:$0x3], $0x2800, s19, s18, $0x38;
	[tilespmem:$0x15400] =	vst v63  }
0x1e: {  	s29 =	sadd.s32 $0x1, s29;
	_ =	swait.ge [sflag:s20], $0x2800  }
0x1f: {  	p0 =	sne.s32 s29, s13;
	[sflag:s20] =	ssyncset.done $0x0  }
.Ltmp1:
0x20: {  	[sflag:s20] =	ssyncadd.s32 $0xFFFFD800;
	(pc) =	sbr.rel @!p0 .LBB2_11-.Ltmp1, $4  }
0x21: {  	[hbm4b:s12+s18] =	stream.strided.scatter [tilespmem:s26], [sflag:$0x3], $0x2800, s19, s18, $0x38;
	[tilespmem:$0x15400] =	vst v63  }
0x22: {  	_ =	swait.ge [sflag:s20], $0x2800  }
0x23: {  	[sflag:s20] =	ssyncset.done $0x0  }
0x24: {  	[sflag:s20] =	ssyncadd.s32 $0xFFFFD800  }
.LBB2_1:
0x25: {  	s0 =	simm.s32 $0xF000  }
0x26: {  	[tilespmem:s0], [sflag:$0x1] =	stream.linear.gather [hbm4b:s4+s2], $0x1900, $0x38;
	[tilespmem:$0x15400] =	vst v63  }
0x27: {  	_ = 	snop  }
0x28: {  	[tilespmem:s15], [sflag:$0x1] =	stream.linear.gather [hbm4b:s1+s2], $0x1900, $0x38;
	[tilespmem:$0x15400] =	vst v63  }
0x29: {  	_ = 	snop  }
0x2a: {  	[tilespmem:s16], [sflag:$0x2] =	stream.linear.gather [hbm4b:s5+s2], $0x1900, $0x38;
	[tilespmem:$0x15400] =	vst v63  }
0x2b: {  	_ = 	snop  }
0x2c: {  	[tilespmem:s17], [sflag:$0x2] =	stream.linear.gather [hbm4b:s6+s2], $0x1900, $0x38;
	[tilespmem:$0x15400] =	vst v63  }
0x2d: {  	_ = 	snop  }
0x2e: {  	[tilespmem:s2], [sflag:$0x3] =	stream.strided.gather [hbm4b:s7+s18], $0x2800, s19, s18, $0x38;
	[tilespmem:$0x15400] =	vst v63  }
0x2f: {  	_ =	swait.ge [sflag:s20], $0x2800  }
0x30: {  	[sflag:s20] =	ssyncset.done $0x0  }
0x31: {  	[sflag:s20] =	ssyncadd.s32 $0xFFFFD800  }
0x32: {  	[tilespmem:s21], [sflag:$0x3] =	stream.strided.gather [hbm4b:s8+s18], $0x2800, s19, s18, $0x38;
	[tilespmem:$0x15400] =	vst v63  }
0x33: {  	_ =	swait.ge [sflag:s20], $0x2800  }
0x34: {  	[sflag:s20] =	ssyncset.done $0x0  }
0x35: {  	s0 =	simm.s32 $0x5040;
	[sflag:s20] =	ssyncadd.s32 $0xFFFFD800  }
0x36: {  	[tilespmem:s0+$0xFFFFFFC0] =	vst v0  }
0x37: {  	[tilespmem:s0+$0x30] =	vst v0  }
0x38: {  	[tilespmem:s0+$0x20] =	vst v0  }
0x39: {  	[tilespmem:s0+$0x10] =	vst v0  }
0x3a: {  	[tilespmem:s0+$0x0] =	vst v0  }
0x3b: {  	[tilespmem:s0+$0xFFFFFFF0] =	vst v0  }
0x3c: {  	s3 =	simm.s32 $0x0;
	[tilespmem:s0+$0xFFFFFFE0] =	vst v0  }
.LBB2_2:
0x3d: {  	s3 =	sadd.s32 $0x8, s3;
	[tilespmem:s0+$0xFFFFFFD0] =	vst v0;
	s0 =	sadd.s32 $0x80, s0  }
0x3e: {  	[tilespmem:s0+$0xFFFFFFC0] =	vst v0;
	p0 =	slt.u32 s3, $0x9F8  }
0x3f: {  	[tilespmem:s0+$0x30] =	vst v0  }
.Ltmp2:
0x40: {  	[tilespmem:s0+$0x20] =	vst v0;
	(pc) =	sbr.rel @p0 .LBB2_2-.Ltmp2, $4  }
0x41: {  	[tilespmem:s0+$0x10] =	vst v0  }
0x42: {  	[tilespmem:s0+$0x0] =	vst v0  }
0x43: {  	[tilespmem:s0+$0xFFFFFFF0] =	vst v0  }
0x44: {  	[tilespmem:s0+$0xFFFFFFE0] =	vst v0  }
0x45: {  	[tilespmem:s0+$0xFFFFFFD0] =	vst v0;
	s30 =	simm.s32 $0x0  }
.LBB2_4:
0x46: {  	_ =	swait.ge [sflag:s22], $0x1900  }
0x47: {  	[sflag:s22] =	ssyncset.done $0x0  }
0x48: {  	[sflag:s22] =	ssyncadd.s32 $0xFFFFE700  }
0x49: {  	_ =	swait.ge [sflag:s22], $0x1900  }
0x4a: {  	[sflag:s22] =	ssyncset.done $0x0  }
0x4b: {  	s0 =	simm.s32 $0xF020;
	[sflag:s22] =	ssyncadd.s32 $0xFFFFE700  }
0x4c: {  	v1 =	vld [tilespmem:s0+$0x10]  }
0x4d: {  	v3 =	vld [tilespmem:s0+$0xFFFFFFE0];
	_ =	sdelay $0x3  }
0x4e: {  	v2 =	vld [tilespmem:s0+$0xFFFFFFF0];
	v5 =	vshrl.u32 v1, $0xE  }
0x4f: {  	v7 =	vshrl.u32 v3, $0xE  }
0x50: {  	s3 =	simm.s32 $0x10920;
	v4 =	vld [tilespmem:s0+$0x0]  }
0x51: {  	v10 =	vld [tilespmem:s3+$0x10]  }
0x52: {  	v14 =	vld [tilespmem:s3+$0xFFFFFFE0]  }
0x53: {  	v6 =	vshrl.u32 v2, $0xE;
	v9 =	vld.idx.msk [tilespmem:v5+s2+$0x0], $0xffff  }
0x54: {  	v12 =	vld.idx.msk [tilespmem:v7+s2+$0x0], $0xffff  }
0x55: {  	v16 =	vld [tilespmem:s3+$0xFFFFFFF0];
	v8 =	vshrl.u32 v4, $0xE  }
0x56: {  	s14 =	simm.s32 $0xF060;
	v17 =	vld [tilespmem:s3+$0x0];
	v13 =	vand.u32 $0x3FFF, v1  }
0x57: {  	v55 =	vld [tilespmem:s14+$0x0];
	v3 =	vand.u32 $0x3FFF, v3  }
0x58: {  	s31 =	simm.s32 $0x10960;
	v11 =	vld.idx.msk [tilespmem:v6+s2+$0x0], $0xffff;
	v1 =	vshll.u32 v9, $0x10  }
0x59: {  	v60 =	vld [tilespmem:s31+$0x10];
	v18 =	vshll.u32 v12, $0x10;
	v1 =	vmul.f32 v1, v10  }
0x5a: {  	v15 =	vld.idx.msk [tilespmem:v8+s2+$0x0], $0xffff;
	v9 =	vand.u32 $0xFFFF0000, v9;
	v18 =	vmul.f32 v18, v14  }
0x5b: {  	v2 =	vand.u32 $0x3FFF, v2;
	v9 =	vmul.f32 v9, v10;
	[tilespmem:v13+s23+$0x0] =	vst.idx.add.f32.msk $0xffff, v1  }
0x5c: {  	v12 =	vand.u32 $0xFFFF0000, v12;
	[tilespmem:v3+s23+$0x0] =	vst.idx.add.f32.msk $0xffff, v18  }
0x5d: {  	v1 =	vand.u32 $0x3FFF, v4;
	v4 =	vshll.u32 v11, $0x10;
	[tilespmem:v13+s24+$0x0] =	vst.idx.add.f32.msk $0xffff, v9;
	v9 =	vmul.f32 v12, v14  }
0x5e: {  	v11 =	vand.u32 $0xFFFF0000, v11;
	v4 =	vmul.f32 v4, v16;
	v5 =	vld.idx.msk [tilespmem:v5+s21+$0x0], $0xffff  }
0x5f: {  	v54 =	vshll.u32 v15, $0x10;
	v11 =	vmul.f32 v11, v16;
	[tilespmem:v3+s24+$0x0] =	vst.idx.add.f32.msk $0xffff, v9  }
0x60: {  	v12 =	vmul.f32 v54, v17;
	v9 =	vand.u32 $0xFFFF0000, v15;
	[tilespmem:v2+s23+$0x0] =	vst.idx.add.f32.msk $0xffff, v4  }
0x61: {  	v4 =	vmul.f32 v9, v17;
	[tilespmem:v2+s24+$0x0] =	vst.idx.add.f32.msk $0xffff, v11  }
0x62: {  	[tilespmem:v1+s23+$0x0] =	vst.idx.add.f32.msk $0xffff, v12  }
0x63: {  	[tilespmem:v1+s24+$0x0] =	vst.idx.add.f32.msk $0xffff, v4;
	v4 =	vshll.u32 v5, $0x10  }
0x64: {  	v6 =	vld.idx.msk [tilespmem:v6+s21+$0x0], $0xffff;
	v4 =	vmul.f32 v4, v10  }
0x65: {  	v11 =	vld [tilespmem:s14+$0xFFFFFFE0]  }
0x66: {  	v5 =	vand.u32 $0xFFFF0000, v5;
	[tilespmem:v13+s25+$0x0] =	vst.idx.add.f32.msk $0xffff, v4  }
0x67: {  	v4 =	vmul.f32 v5, v10;
	v5 =	vld [tilespmem:s14+$0x10]  }
0x68: {  	v7 =	vld.idx.msk [tilespmem:v7+s21+$0x0], $0xffff  }
0x69: {  	v8 =	vld.idx.msk [tilespmem:v8+s21+$0x0], $0xffff;
	v9 =	vshll.u32 v6, $0x10  }
0x6a: {  	v58 =	vshrl.u32 v11, $0xE;
	v10 =	vld [tilespmem:s14+$0xFFFFFFF0];
	v9 =	vmul.f32 v9, v16  }
0x6b: {  	v6 =	vand.u32 $0xFFFF0000, v6;
	[tilespmem:v13+s26+$0x0] =	vst.idx.add.f32.msk $0xffff, v4  }
0x6c: {  	v6 =	vmul.f32 v6, v16;
	[tilespmem:v2+s25+$0x0] =	vst.idx.add.f32.msk $0xffff, v9;
	v56 =	vshrl.u32 v5, $0xE  }
0x6d: {  	v4 =	vshll.u32 v7, $0x10;
	v9 =	vld [tilespmem:s31+$0xFFFFFFE0]  }
0x6e: {  	v4 =	vmul.f32 v4, v14;
	[tilespmem:v2+s26+$0x0] =	vst.idx.add.f32.msk $0xffff, v6  }
0x6f: {  	v7 =	vand.u32 $0xFFFF0000, v7;
	v19 =	vld.idx.msk [tilespmem:v58+s2+$0x0], $0xffff;
	v57 =	vshrl.u32 v10, $0xE  }
0x70: {  	v7 =	vmul.f32 v7, v14;
	[tilespmem:v3+s25+$0x0] =	vst.idx.add.f32.msk $0xffff, v4  }
0x71: {  	v2 =	vld.idx.msk [tilespmem:v56+s2+$0x0], $0xffff  }
0x72: {  	v4 =	vshrl.u32 v55, $0xE;
	[tilespmem:v3+s26+$0x0] =	vst.idx.add.f32.msk $0xffff, v7;
	v3 =	vshll.u32 v8, $0x10  }
0x73: {  	v21 =	vand.u32 $0x3FFF, v5;
	v5 =	vand.u32 $0x3FFF, v11;
	v7 =	vld [tilespmem:s31+$0xFFFFFFF0];
	v3 =	vmul.f32 v3, v17  }
0x74: {  	v59 =	vld.idx.msk [tilespmem:v57+s2+$0x0], $0xffff  }
0x75: {  	[tilespmem:v1+s25+$0x0] =	vst.idx.add.f32.msk $0xffff, v3;
	v3 =	vand.u32 $0x3FFF, v10;
	v10 =	vshll.u32 v19, $0x10  }
0x76: {  	v6 =	vld [tilespmem:s31+$0x0];
	v10 =	vmul.f32 v10, v9;
	v22 =	vshll.u32 v2, $0x10  }
0x77: {  	v20 =	vld.idx.msk [tilespmem:v4+s2+$0x0], $0xffff;
	v2 =	vand.u32 $0xFFFF0000, v2;
	v11 =	vmul.f32 v22, v60  }
0x78: {  	[tilespmem:v5+s23+$0x0] =	vst.idx.add.f32.msk $0xffff, v10;
	v2 =	vmul.f32 v2, v60  }
0x79: {  	v61 =	vshll.u32 v59, $0x10;
	[tilespmem:v21+s23+$0x0] =	vst.idx.add.f32.msk $0xffff, v11  }
0x7a: {  	v12 =	vmul.f32 v61, v7;
	v11 =	vand.u32 $0xFFFF0000, v19;
	[tilespmem:v21+s24+$0x0] =	vst.idx.add.f32.msk $0xffff, v2;
	v2 =	vand.u32 $0x3FFF, v55  }
0x7b: {  	v16 =	vand.u32 $0xFFFF0000, v59;
	v11 =	vmul.f32 v11, v9;
	v13 =	vld.idx.msk [tilespmem:v56+s21+$0x0], $0xffff  }
0x7c: {  	v10 =	vshll.u32 v20, $0x10;
	v16 =	vmul.f32 v16, v7;
	[tilespmem:v3+s23+$0x0] =	vst.idx.add.f32.msk $0xffff, v12  }
0x7d: {  	v10 =	vmul.f32 v10, v6;
	[tilespmem:v5+s24+$0x0] =	vst.idx.add.f32.msk $0xffff, v11;
	v11 =	vand.u32 $0xFFFF0000, v20  }
0x7e: {  	[tilespmem:v3+s24+$0x0] =	vst.idx.add.f32.msk $0xffff, v16;
	v11 =	vmul.f32 v11, v6  }
0x7f: {  	[tilespmem:v2+s23+$0x0] =	vst.idx.add.f32.msk $0xffff, v10  }
0x80: {  	[tilespmem:v2+s24+$0x0] =	vst.idx.add.f32.msk $0xffff, v11;
	v10 =	vshll.u32 v13, $0x10  }
0x81: {  	v11 =	vld.idx.msk [tilespmem:v58+s21+$0x0], $0xffff;
	v62 =	vand.u32 $0xFFFF0000, v13;
	v63 =	vmul.f32 v10, v60  }
0x82: {  	v10 =	vld.idx.msk [tilespmem:v57+s21+$0x0], $0xffff;
	v12 =	vmul.f32 v62, v60  }
0x83: {  	v8 =	vand.u32 $0xFFFF0000, v8;
	[tilespmem:v21+s25+$0x0] =	vst.idx.add.f32.msk $0xffff, v63  }
0x84: {  	s0 =	simm.s32 $0x4;
	s3 =	simm.s32 $0xF0A0;
	v8 =	vmul.f32 v8, v17;
	[tilespmem:v21+s26+$0x0] =	vst.idx.add.f32.msk $0xffff, v12  }
.LBB2_5:
0x85: {  	v12 =	vld [tilespmem:s3+$0x10]  }
0x86: {  	v13 =	vld [tilespmem:s3+$0xFFFFFFF0]  }
0x87: {  	s0 =	sadd.s32 $0x4, s0;
	v15 =	vshll.u32 v11, $0x10;
	v11 =	vand.u32 $0xFFFF0000, v11;
	v14 =	vld [tilespmem:s3+$0x0]  }
0x88: {  	p0 =	slt.u32 s0, $0x18C;
	v15 =	vmul.f32 v15, v9;
	v17 =	vshll.u32 v10, $0x10;
	v10 =	vand.u32 $0xFFFF0000, v10;
	v16 =	vld [tilespmem:s3+$0xFFFFFFE0]  }
0x89: {  	v9 =	vmul.f32 v11, v9;
	v11 =	vmul.f32 v17, v7;
	v17 =	vld.idx.msk [tilespmem:v4+s21+$0x0], $0xffff  }
0x8a: {  	v7 =	vmul.f32 v10, v7;
	v18 =	vshrl.u32 v12, $0xE;
	[tilespmem:v5+s25+$0x0] =	vst.idx.add.f32.msk $0xffff, v15  }
0x8b: {  	v10 =	vshrl.u32 v13, $0xE;
	v13 =	vand.u32 $0x3FFF, v13;
	[tilespmem:v5+s26+$0x0] =	vst.idx.add.f32.msk $0xffff, v9  }
0x8c: {  	v4 =	vshrl.u32 v14, $0xE;
	v9 =	vand.u32 $0x3FFF, v14;
	[tilespmem:v3+s25+$0x0] =	vst.idx.add.f32.msk $0xffff, v11  }
0x8d: {  	v11 =	vshrl.u32 v16, $0xE;
	v5 =	vand.u32 $0x3FFF, v16;
	[tilespmem:v3+s26+$0x0] =	vst.idx.add.f32.msk $0xffff, v7;
	v3 =	vmov v13  }
0x8e: {  	[tilespmem:v1+s26+$0x0] =	vst.idx.add.f32.msk $0xffff, v8;
	v1 =	vmov v2;
	v2 =	vmov v9  }
0x8f: {  	v7 =	vshll.u32 v17, $0x10;
	v8 =	vand.u32 $0xFFFF0000, v17;
	v13 =	vld.idx.msk [tilespmem:v18+s2+$0x0], $0xffff  }
0x90: {  	s31 =	sadd.s32 $0x40, s31;
	v15 =	vmul.f32 v7, v6;
	v8 =	vmul.f32 v8, v6;
	v14 =	vld.idx.msk [tilespmem:v10+s2+$0x0], $0xffff  }
0x91: {  	v16 =	vld [tilespmem:s31+$0x10]  }
0x92: {  	v17 =	vld.idx.msk [tilespmem:v11+s2+$0x0], $0xffff  }
0x93: {  	v12 =	vand.u32 $0x3FFF, v12;
	v19 =	vld.idx.msk [tilespmem:v4+s2+$0x0], $0xffff  }
0x94: {  	v9 =	vld [tilespmem:s31+$0xFFFFFFE0]  }
0x95: {  	v20 =	vshll.u32 v13, $0x10;
	v7 =	vld [tilespmem:s31+$0xFFFFFFF0]  }
0x96: {  	v13 =	vand.u32 $0xFFFF0000, v13;
	v21 =	vshll.u32 v14, $0x10;
	v6 =	vld [tilespmem:s31+$0x0];
	v20 =	vmul.f32 v20, v16  }
0x97: {  	v14 =	vand.u32 $0xFFFF0000, v14;
	v13 =	vmul.f32 v13, v16;
	[tilespmem:v1+s25+$0x0] =	vst.idx.add.f32.msk $0xffff, v15  }
0x98: {  	v15 =	vshll.u32 v17, $0x10;
	v17 =	vand.u32 $0xFFFF0000, v17;
	[tilespmem:v12+s23+$0x0] =	vst.idx.add.f32.msk $0xffff, v20  }
0x99: {  	v20 =	vshll.u32 v19, $0x10;
	v19 =	vand.u32 $0xFFFF0000, v19;
	v15 =	vmul.f32 v15, v9;
	[tilespmem:v12+s24+$0x0] =	vst.idx.add.f32.msk $0xffff, v13  }
0x9a: {  	v13 =	vmul.f32 v17, v9;
	v17 =	vmul.f32 v21, v7;
	v18 =	vld.idx.msk [tilespmem:v18+s21+$0x0], $0xffff  }
0x9b: {  	v14 =	vmul.f32 v14, v7;
	[tilespmem:v5+s23+$0x0] =	vst.idx.add.f32.msk $0xffff, v15;
	v15 =	vmul.f32 v20, v6  }
0x9c: {  	[tilespmem:v5+s24+$0x0] =	vst.idx.add.f32.msk $0xffff, v13;
	v13 =	vmul.f32 v19, v6  }
0x9d: {  	[tilespmem:v3+s23+$0x0] =	vst.idx.add.f32.msk $0xffff, v17  }
0x9e: {  	[tilespmem:v3+s24+$0x0] =	vst.idx.add.f32.msk $0xffff, v14  }
0x9f: {  	[tilespmem:v2+s23+$0x0] =	vst.idx.add.f32.msk $0xffff, v15  }
.Ltmp3:
0xa0: {  	[tilespmem:v2+s24+$0x0] =	vst.idx.add.f32.msk $0xffff, v13;
	v13 =	vshll.u32 v18, $0x10;
	(pc) =	sbr.rel @p0 .LBB2_5-.Ltmp3, $4  }
0xa1: {  	v14 =	vand.u32 $0xFFFF0000, v18;
	v11 =	vld.idx.msk [tilespmem:v11+s21+$0x0], $0xffff;
	v13 =	vmul.f32 v13, v16  }
0xa2: {  	v14 =	vmul.f32 v14, v16;
	v10 =	vld.idx.msk [tilespmem:v10+s21+$0x0], $0xffff  }
0xa3: {  	[tilespmem:v12+s25+$0x0] =	vst.idx.add.f32.msk $0xffff, v13  }
0xa4: {  	s3 =	sadd.s32 $0x40, s3;
	[tilespmem:v12+s26+$0x0] =	vst.idx.add.f32.msk $0xffff, v14  }
0xa5: {  	_ =	sdelay $0x3  }
0xa6: {  	v4 =	vld.idx.msk [tilespmem:v4+s21+$0x0], $0xffff;
	v12 =	vshll.u32 v11, $0x10  }
0xa7: {  	v11 =	vand.u32 $0xFFFF0000, v11;
	v12 =	vmul.f32 v12, v9  }
0xa8: {  	v13 =	vshll.u32 v10, $0x10;
	v9 =	vmul.f32 v11, v9  }
0xa9: {  	v10 =	vand.u32 $0xFFFF0000, v10;
	v11 =	vmul.f32 v13, v7;
	[tilespmem:v5+s25+$0x0] =	vst.idx.add.f32.msk $0xffff, v12  }
0xaa: {  	p0 =	seq.s32 s30, $0x18;
	v7 =	vmul.f32 v10, v7;
	[tilespmem:v5+s26+$0x0] =	vst.idx.add.f32.msk $0xffff, v9  }
0xab: {  	s0 =	smul.u32 @!p0 $0x3200, s30;
	[tilespmem:v3+s25+$0x0] =	vst.idx.add.f32.msk $0xffff, v11;
	v5 =	vshll.u32 v4, $0x10  }
0xac: {  	[tilespmem:v3+s26+$0x0] =	vst.idx.add.f32.msk $0xffff, v7;
	v3 =	vand.u32 $0xFFFF0000, v4;
	v4 =	vmul.f32 v5, v6  }
0xad: {  	[tilespmem:v1+s26+$0x0] =	vst.idx.add.f32.msk $0xffff, v8;
	s0 =	sshrl.u32 @!p0 s0, $0x3;
	v1 =	vmul.f32 v3, v6  }
0xae: {  	s0 =	sadd.s32 @!p0 $0x640, s0;
	[tilespmem:v2+s25+$0x0] =	vst.idx.add.f32.msk $0xffff, v4  }
0xaf: {  	s31 =	simm.s32 @!p0 $0x0;
	s14 =	simm.s32 @!p0 $0xF000;
	s3 =	sadd.s32 @!p0 s4, s0;
	[tilespmem:v2+s26+$0x0] =	vst.idx.add.f32.msk $0xffff, v1  }
0xb0: {  	[tilespmem:s14], [sflag:$0x1] =	stream.linear.gather @!p0 [hbm4b:s3+s31], $0x1900, $0x38;
	[tilespmem:$0x15400] =	vst v63  }
0xb1: {  	s0 =	sadd.s32 @!p0 s1, s0;
	s3 =	simm.s32 @!p0 $0x10900  }
0xb2: {  	[tilespmem:s3], [sflag:$0x1] =	stream.linear.gather @!p0 [hbm4b:s0+s31], $0x1900, $0x38;
	[tilespmem:$0x15400] =	vst v63  }
0xb3: {  	_ =	swait.ge [sflag:s28], $0x1900  }
0xb4: {  	[sflag:s28] =	ssyncset.done $0x0  }
0xb5: {  	[sflag:s28] =	ssyncadd.s32 $0xFFFFE700  }
0xb6: {  	_ =	swait.ge [sflag:s28], $0x1900  }
0xb7: {  	[sflag:s28] =	ssyncset.done $0x0  }
0xb8: {  	s14 =	simm.s32 $0x12220;
	[sflag:s28] =	ssyncadd.s32 $0xFFFFE700  }
0xb9: {  	v1 =	vld [tilespmem:s14+$0x10]  }
0xba: {  	v3 =	vld [tilespmem:s14+$0xFFFFFFE0];
	_ =	sdelay $0x3  }
0xbb: {  	v2 =	vld [tilespmem:s14+$0xFFFFFFF0];
	v5 =	vshrl.u32 v1, $0xE  }
0xbc: {  	v7 =	vshrl.u32 v3, $0xE  }
0xbd: {  	v4 =	vld [tilespmem:s14+$0x0]  }
0xbe: {  	s3 =	simm.s32 $0x13B20  }
0xbf: {  	v10 =	vld [tilespmem:s3+$0x10]  }
0xc0: {  	v6 =	vshrl.u32 v2, $0xE;
	v9 =	vld.idx.msk [tilespmem:v5+s2+$0x0], $0xffff  }
0xc1: {  	v52 =	vld.idx.msk [tilespmem:v7+s2+$0x0], $0xffff  }
0xc2: {  	v14 =	vld [tilespmem:s3+$0xFFFFFFE0];
	v8 =	vshrl.u32 v4, $0xE  }
0xc3: {  	v16 =	vld [tilespmem:s3+$0xFFFFFFF0];
	v53 =	vand.u32 $0x3FFF, v1  }
0xc4: {  	v17 =	vld [tilespmem:s3+$0x0];
	v3 =	vand.u32 $0x3FFF, v3  }
0xc5: {  	s31 =	simm.s32 $0x13B60;
	v11 =	vld.idx.msk [tilespmem:v6+s2+$0x0], $0xffff;
	v1 =	vshll.u32 v9, $0x10  }
0xc6: {  	v61 =	vld [tilespmem:s31+$0x10];
	v18 =	vshll.u32 v52, $0x10;
	v1 =	vmul.f32 v1, v10  }
0xc7: {  	v15 =	vld.idx.msk [tilespmem:v8+s2+$0x0], $0xffff;
	v9 =	vand.u32 $0xFFFF0000, v9;
	v18 =	vmul.f32 v18, v14  }
0xc8: {  	v2 =	vand.u32 $0x3FFF, v2;
	v9 =	vmul.f32 v9, v10;
	[tilespmem:v53+s23+$0x0] =	vst.idx.add.f32.msk $0xffff, v1  }
0xc9: {  	v12 =	vand.u32 $0xFFFF0000, v52;
	[tilespmem:v3+s23+$0x0] =	vst.idx.add.f32.msk $0xffff, v18  }
0xca: {  	v1 =	vand.u32 $0x3FFF, v4;
	v4 =	vshll.u32 v11, $0x10;
	[tilespmem:v53+s24+$0x0] =	vst.idx.add.f32.msk $0xffff, v9;
	v9 =	vmul.f32 v12, v14  }
0xcb: {  	v11 =	vand.u32 $0xFFFF0000, v11;
	v4 =	vmul.f32 v4, v16;
	v5 =	vld.idx.msk [tilespmem:v5+s21+$0x0], $0xffff  }
0xcc: {  	v54 =	vshll.u32 v15, $0x10;
	v11 =	vmul.f32 v11, v16;
	[tilespmem:v3+s24+$0x0] =	vst.idx.add.f32.msk $0xffff, v9  }
0xcd: {  	v12 =	vmul.f32 v54, v17;
	v9 =	vand.u32 $0xFFFF0000, v15;
	[tilespmem:v2+s23+$0x0] =	vst.idx.add.f32.msk $0xffff, v4  }
0xce: {  	v4 =	vmul.f32 v9, v17;
	[tilespmem:v2+s24+$0x0] =	vst.idx.add.f32.msk $0xffff, v11  }
0xcf: {  	[tilespmem:v1+s23+$0x0] =	vst.idx.add.f32.msk $0xffff, v12  }
0xd0: {  	[tilespmem:v1+s24+$0x0] =	vst.idx.add.f32.msk $0xffff, v4;
	v4 =	vshll.u32 v5, $0x10  }
0xd1: {  	v7 =	vld.idx.msk [tilespmem:v7+s21+$0x0], $0xffff;
	v4 =	vmul.f32 v4, v10  }
0xd2: {  	v6 =	vld.idx.msk [tilespmem:v6+s21+$0x0], $0xffff  }
0xd3: {  	s14 =	simm.s32 $0x12260;
	v5 =	vand.u32 $0xFFFF0000, v5;
	[tilespmem:v53+s25+$0x0] =	vst.idx.add.f32.msk $0xffff, v4  }
0xd4: {  	v4 =	vmul.f32 v5, v10;
	v5 =	vld [tilespmem:s14+$0x10]  }
0xd5: {  	v9 =	vld [tilespmem:s14+$0xFFFFFFF0]  }
0xd6: {  	v10 =	vld [tilespmem:s14+$0xFFFFFFE0]  }
0xd7: {  	v11 =	vld [tilespmem:s14+$0x0];
	v55 =	vshll.u32 v6, $0x10  }
0xd8: {  	v56 =	vld.idx.msk [tilespmem:v8+s21+$0x0], $0xffff;
	v8 =	vmul.f32 v55, v16  }
0xd9: {  	v6 =	vand.u32 $0xFFFF0000, v6;
	[tilespmem:v53+s26+$0x0] =	vst.idx.add.f32.msk $0xffff, v4;
	v57 =	vshrl.u32 v5, $0xE  }
0xda: {  	v6 =	vmul.f32 v6, v16;
	v4 =	vshll.u32 v7, $0x10;
	[tilespmem:v2+s25+$0x0] =	vst.idx.add.f32.msk $0xffff, v8  }
0xdb: {  	v4 =	vmul.f32 v4, v14;
	v8 =	vld [tilespmem:s31+$0xFFFFFFE0];
	v59 =	vshrl.u32 v10, $0xE  }
0xdc: {  	v58 =	vshrl.u32 v9, $0xE;
	v7 =	vand.u32 $0xFFFF0000, v7;
	[tilespmem:v2+s26+$0x0] =	vst.idx.add.f32.msk $0xffff, v6  }
0xdd: {  	v7 =	vmul.f32 v7, v14;
	[tilespmem:v3+s25+$0x0] =	vst.idx.add.f32.msk $0xffff, v4  }
0xde: {  	v2 =	vld.idx.msk [tilespmem:v57+s2+$0x0], $0xffff  }
0xdf: {  	[tilespmem:v3+s26+$0x0] =	vst.idx.add.f32.msk $0xffff, v7  }
0xe0: {  	v4 =	vshrl.u32 v11, $0xE;
	v3 =	vld.idx.msk [tilespmem:v59+s2+$0x0], $0xffff  }
0xe1: {  	v60 =	vld.idx.msk [tilespmem:v58+s2+$0x0], $0xffff;
	v20 =	vand.u32 $0x3FFF, v5;
	v5 =	vshll.u32 v56, $0x10  }
0xe2: {  	v6 =	vld [tilespmem:s31+$0x0];
	v21 =	vmul.f32 v5, v17  }
0xe3: {  	v7 =	vld [tilespmem:s31+$0xFFFFFFF0];
	v5 =	vand.u32 $0x3FFF, v10;
	v22 =	vshll.u32 v2, $0x10  }
0xe4: {  	[tilespmem:v1+s25+$0x0] =	vst.idx.add.f32.msk $0xffff, v21;
	v2 =	vand.u32 $0xFFFF0000, v2;
	v10 =	vmul.f32 v22, v61  }
0xe5: {  	v19 =	vld.idx.msk [tilespmem:v4+s2+$0x0], $0xffff;
	v62 =	vmul.f32 v2, v61;
	v2 =	vand.u32 $0x3FFF, v9;
	v9 =	vshll.u32 v3, $0x10  }
0xe6: {  	v9 =	vmul.f32 v9, v8;
	[tilespmem:v20+s23+$0x0] =	vst.idx.add.f32.msk $0xffff, v10  }
0xe7: {  	v10 =	vand.u32 $0xFFFF0000, v3;
	[tilespmem:v20+s24+$0x0] =	vst.idx.add.f32.msk $0xffff, v62  }
0xe8: {  	v3 =	vand.u32 $0x3FFF, v11;
	v11 =	vshll.u32 v60, $0x10;
	v10 =	vmul.f32 v10, v8;
	[tilespmem:v5+s23+$0x0] =	vst.idx.add.f32.msk $0xffff, v9  }
0xe9: {  	v16 =	vand.u32 $0xFFFF0000, v60;
	v11 =	vmul.f32 v11, v7;
	v14 =	vld.idx.msk [tilespmem:v57+s21+$0x0], $0xffff  }
0xea: {  	v16 =	vmul.f32 v16, v7;
	[tilespmem:v5+s24+$0x0] =	vst.idx.add.f32.msk $0xffff, v10  }
0xeb: {  	v9 =	vshll.u32 v19, $0x10;
	[tilespmem:v2+s23+$0x0] =	vst.idx.add.f32.msk $0xffff, v11  }
0xec: {  	v9 =	vmul.f32 v9, v6;
	v10 =	vand.u32 $0xFFFF0000, v19;
	[tilespmem:v2+s24+$0x0] =	vst.idx.add.f32.msk $0xffff, v16  }
0xed: {  	v10 =	vmul.f32 v10, v6;
	v11 =	vld.idx.msk [tilespmem:v59+s21+$0x0], $0xffff  }
0xee: {  	[tilespmem:v3+s23+$0x0] =	vst.idx.add.f32.msk $0xffff, v9;
	v9 =	vshll.u32 v14, $0x10  }
0xef: {  	[tilespmem:v3+s24+$0x0] =	vst.idx.add.f32.msk $0xffff, v10;
	v14 =	vand.u32 $0xFFFF0000, v14;
	v9 =	vmul.f32 v9, v61  }
0xf0: {  	v10 =	vld.idx.msk [tilespmem:v58+s21+$0x0], $0xffff;
	v63 =	vmul.f32 v14, v61  }
0xf1: {  	v13 =	vand.u32 $0xFFFF0000, v56;
	[tilespmem:v20+s25+$0x0] =	vst.idx.add.f32.msk $0xffff, v9  }
0xf2: {  	s0 =	simm.s32 $0x4;
	s3 =	simm.s32 $0x122A0;
	v9 =	vmul.f32 v13, v17;
	[tilespmem:v20+s26+$0x0] =	vst.idx.add.f32.msk $0xffff, v63  }
.LBB2_7:
0xf3: {  	v12 =	vld [tilespmem:s3+$0x10]  }
0xf4: {  	v13 =	vld [tilespmem:s3+$0xFFFFFFF0]  }
0xf5: {  	s0 =	sadd.s32 $0x4, s0;
	v15 =	vshll.u32 v11, $0x10;
	v11 =	vand.u32 $0xFFFF0000, v11;
	v14 =	vld [tilespmem:s3+$0x0]  }
0xf6: {  	p1 =	slt.u32 s0, $0x18C;
	v15 =	vmul.f32 v15, v8;
	v17 =	vshll.u32 v10, $0x10;
	v10 =	vand.u32 $0xFFFF0000, v10;
	v16 =	vld [tilespmem:s3+$0xFFFFFFE0]  }
0xf7: {  	v8 =	vmul.f32 v11, v8;
	v11 =	vmul.f32 v17, v7;
	v17 =	vld.idx.msk [tilespmem:v4+s21+$0x0], $0xffff  }
0xf8: {  	v7 =	vmul.f32 v10, v7;
	v18 =	vshrl.u32 v12, $0xE;
	[tilespmem:v5+s25+$0x0] =	vst.idx.add.f32.msk $0xffff, v15  }
0xf9: {  	v10 =	vshrl.u32 v13, $0xE;
	v13 =	vand.u32 $0x3FFF, v13;
	[tilespmem:v5+s26+$0x0] =	vst.idx.add.f32.msk $0xffff, v8  }
0xfa: {  	v4 =	vshrl.u32 v14, $0xE;
	v8 =	vand.u32 $0x3FFF, v14;
	[tilespmem:v2+s25+$0x0] =	vst.idx.add.f32.msk $0xffff, v11  }
0xfb: {  	v11 =	vshrl.u32 v16, $0xE;
	v5 =	vand.u32 $0x3FFF, v16;
	[tilespmem:v2+s26+$0x0] =	vst.idx.add.f32.msk $0xffff, v7;
	v2 =	vmov v13  }
0xfc: {  	[tilespmem:v1+s26+$0x0] =	vst.idx.add.f32.msk $0xffff, v9;
	v1 =	vmov v3;
	v3 =	vmov v8  }
0xfd: {  	v7 =	vshll.u32 v17, $0x10;
	v8 =	vand.u32 $0xFFFF0000, v17;
	v13 =	vld.idx.msk [tilespmem:v18+s2+$0x0], $0xffff  }
0xfe: {  	s31 =	sadd.s32 $0x40, s31;
	v15 =	vmul.f32 v7, v6;
	v9 =	vmul.f32 v8, v6;
	v14 =	vld.idx.msk [tilespmem:v10+s2+$0x0], $0xffff  }
0xff: {  	v16 =	vld [tilespmem:s31+$0x10]  }
0x100: {  	v17 =	vld.idx.msk [tilespmem:v11+s2+$0x0], $0xffff  }
0x101: {  	v12 =	vand.u32 $0x3FFF, v12;
	v19 =	vld.idx.msk [tilespmem:v4+s2+$0x0], $0xffff  }
0x102: {  	v8 =	vld [tilespmem:s31+$0xFFFFFFE0]  }
0x103: {  	v20 =	vshll.u32 v13, $0x10;
	v7 =	vld [tilespmem:s31+$0xFFFFFFF0]  }
0x104: {  	v13 =	vand.u32 $0xFFFF0000, v13;
	v21 =	vshll.u32 v14, $0x10;
	v6 =	vld [tilespmem:s31+$0x0];
	v20 =	vmul.f32 v20, v16  }
0x105: {  	v14 =	vand.u32 $0xFFFF0000, v14;
	v13 =	vmul.f32 v13, v16;
	[tilespmem:v1+s25+$0x0] =	vst.idx.add.f32.msk $0xffff, v15  }
0x106: {  	v15 =	vshll.u32 v17, $0x10;
	v17 =	vand.u32 $0xFFFF0000, v17;
	[tilespmem:v12+s23+$0x0] =	vst.idx.add.f32.msk $0xffff, v20  }
0x107: {  	v20 =	vshll.u32 v19, $0x10;
	v19 =	vand.u32 $0xFFFF0000, v19;
	v15 =	vmul.f32 v15, v8;
	[tilespmem:v12+s24+$0x0] =	vst.idx.add.f32.msk $0xffff, v13  }
0x108: {  	v13 =	vmul.f32 v17, v8;
	v17 =	vmul.f32 v21, v7;
	v18 =	vld.idx.msk [tilespmem:v18+s21+$0x0], $0xffff  }
0x109: {  	v14 =	vmul.f32 v14, v7;
	[tilespmem:v5+s23+$0x0] =	vst.idx.add.f32.msk $0xffff, v15;
	v15 =	vmul.f32 v20, v6  }
0x10a: {  	[tilespmem:v5+s24+$0x0] =	vst.idx.add.f32.msk $0xffff, v13;
	v13 =	vmul.f32 v19, v6  }
0x10b: {  	[tilespmem:v2+s23+$0x0] =	vst.idx.add.f32.msk $0xffff, v17  }
0x10c: {  	[tilespmem:v2+s24+$0x0] =	vst.idx.add.f32.msk $0xffff, v14  }
0x10d: {  	[tilespmem:v3+s23+$0x0] =	vst.idx.add.f32.msk $0xffff, v15  }
.Ltmp4:
0x10e: {  	[tilespmem:v3+s24+$0x0] =	vst.idx.add.f32.msk $0xffff, v13;
	v13 =	vshll.u32 v18, $0x10;
	(pc) =	sbr.rel @p1 .LBB2_7-.Ltmp4, $4  }
0x10f: {  	v14 =	vand.u32 $0xFFFF0000, v18;
	v11 =	vld.idx.msk [tilespmem:v11+s21+$0x0], $0xffff;
	v13 =	vmul.f32 v13, v16  }
0x110: {  	v14 =	vmul.f32 v14, v16;
	v10 =	vld.idx.msk [tilespmem:v10+s21+$0x0], $0xffff  }
0x111: {  	[tilespmem:v12+s25+$0x0] =	vst.idx.add.f32.msk $0xffff, v13  }
0x112: {  	s3 =	sadd.s32 $0x40, s3;
	[tilespmem:v12+s26+$0x0] =	vst.idx.add.f32.msk $0xffff, v14  }
0x113: {  	_ =	sdelay $0x3  }
0x114: {  	v4 =	vld.idx.msk [tilespmem:v4+s21+$0x0], $0xffff  }
0x115: {  	v12 =	vshll.u32 v11, $0x10  }
0x116: {  	v12 =	vmul.f32 v12, v8;
	v13 =	vshll.u32 v10, $0x10  }
0x117: {  	[tilespmem:v1+s26+$0x0] =	vst.idx.add.f32.msk $0xffff, v9;
	v59 =	vand.u32 $0xFFFF0000, v10;
	v60 =	vmul.f32 v13, v7  }
0x118: {  	v57 =	vand.u32 $0xFFFF0000, v11;
	v61 =	vmul.f32 v59, v7;
	[tilespmem:v5+s25+$0x0] =	vst.idx.add.f32.msk $0xffff, v12  }
.Ltmp5:
0x119: {  	v58 =	vmul.f32 v57, v8;
	[tilespmem:v2+s25+$0x0] =	vst.idx.add.f32.msk $0xffff, v60;
	v62 =	vshll.u32 v4, $0x10;
	(pc) =	sbr.rel @p0 .LBB2_10-.Ltmp5, $4  }
0x11a: {  	[tilespmem:v2+s26+$0x0] =	vst.idx.add.f32.msk $0xffff, v61;
	v2 =	vand.u32 $0xFFFF0000, v4;
	v63 =	vmul.f32 v62, v6  }
0x11b: {  	[tilespmem:v5+s26+$0x0] =	vst.idx.add.f32.msk $0xffff, v58;
	v1 =	vmul.f32 v2, v6  }
0x11c: {  	[tilespmem:v3+s25+$0x0] =	vst.idx.add.f32.msk $0xffff, v63  }
0x11d: {  	[tilespmem:v3+s26+$0x0] =	vst.idx.add.f32.msk $0xffff, v1  }
0x11e: {  	s0 =	smul.u32 $0x3200, s30;
	_ =	sdelay $0x1  }
0x11f: {  	s0 =	sshrl.u32 s0, $0x3  }
.Ltmp6:
0x120: {  	s0 =	sadd.s32 $0x960, s0;
	(pc) =	sbr.rel .LBB2_4-.Ltmp6, $4  }
0x121: {  	s3 =	sadd.s32 s4, s0  }
0x122: {  	[tilespmem:s16], [sflag:$0x2] =	stream.linear.gather [hbm4b:s3+s2], $0x1900, $0x38;
	[tilespmem:$0x15400] =	vst v63  }
0x123: {  	s30 =	sadd.s32 $0x1, s30;
	s0 =	sadd.s32 s1, s0  }
0x124: {  	[tilespmem:s17], [sflag:$0x2] =	stream.linear.gather [hbm4b:s0+s2], $0x1900, $0x38;
	[tilespmem:$0x15400] =	vst v63  }
.LBB2_11:
0x125: {  	_ =	sfence.sel $0x180000  }
0x126: {  	[bflag:$0x0] =	sbarrier.arrive $0xFFFF  }
0x127: {  	_ =	strace $0x90000047  }
0x128: {  	s0 =	stileid.u32;
	[bflag:$0x2] =	sbarrier.arrive $0xFFFF  }
0x129: {  	p0 =	sne.s32 s0, $0x0;
	s0 =	rddreg [dreg:$0x2]  }
0x12a: {  	s0 =	sadd.s32 @!p0 $0x100000, s0  }
0x12b: {  	[sflag:s0] =	ssyncadd.tile.s32 @!p0 $0x1;
	_ =	shalt  }
.Lfunc_end2:
_tile_overlayer_lowered:
.L_overlay_start_2:
0x12c: {  	(tag) =	ssettag $0x2  }
0x12d: {  	s0 =	rddreg [dreg:$0x0];
	s2 =	stileid.u32  }
0x12e: {  	s1 =	rddreg [dreg:$0x1];
	p0 =	sne.s32 s2, $0x0  }
0x12f: {  	s3 =	rddreg [dreg:$0x2];
	[bflag:$0x3] =	sbarrier.arrive $0xFFFF;
	s2 =	simm.s32 @!p0 $0x1C03  }
0x130: {  	[timem:s3], [sflag:s2] =	dma.local @!p0 [hbm:s0], s1  }
0x131: {  	s0 =	simm.s32 @!p0 $0x3  }
0x132: {  	_ =	swait.ge @!p0 [sflag:s0], s1  }
0x133: {  	s1 =	ssub.s32 @!p0 $0x0, s1;
	[sflag:s0] =	ssyncset.done @!p0 $0x0  }
0x134: {  	[sflag:s0] =	ssyncadd.s32 @!p0 s1  }
0x135: {  	[bflag:$0x3] =	sbarrier.arrive $0xFFFF  }
0x136: {  	_ =	shalt  }

</sc_bundles>
